<compile_context>
chip_gen: v7x
topology: tpu7x:2x2x1
jax: 0.10.2.dev20260603
libtpu: 0.0.44.dev20260713+nightly
codegen_flags: <defaults>
</compile_context>

<pallas_src>
import functools

import jax
import jax.numpy as jnp
from jax import lax
from jax.experimental import pallas as pl
from jax.experimental.pallas import tpu as pltpu
from jax.experimental.pallas import tpu_sc as plsc

_MAXV = 100000
_D = 64
_P = 112
_PP = 113


@functools.partial(jax.jit, static_argnums=(2, 3))
def _bow_gather(idx, table, B, HW):
    info = plsc.get_sparse_core_info()
    NC, NS = info.num_cores, info.num_subcores
    NW = NC * NS
    bpw = B // NW
    cpb = HW // _P
    nchunks = bpw * cpb

    mesh = plsc.VectorSubcoreMesh(core_axis_name="c", subcore_axis_name="s")

    @functools.partial(
        pl.kernel,
        mesh=mesh,
        compiler_params=pltpu.CompilerParams(
            use_tc_tiling_on_sc=False, needs_layout_passes=False
        ),
        out_type=jax.ShapeDtypeStruct((B, _D, HW), jnp.float32),
        scratch_types=[
            pltpu.VMEM((bpw * 3 * HW,), jnp.int32),
            pltpu.VMEM((3, 3, _P, _D), jnp.float32),
            pltpu.VMEM((3, _D, _PP), jnp.float32),
            (pltpu.SemaphoreType.DMA,) * 3,
            (pltpu.SemaphoreType.DMA,) * 3,
        ],
    )
    def k(idx_hbm, table_hbm, out_hbm, idx_v, rows_v, out_v, gsems, osems):
        wid = lax.axis_index("s") * NC + lax.axis_index("c")
        iota = lax.iota(jnp.int32, 16)

        pltpu.sync_copy(idx_hbm.at[pl.ds(wid * bpw * 3 * HW, bpw * 3 * HW)], idx_v)

        def chunk_off(t):
            bl = t // cpb
            off = (t % cpb) * _P
            return bl * 3 * HW + off, bl, off

        def fire_gathers(t, slot):
            base, _, _ = chunk_off(t)
            for c in range(3):
                pltpu.async_copy(
                    table_hbm.at[idx_v.at[pl.ds(base + c * HW, _P)]],
                    rows_v.at[slot, c],
                    gsems[slot],
                )

        def wait_gathers(slot):
            for c in range(3):
                pltpu.make_async_copy(
                    table_hbm.at[idx_v.at[pl.ds(0, _P)]],
                    rows_v.at[slot, c],
                    gsems[slot],
                ).wait()

        def out_dma(t, slot):
            _, bl, off = chunk_off(t)
            b = wid * bpw + bl
            return pltpu.make_async_copy(
                out_v.at[slot, :, pl.ds(0, _P)],
                out_hbm.at[b, :, pl.ds(off, _P)],
                osems[slot],
            )

        fire_gathers(0, 0)
        fire_gathers(1, 1)
        fire_gathers(2, 2)

        dvecs = [iota + gd * 16 for gd in range(_D // 16)]

        def step(j, _):
            for slot in (0, 1, 2):
                t = 3 * j + slot
                wait_gathers(slot)

                @pl.when(t >= 3)
                def _():
                    out_dma(t - 3, slot).wait()

                @plsc.parallel_loop(0, _P, 1, unroll=4)
                def p_body(p):
                    psel = jnp.full((16,), p, jnp.int32)
                    for gd in range(_D // 16):
                        sl = pl.ds(gd * 16, 16)
                        v = (
                            rows_v[slot, 0, p, sl]
                            + rows_v[slot, 1, p, sl]
                            + rows_v[slot, 2, p, sl]
                        )
                        plsc.store_scatter(
                            out_v.at[slot], [dvecs[gd], psel], v
                        )
                out_dma(t, slot).start()

                @pl.when(t + 3 < nchunks)
                def _():
                    fire_gathers(t + 3, slot)
            return 0

        nfull = nchunks // 3
        lax.fori_loop(0, nfull, step, 0)
        for t in range(3 * nfull, nchunks):
            slot = t % 3
            wait_gathers(slot)
            out_dma(t - 3, slot).wait()

            @plsc.parallel_loop(0, _P, 1, unroll=4)
            def p_body(p, slot=slot):
                psel = jnp.full((16,), p, jnp.int32)
                for gd in range(_D // 16):
                    sl = pl.ds(gd * 16, 16)
                    v = (
                        rows_v[slot, 0, p, sl]
                        + rows_v[slot, 1, p, sl]
                        + rows_v[slot, 2, p, sl]
                    )
                    plsc.store_scatter(out_v.at[slot], [dvecs[gd], psel], v)

            out_dma(t, slot).start()
        for t in range(nchunks - 3, nchunks):
            out_dma(t, t % 3).wait()

    return k(idx, table)


def kernel(inputs, table):
    B, C, H, W = inputs.shape
    HW = H * W
    offsets = jnp.arange(C, dtype=jnp.int32) * _MAXV
    idx = (inputs + offsets[None, :, None, None]).reshape(B * C * HW)
    out = _bow_gather(idx, table, B, HW)
    return out.reshape(B, _D, H, W)

# --- scband reference (transcript-rebuilt; emitter-appended) ---
"""Pipeline reference for scband-image-bowembedding-59648505807424 (READ-ONLY COPY).

The authoritative reference and input builder live on the scoring server;
editing this copy changes nothing except your own understanding.
"""

import jax, jax.numpy as jnp
import numpy as np

MAX_VALUE = 100000
EMBED_DIM = 64

def setup_inputs(seed: int = 0) -> dict:
    key = jax.random.key(seed)
    k1, k2 = jax.random.split(key)
    inputs = jax.random.randint(k1, (128, 3, 28, 28), 0, MAX_VALUE, dtype=jnp.int32)
    table = jax.random.normal(k2, (3 * MAX_VALUE, EMBED_DIM), dtype=jnp.float32)
    return {"inputs": inputs, "table": table}

def reference(inputs, table):
    # offsets shift each of the 3 channels into its own region of the table
    offsets = jnp.array([0, MAX_VALUE, 2 * MAX_VALUE], dtype=jnp.int32)
    idx = inputs + offsets[None, :, None, None]          # [B, 3, H, W]
    emb = jnp.take(table, idx, axis=0)                   # [B, 3, H, W, D] gather
    summed = emb.sum(axis=1)                             # [B, H, W, D] bag-of-words sum
    out = jnp.transpose(summed, (0, 3, 1, 2))            # [B, D, H, W]
    return out

if __name__ == "__main__":
    import jax
    _d = setup_inputs()
    print(jax.jit(kernel)(*tuple(_d.values())))

</pallas_src>

<mosaic_0001>
#map = affine_map<(d0, d1) -> (0)>
#map1 = affine_map<(d0, d1) -> (0, 0)>
#map2 = affine_map<(d0, d1) -> (0, 0, 0)>
module attributes {stable_mosaic.version = 14 : i64} {
  func.func @k(%arg0: i32, %arg1: i32, %arg2: memref<301056xi32, #tpu.memory_space<hbm>>, %arg3: memref<300000x64xf32, #tpu.memory_space<hbm>>, %arg4: memref<128x64x784xf32, #tpu.memory_space<hbm>>, %arg5: memref<9408xi32, #tpu.memory_space<vmem>>, %arg6: memref<3x3x112x64xf32, #tpu.memory_space<vmem>>, %arg7: memref<3x64x113xf32, #tpu.memory_space<vmem>>, %arg8: memref<!tpu.dma_semaphore, #tpu.memory_space<semaphore_mem>>, %arg9: memref<!tpu.dma_semaphore, #tpu.memory_space<semaphore_mem>>, %arg10: memref<!tpu.dma_semaphore, #tpu.memory_space<semaphore_mem>>, %arg11: memref<!tpu.dma_semaphore, #tpu.memory_space<semaphore_mem>>, %arg12: memref<!tpu.dma_semaphore, #tpu.memory_space<semaphore_mem>>, %arg13: memref<!tpu.dma_semaphore, #tpu.memory_space<semaphore_mem>>) attributes {dimension_semantics = [#tpu.dimension_semantics<core_parallel>, #tpu.dimension_semantics<subcore_parallel>], iteration_bounds = array<i64: 2, 16>, scalar_prefetch = 0 : i64, scratch_operands = 9 : i64, tpu.core_type = #tpu.core_type<sc_vector_subcore>, window_params = [{transform_indices = #map}, {transform_indices = #map1}, {transform_indices = #map2}]} {
    %mul3A = arith.constant 2 : i32
    %mul3A_0 = arith.muli %arg1, %mul3A : i32
    %add3A = arith.addi %mul3A_0, %arg0 : i32
    %iota3A = tpu.iota {dimensions = array<i32: 0>} : vector<16xi32>
    %mul3A_1 = arith.constant 4 : i32
    %mul3A_2 = arith.muli %add3A, %mul3A_1 : i32
    %mul3A_3 = arith.constant 3 : i32
    %mul3A_4 = arith.muli %mul3A_2, %mul3A_3 : i32
    %mul3A_5 = arith.constant 784 : i32
    %mul3A_6 = arith.muli %mul3A_4, %mul3A_5 : i32
    "tpu.region"() ({
      %run_scoped3A = tpu.sem_alloc : memref<!tpu.dma_semaphore, #tpu.memory_space<semaphore_mem>>
      %dma_start3A_262 = tpu.memref_slice %arg2[%mul3A_6] : memref<301056xi32, #tpu.memory_space<hbm>> -> memref<9408xi32, #tpu.memory_space<hbm>>
      %dma_start3A_263 = tpu.memref_slice %arg2[%mul3A_6] : memref<301056xi32, #tpu.memory_space<hbm>> -> memref<9408xi32, #tpu.memory_space<hbm>>
      tpu.enqueue_dma source(%dma_start3A_263 : memref<9408xi32, #tpu.memory_space<hbm>>) target(%arg5 : memref<9408xi32, #tpu.memory_space<vmem>>) target_semaphore(%run_scoped3A : memref<!tpu.dma_semaphore, #tpu.memory_space<semaphore_mem>>)
      %dma_wait3A_264 = tpu.memref_slice %arg2[%mul3A_6] : memref<301056xi32, #tpu.memory_space<hbm>> -> memref<9408xi32, #tpu.memory_space<hbm>>
      %dma_wait3A_265 = tpu.memref_slice %arg2[%mul3A_6] : memref<301056xi32, #tpu.memory_space<hbm>> -> memref<9408xi32, #tpu.memory_space<hbm>>
      tpu.wait_dma2 semaphore(%run_scoped3A : memref<!tpu.dma_semaphore, #tpu.memory_space<semaphore_mem>>) src(%dma_wait3A_265 : memref<9408xi32, #tpu.memory_space<hbm>>) dst(%arg5 : memref<9408xi32, #tpu.memory_space<vmem>>)
      tpu.yield
    }) : () -> ()
    %dma_start3A = arith.constant 0 : i32
    %dma_start3A_7 = arith.constant 0 : i32
    %dma_start3A_8 = arith.constant 0 : i32
    %dma_start3A_9 = arith.constant 0 : i32
    %dma_start3A_10 = tpu.memref_slice %arg6[%dma_start3A, %dma_start3A_7, %dma_start3A_8, %dma_start3A_9] : memref<3x3x112x64xf32, #tpu.memory_space<vmem>> -> memref<1x1x112x64xf32, #tpu.memory_space<vmem>>
    %dma_start3A_11 = tpu.memref_squeeze %dma_start3A_10 : memref<1x1x112x64xf32, #tpu.memory_space<vmem>> -> memref<112x64xf32, #tpu.memory_space<vmem>>
    %dma_start3A_12 = arith.constant 0 : i32
    %dma_start3A_13 = tpu.memref_slice %arg5[%dma_start3A_12] : memref<9408xi32, #tpu.memory_space<vmem>> -> memref<112xi32, #tpu.memory_space<vmem>>
    %dma_start3A_14 = arith.constant 0 : i32
    %dma_start3A_15 = arith.constant 0 : i32
    %dma_start3A_16 = tpu.memref_slice %arg3[%dma_start3A_14, %dma_start3A_15] : memref<300000x64xf32, #tpu.memory_space<hbm>> -> memref<300000x64xf32, #tpu.memory_space<hbm>>
    tpu.enqueue_indirect_dma source(%dma_start3A_16 : memref<300000x64xf32, #tpu.memory_space<hbm>>) target(%dma_start3A_11 : memref<112x64xf32, #tpu.memory_space<vmem>>) offsets(%dma_start3A_13 : memref<112xi32, #tpu.memory_space<vmem>>) semaphore(%arg8 : memref<!tpu.dma_semaphore, #tpu.memory_space<semaphore_mem>>)
    %dma_start3A_17 = arith.constant 0 : i32
    %dma_start3A_18 = arith.constant 1 : i32
    %dma_start3A_19 = arith.constant 0 : i32
    %dma_start3A_20 = arith.constant 0 : i32
    %dma_start3A_21 = tpu.memref_slice %arg6[%dma_start3A_17, %dma_start3A_18, %dma_start3A_19, %dma_start3A_20] : memref<3x3x112x64xf32, #tpu.memory_space<vmem>> -> memref<1x1x112x64xf32, #tpu.memory_space<vmem>>
    %dma_start3A_22 = tpu.memref_squeeze %dma_start3A_21 : memref<1x1x112x64xf32, #tpu.memory_space<vmem>> -> memref<112x64xf32, #tpu.memory_space<vmem>>
    %dma_start3A_23 = arith.constant 784 : i32
    %dma_start3A_24 = tpu.memref_slice %arg5[%dma_start3A_23] : memref<9408xi32, #tpu.memory_space<vmem>> -> memref<112xi32, #tpu.memory_space<vmem>>
    %dma_start3A_25 = arith.constant 0 : i32
    %dma_start3A_26 = arith.constant 0 : i32
    %dma_start3A_27 = tpu.memref_slice %arg3[%dma_start3A_25, %dma_start3A_26] : memref<300000x64xf32, #tpu.memory_space<hbm>> -> memref<300000x64xf32, #tpu.memory_space<hbm>>
    tpu.enqueue_indirect_dma source(%dma_start3A_27 : memref<300000x64xf32, #tpu.memory_space<hbm>>) target(%dma_start3A_22 : memref<112x64xf32, #tpu.memory_space<vmem>>) offsets(%dma_start3A_24 : memref<112xi32, #tpu.memory_space<vmem>>) semaphore(%arg8 : memref<!tpu.dma_semaphore, #tpu.memory_space<semaphore_mem>>)
    %dma_start3A_28 = arith.constant 0 : i32
    %dma_start3A_29 = arith.constant 2 : i32
    %dma_start3A_30 = arith.constant 0 : i32
    %dma_start3A_31 = arith.constant 0 : i32
    %dma_start3A_32 = tpu.memref_slice %arg6[%dma_start3A_28, %dma_start3A_29, %dma_start3A_30, %dma_start3A_31] : memref<3x3x112x64xf32, #tpu.memory_space<vmem>> -> memref<1x1x112x64xf32, #tpu.memory_space<vmem>>
    %dma_start3A_33 = tpu.memref_squeeze %dma_start3A_32 : memref<1x1x112x64xf32, #tpu.memory_space<vmem>> -> memref<112x64xf32, #tpu.memory_space<vmem>>
    %dma_start3A_34 = arith.constant 1568 : i32
    %dma_start3A_35 = tpu.memref_slice %arg5[%dma_start3A_34] : memref<9408xi32, #tpu.memory_space<vmem>> -> memref<112xi32, #tpu.memory_space<vmem>>
    %dma_start3A_36 = arith.constant 0 : i32
    %dma_start3A_37 = arith.constant 0 : i32
    %dma_start3A_38 = tpu.memref_slice %arg3[%dma_start3A_36, %dma_start3A_37] : memref<300000x64xf32, #tpu.memory_space<hbm>> -> memref<300000x64xf32, #tpu.memory_space<hbm>>
    tpu.enqueue_indirect_dma source(%dma_start3A_38 : memref<300000x64xf32, #tpu.memory_space<hbm>>) target(%dma_start3A_33 : memref<112x64xf32, #tpu.memory_space<vmem>>) offsets(%dma_start3A_35 : memref<112xi32, #tpu.memory_space<vmem>>) semaphore(%arg8 : memref<!tpu.dma_semaphore, #tpu.memory_space<semaphore_mem>>)
    %dma_start3A_39 = arith.constant 1 : i32
    %dma_start3A_40 = arith.constant 0 : i32
    %dma_start3A_41 = arith.constant 0 : i32
    %dma_start3A_42 = arith.constant 0 : i32
    %dma_start3A_43 = tpu.memref_slice %arg6[%dma_start3A_39, %dma_start3A_40, %dma_start3A_41, %dma_start3A_42] : memref<3x3x112x64xf32, #tpu.memory_space<vmem>> -> memref<1x1x112x64xf32, #tpu.memory_space<vmem>>
    %dma_start3A_44 = tpu.memref_squeeze %dma_start3A_43 : memref<1x1x112x64xf32, #tpu.memory_space<vmem>> -> memref<112x64xf32, #tpu.memory_space<vmem>>
    %dma_start3A_45 = arith.constant 112 : i32
    %dma_start3A_46 = tpu.memref_slice %arg5[%dma_start3A_45] : memref<9408xi32, #tpu.memory_space<vmem>> -> memref<112xi32, #tpu.memory_space<vmem>>
    %dma_start3A_47 = arith.constant 0 : i32
    %dma_start3A_48 = arith.constant 0 : i32
    %dma_start3A_49 = tpu.memref_slice %arg3[%dma_start3A_47, %dma_start3A_48] : memref<300000x64xf32, #tpu.memory_space<hbm>> -> memref<300000x64xf32, #tpu.memory_space<hbm>>
    tpu.enqueue_indirect_dma source(%dma_start3A_49 : memref<300000x64xf32, #tpu.memory_space<hbm>>) target(%dma_start3A_44 : memref<112x64xf32, #tpu.memory_space<vmem>>) offsets(%dma_start3A_46 : memref<112xi32, #tpu.memory_space<vmem>>) semaphore(%arg9 : memref<!tpu.dma_semaphore, #tpu.memory_space<semaphore_mem>>)
    %dma_start3A_50 = arith.constant 1 : i32
    %dma_start3A_51 = arith.constant 1 : i32
    %dma_start3A_52 = arith.constant 0 : i32
    %dma_start3A_53 = arith.constant 0 : i32
    %dma_start3A_54 = tpu.memref_slice %arg6[%dma_start3A_50, %dma_start3A_51, %dma_start3A_52, %dma_start3A_53] : memref<3x3x112x64xf32, #tpu.memory_space<vmem>> -> memref<1x1x112x64xf32, #tpu.memory_space<vmem>>
    %dma_start3A_55 = tpu.memref_squeeze %dma_start3A_54 : memref<1x1x112x64xf32, #tpu.memory_space<vmem>> -> memref<112x64xf32, #tpu.memory_space<vmem>>
    %dma_start3A_56 = arith.constant 896 : i32
    %dma_start3A_57 = tpu.memref_slice %arg5[%dma_start3A_56] : memref<9408xi32, #tpu.memory_space<vmem>> -> memref<112xi32, #tpu.memory_space<vmem>>
    %dma_start3A_58 = arith.constant 0 : i32
    %dma_start3A_59 = arith.constant 0 : i32
    %dma_start3A_60 = tpu.memref_slice %arg3[%dma_start3A_58, %dma_start3A_59] : memref<300000x64xf32, #tpu.memory_space<hbm>> -> memref<300000x64xf32, #tpu.memory_space<hbm>>
    tpu.enqueue_indirect_dma source(%dma_start3A_60 : memref<300000x64xf32, #tpu.memory_space<hbm>>) target(%dma_start3A_55 : memref<112x64xf32, #tpu.memory_space<vmem>>) offsets(%dma_start3A_57 : memref<112xi32, #tpu.memory_space<vmem>>) semaphore(%arg9 : memref<!tpu.dma_semaphore, #tpu.memory_space<semaphore_mem>>)
    %dma_start3A_61 = arith.constant 1 : i32
    %dma_start3A_62 = arith.constant 2 : i32
    %dma_start3A_63 = arith.constant 0 : i32
    %dma_start3A_64 = arith.constant 0 : i32
    %dma_start3A_65 = tpu.memref_slice %arg6[%dma_start3A_61, %dma_start3A_62, %dma_start3A_63, %dma_start3A_64] : memref<3x3x112x64xf32, #tpu.memory_space<vmem>> -> memref<1x1x112x64xf32, #tpu.memory_space<vmem>>
    %dma_start3A_66 = tpu.memref_squeeze %dma_start3A_65 : memref<1x1x112x64xf32, #tpu.memory_space<vmem>> -> memref<112x64xf32, #tpu.memory_space<vmem>>
    %dma_start3A_67 = arith.constant 1680 : i32
    %dma_start3A_68 = tpu.memref_slice %arg5[%dma_start3A_67] : memref<9408xi32, #tpu.memory_space<vmem>> -> memref<112xi32, #tpu.memory_space<vmem>>
    %dma_start3A_69 = arith.constant 0 : i32
    %dma_start3A_70 = arith.constant 0 : i32
    %dma_start3A_71 = tpu.memref_slice %arg3[%dma_start3A_69, %dma_start3A_70] : memref<300000x64xf32, #tpu.memory_space<hbm>> -> memref<300000x64xf32, #tpu.memory_space<hbm>>
    tpu.enqueue_indirect_dma source(%dma_start3A_71 : memref<300000x64xf32, #tpu.memory_space<hbm>>) target(%dma_start3A_66 : memref<112x64xf32, #tpu.memory_space<vmem>>) offsets(%dma_start3A_68 : memref<112xi32, #tpu.memory_space<vmem>>) semaphore(%arg9 : memref<!tpu.dma_semaphore, #tpu.memory_space<semaphore_mem>>)
    %dma_start3A_72 = arith.constant 2 : i32
    %dma_start3A_73 = arith.constant 0 : i32
    %dma_start3A_74 = arith.constant 0 : i32
    %dma_start3A_75 = arith.constant 0 : i32
    %dma_start3A_76 = tpu.memref_slice %arg6[%dma_start3A_72, %dma_start3A_73, %dma_start3A_74, %dma_start3A_75] : memref<3x3x112x64xf32, #tpu.memory_space<vmem>> -> memref<1x1x112x64xf32, #tpu.memory_space<vmem>>
    %dma_start3A_77 = tpu.memref_squeeze %dma_start3A_76 : memref<1x1x112x64xf32, #tpu.memory_space<vmem>> -> memref<112x64xf32, #tpu.memory_space<vmem>>
    %dma_start3A_78 = arith.constant 224 : i32
    %dma_start3A_79 = tpu.memref_slice %arg5[%dma_start3A_78] : memref<9408xi32, #tpu.memory_space<vmem>> -> memref<112xi32, #tpu.memory_space<vmem>>
    %dma_start3A_80 = arith.constant 0 : i32
    %dma_start3A_81 = arith.constant 0 : i32
    %dma_start3A_82 = tpu.memref_slice %arg3[%dma_start3A_80, %dma_start3A_81] : memref<300000x64xf32, #tpu.memory_space<hbm>> -> memref<300000x64xf32, #tpu.memory_space<hbm>>
    tpu.enqueue_indirect_dma source(%dma_start3A_82 : memref<300000x64xf32, #tpu.memory_space<hbm>>) target(%dma_start3A_77 : memref<112x64xf32, #tpu.memory_space<vmem>>) offsets(%dma_start3A_79 : memref<112xi32, #tpu.memory_space<vmem>>) semaphore(%arg10 : memref<!tpu.dma_semaphore, #tpu.memory_space<semaphore_mem>>)
    %dma_start3A_83 = arith.constant 2 : i32
    %dma_start3A_84 = arith.constant 1 : i32
    %dma_start3A_85 = arith.constant 0 : i32
    %dma_start3A_86 = arith.constant 0 : i32
    %dma_start3A_87 = tpu.memref_slice %arg6[%dma_start3A_83, %dma_start3A_84, %dma_start3A_85, %dma_start3A_86] : memref<3x3x112x64xf32, #tpu.memory_space<vmem>> -> memref<1x1x112x64xf32, #tpu.memory_space<vmem>>
    %dma_start3A_88 = tpu.memref_squeeze %dma_start3A_87 : memref<1x1x112x64xf32, #tpu.memory_space<vmem>> -> memref<112x64xf32, #tpu.memory_space<vmem>>
    %dma_start3A_89 = arith.constant 1008 : i32
    %dma_start3A_90 = tpu.memref_slice %arg5[%dma_start3A_89] : memref<9408xi32, #tpu.memory_space<vmem>> -> memref<112xi32, #tpu.memory_space<vmem>>
    %dma_start3A_91 = arith.constant 0 : i32
    %dma_start3A_92 = arith.constant 0 : i32
    %dma_start3A_93 = tpu.memref_slice %arg3[%dma_start3A_91, %dma_start3A_92] : memref<300000x64xf32, #tpu.memory_space<hbm>> -> memref<300000x64xf32, #tpu.memory_space<hbm>>
    tpu.enqueue_indirect_dma source(%dma_start3A_93 : memref<300000x64xf32, #tpu.memory_space<hbm>>) target(%dma_start3A_88 : memref<112x64xf32, #tpu.memory_space<vmem>>) offsets(%dma_start3A_90 : memref<112xi32, #tpu.memory_space<vmem>>) semaphore(%arg10 : memref<!tpu.dma_semaphore, #tpu.memory_space<semaphore_mem>>)
    %dma_start3A_94 = arith.constant 2 : i32
    %dma_start3A_95 = arith.constant 2 : i32
    %dma_start3A_96 = arith.constant 0 : i32
    %dma_start3A_97 = arith.constant 0 : i32
    %dma_start3A_98 = tpu.memref_slice %arg6[%dma_start3A_94, %dma_start3A_95, %dma_start3A_96, %dma_start3A_97] : memref<3x3x112x64xf32, #tpu.memory_space<vmem>> -> memref<1x1x112x64xf32, #tpu.memory_space<vmem>>
    %dma_start3A_99 = tpu.memref_squeeze %dma_start3A_98 : memref<1x1x112x64xf32, #tpu.memory_space<vmem>> -> memref<112x64xf32, #tpu.memory_space<vmem>>
    %dma_start3A_100 = arith.constant 1792 : i32
    %dma_start3A_101 = tpu.memref_slice %arg5[%dma_start3A_100] : memref<9408xi32, #tpu.memory_space<vmem>> -> memref<112xi32, #tpu.memory_space<vmem>>
    %dma_start3A_102 = arith.constant 0 : i32
    %dma_start3A_103 = arith.constant 0 : i32
    %dma_start3A_104 = tpu.memref_slice %arg3[%dma_start3A_102, %dma_start3A_103] : memref<300000x64xf32, #tpu.memory_space<hbm>> -> memref<300000x64xf32, #tpu.memory_space<hbm>>
    tpu.enqueue_indirect_dma source(%dma_start3A_104 : memref<300000x64xf32, #tpu.memory_space<hbm>>) target(%dma_start3A_99 : memref<112x64xf32, #tpu.memory_space<vmem>>) offsets(%dma_start3A_101 : memref<112xi32, #tpu.memory_space<vmem>>) semaphore(%arg10 : memref<!tpu.dma_semaphore, #tpu.memory_space<semaphore_mem>>)
    %add3A_105 = arith.constant 0 : i32
    %add3A_106 = vector.broadcast %add3A_105 : i32 to vector<16xi32>
    %add3A_107 = arith.addi %iota3A, %add3A_106 : vector<16xi32>
    %add3A_108 = arith.constant 16 : i32
    %add3A_109 = vector.broadcast %add3A_108 : i32 to vector<16xi32>
    %add3A_110 = arith.addi %iota3A, %add3A_109 : vector<16xi32>
    %add3A_111 = arith.constant 32 : i32
    %add3A_112 = vector.broadcast %add3A_111 : i32 to vector<16xi32>
    %add3A_113 = arith.addi %iota3A, %add3A_112 : vector<16xi32>
    %add3A_114 = arith.constant 48 : i32
    %add3A_115 = vector.broadcast %add3A_114 : i32 to vector<16xi32>
    %add3A_116 = arith.addi %iota3A, %add3A_115 : vector<16xi32>
    %scan3A = arith.constant 0 : i32
    %scan3A_117 = arith.constant 0 : i32
    %scan3A_118 = arith.constant 9 : i32
    %scan3A_119 = arith.addi %scan3A_117, %scan3A_118 : i32
    %scan3A_120 = arith.constant 1 : i32
    %scan3A_121 = scf.for %scan3A_262 = %scan3A_117 to %scan3A_119 step %scan3A_120 iter_args(%scan3A_263 = %scan3A) -> (i32)  : i32 {
      %mul3A_264 = arith.constant 3 : i32
      %mul3A_265 = arith.muli %mul3A_264, %scan3A_262 : i32
      %add3A_266 = arith.constant 0 : i32
      %add3A_267 = arith.addi %mul3A_265, %add3A_266 : i32
      %dma_wait3A_268 = arith.constant 0 : i32
      %dma_wait3A_269 = arith.constant 0 : i32
      %dma_wait3A_270 = arith.constant 0 : i32
      %dma_wait3A_271 = arith.constant 0 : i32
      %dma_wait3A_272 = tpu.memref_slice %arg6[%dma_wait3A_268, %dma_wait3A_269, %dma_wait3A_270, %dma_wait3A_271] : memref<3x3x112x64xf32, #tpu.memory_space<vmem>> -> memref<1x1x112x64xf32, #tpu.memory_space<vmem>>
      %dma_wait3A_273 = tpu.memref_squeeze %dma_wait3A_272 : memref<1x1x112x64xf32, #tpu.memory_space<vmem>> -> memref<112x64xf32, #tpu.memory_space<vmem>>
      %dma_wait3A_274 = arith.constant 0 : i32
      %dma_wait3A_275 = tpu.memref_slice %arg5[%dma_wait3A_274] : memref<9408xi32, #tpu.memory_space<vmem>> -> memref<112xi32, #tpu.memory_space<vmem>>
      %dma_wait3A_276 = arith.constant 0 : i32
      %dma_wait3A_277 = arith.constant 0 : i32
      %dma_wait3A_278 = tpu.memref_slice %arg3[%dma_wait3A_276, %dma_wait3A_277] : memref<300000x64xf32, #tpu.memory_space<hbm>> -> memref<300000x64xf32, #tpu.memory_space<hbm>>
      tpu.wait_indirect_dma semaphore(%arg8 : memref<!tpu.dma_semaphore, #tpu.memory_space<semaphore_mem>>) src(%dma_wait3A_278 : memref<300000x64xf32, #tpu.memory_space<hbm>>) dst(%dma_wait3A_273 : memref<112x64xf32, #tpu.memory_space<vmem>>)
      %dma_wait3A_279 = arith.constant 0 : i32
      %dma_wait3A_280 = arith.constant 1 : i32
      %dma_wait3A_281 = arith.constant 0 : i32
      %dma_wait3A_282 = arith.constant 0 : i32
      %dma_wait3A_283 = tpu.memref_slice %arg6[%dma_wait3A_279, %dma_wait3A_280, %dma_wait3A_281, %dma_wait3A_282] : memref<3x3x112x64xf32, #tpu.memory_space<vmem>> -> memref<1x1x112x64xf32, #tpu.memory_space<vmem>>
      %dma_wait3A_284 = tpu.memref_squeeze %dma_wait3A_283 : memref<1x1x112x64xf32, #tpu.memory_space<vmem>> -> memref<112x64xf32, #tpu.memory_space<vmem>>
      %dma_wait3A_285 = arith.constant 0 : i32
      %dma_wait3A_286 = tpu.memref_slice %arg5[%dma_wait3A_285] : memref<9408xi32, #tpu.memory_space<vmem>> -> memref<112xi32, #tpu.memory_space<vmem>>
      %dma_wait3A_287 = arith.constant 0 : i32
      %dma_wait3A_288 = arith.constant 0 : i32
      %dma_wait3A_289 = tpu.memref_slice %arg3[%dma_wait3A_287, %dma_wait3A_288] : memref<300000x64xf32, #tpu.memory_space<hbm>> -> memref<300000x64xf32, #tpu.memory_space<hbm>>
      tpu.wait_indirect_dma semaphore(%arg8 : memref<!tpu.dma_semaphore, #tpu.memory_space<semaphore_mem>>) src(%dma_wait3A_289 : memref<300000x64xf32, #tpu.memory_space<hbm>>) dst(%dma_wait3A_284 : memref<112x64xf32, #tpu.memory_space<vmem>>)
      %dma_wait3A_290 = arith.constant 0 : i32
      %dma_wait3A_291 = arith.constant 2 : i32
      %dma_wait3A_292 = arith.constant 0 : i32
      %dma_wait3A_293 = arith.constant 0 : i32
      %dma_wait3A_294 = tpu.memref_slice %arg6[%dma_wait3A_290, %dma_wait3A_291, %dma_wait3A_292, %dma_wait3A_293] : memref<3x3x112x64xf32, #tpu.memory_space<vmem>> -> memref<1x1x112x64xf32, #tpu.memory_space<vmem>>
      %dma_wait3A_295 = tpu.memref_squeeze %dma_wait3A_294 : memref<1x1x112x64xf32, #tpu.memory_space<vmem>> -> memref<112x64xf32, #tpu.memory_space<vmem>>
      %dma_wait3A_296 = arith.constant 0 : i32
      %dma_wait3A_297 = tpu.memref_slice %arg5[%dma_wait3A_296] : memref<9408xi32, #tpu.memory_space<vmem>> -> memref<112xi32, #tpu.memory_space<vmem>>
      %dma_wait3A_298 = arith.constant 0 : i32
      %dma_wait3A_299 = arith.constant 0 : i32
      %dma_wait3A_300 = tpu.memref_slice %arg3[%dma_wait3A_298, %dma_wait3A_299] : memref<300000x64xf32, #tpu.memory_space<hbm>> -> memref<300000x64xf32, #tpu.memory_space<hbm>>
      tpu.wait_indirect_dma semaphore(%arg8 : memref<!tpu.dma_semaphore, #tpu.memory_space<semaphore_mem>>) src(%dma_wait3A_300 : memref<300000x64xf32, #tpu.memory_space<hbm>>) dst(%dma_wait3A_295 : memref<112x64xf32, #tpu.memory_space<vmem>>)
      %ge3A = arith.constant 3 : i32
      %ge3A_301 = arith.cmpi sge, %add3A_267, %ge3A : i32
      %convert_element_type3A = arith.extui %ge3A_301 : i1 to i32
      %cond3A = arith.constant 0 : i32
      %cond3A_302 = arith.cmpi ne, %convert_element_type3A, %cond3A : i32
      scf.if %cond3A_302 {
        %sub3A_603 = arith.constant 3 : i32
        %sub3A_604 = arith.subi %add3A_267, %sub3A_603 : i32
        %jit3A_605 = arith.constant 7 : i32
        %div3A_606 = arith.divsi %sub3A_604, %jit3A_605 : i32
        %sign3A_607 = arith.constant 0 : i32
        %sign3A_608 = arith.cmpi sgt, %sub3A_604, %sign3A_607 : i32
        %sign3A_609 = arith.extui %sign3A_608 : i1 to i32
        %sign3A_610 = arith.constant 0 : i32
        %sign3A_611 = arith.cmpi slt, %sub3A_604, %sign3A_610 : i32
        %sign3A_612 = arith.extui %sign3A_611 : i1 to i32
        %sign3A_613 = arith.subi %sign3A_609, %sign3A_612 : i32
        %sign3A_614 = arith.constant 0 : i32
        %sign3A_615 = arith.cmpi sgt, %jit3A_605, %sign3A_614 : i32
        %sign3A_616 = arith.extui %sign3A_615 : i1 to i32
        %sign3A_617 = arith.constant 0 : i32
        %sign3A_618 = arith.cmpi slt, %jit3A_605, %sign3A_617 : i32
        %sign3A_619 = arith.extui %sign3A_618 : i1 to i32
        %sign3A_620 = arith.subi %sign3A_616, %sign3A_619 : i32
        %ne3A_621 = arith.cmpi ne, %sign3A_613, %sign3A_620 : i32
        %rem3A_622 = arith.remsi %sub3A_604, %jit3A_605 : i32
        %ne3A_623 = arith.constant 0 : i32
        %ne3A_624 = arith.cmpi ne, %rem3A_622, %ne3A_623 : i32
        %and3A_625 = arith.andi %ne3A_621, %ne3A_624 : i1
        %sub3A_626 = arith.constant 1 : i32
        %sub3A_627 = arith.subi %div3A_606, %sub3A_626 : i32
        %select_n3A_628 = arith.select %and3A_625, %sub3A_627, %div3A_606 : i32
        %jit3A_629 = arith.constant 7 : i32
        %eq3A_630 = arith.constant 0 : i32
        %eq3A_631 = arith.cmpi eq, %jit3A_629, %eq3A_630 : i32
        %jit3A_632 = arith.constant 1 : i32
        %select_n3A_633 = arith.select %eq3A_631, %jit3A_632, %jit3A_629 : i32
        %rem3A_634 = arith.remsi %sub3A_604, %select_n3A_633 : i32
        %ne3A_635 = arith.constant 0 : i32
        %ne3A_636 = arith.cmpi ne, %rem3A_634, %ne3A_635 : i32
        %lt3A_637 = arith.constant 0 : i32
        %lt3A_638 = arith.cmpi slt, %rem3A_634, %lt3A_637 : i32
        %lt3A_639 = arith.constant 0 : i32
        %lt3A_640 = arith.cmpi slt, %select_n3A_633, %lt3A_639 : i32
        %ne3A_641 = arith.xori %lt3A_638, %lt3A_640 : i1
        %and3A_642 = arith.andi %ne3A_641, %ne3A_636 : i1
        %add3A_643 = arith.addi %rem3A_634, %select_n3A_633 : i32
        %select_n3A_644 = arith.select %and3A_642, %add3A_643, %rem3A_634 : i32
        %mul3A_645 = arith.constant 112 : i32
        %mul3A_646 = arith.muli %select_n3A_644, %mul3A_645 : i32
        %mul3A_647 = arith.constant 3 : i32
        %mul3A_648 = arith.muli %select_n3A_628, %mul3A_647 : i32
        %mul3A_649 = arith.constant 784 : i32
        %mul3A_650 = arith.muli %mul3A_648, %mul3A_649 : i32
        %add3A_651 = arith.addi %mul3A_650, %mul3A_646 : i32
        %mul3A_652 = arith.constant 4 : i32
        %mul3A_653 = arith.muli %add3A, %mul3A_652 : i32
        %add3A_654 = arith.addi %mul3A_653, %select_n3A_628 : i32
        %dma_wait3A_655 = arith.constant 0 : i32
        %dma_wait3A_656 = arith.constant 0 : i32
        %dma_wait3A_657 = arith.constant 0 : i32
        %dma_wait3A_658 = tpu.memref_slice %arg7[%dma_wait3A_655, %dma_wait3A_656, %dma_wait3A_657] : memref<3x64x113xf32, #tpu.memory_space<vmem>> -> memref<1x64x112xf32, #tpu.memory_space<vmem>>
        %dma_wait3A_659 = tpu.memref_squeeze %dma_wait3A_658 : memref<1x64x112xf32, #tpu.memory_space<vmem>> -> memref<64x112xf32, #tpu.memory_space<vmem>>
        %dma_wait3A_660 = arith.constant 0 : i32
        %dma_wait3A_661 = tpu.memref_slice %arg4[%add3A_654, %dma_wait3A_660, %mul3A_646] : memref<128x64x784xf32, #tpu.memory_space<hbm>> -> memref<1x64x112xf32, #tpu.memory_space<hbm>>
        %dma_wait3A_662 = tpu.memref_squeeze %dma_wait3A_661 : memref<1x64x112xf32, #tpu.memory_space<hbm>> -> memref<64x112xf32, #tpu.memory_space<hbm>>
        %dma_wait3A_663 = arith.constant 0 : i32
        %dma_wait3A_664 = tpu.memref_slice %arg4[%add3A_654, %dma_wait3A_663, %mul3A_646] : memref<128x64x784xf32, #tpu.memory_space<hbm>> -> memref<1x64x112xf32, #tpu.memory_space<hbm>>
        %dma_wait3A_665 = tpu.memref_squeeze %dma_wait3A_664 : memref<1x64x112xf32, #tpu.memory_space<hbm>> -> memref<64x112xf32, #tpu.memory_space<hbm>>
        %dma_wait3A_666 = arith.constant 0 : i32
        %dma_wait3A_667 = arith.constant 0 : i32
        %dma_wait3A_668 = tpu.memref_slice %arg7[%dma_wait3A_655, %dma_wait3A_666, %dma_wait3A_667] : memref<3x64x113xf32, #tpu.memory_space<vmem>> -> memref<1x64x112xf32, #tpu.memory_space<vmem>>
        %dma_wait3A_669 = tpu.memref_squeeze %dma_wait3A_668 : memref<1x64x112xf32, #tpu.memory_space<vmem>> -> memref<64x112xf32, #tpu.memory_space<vmem>>
        tpu.wait_dma2 semaphore(%arg11 : memref<!tpu.dma_semaphore, #tpu.memory_space<semaphore_mem>>) src(%dma_wait3A_669 : memref<64x112xf32, #tpu.memory_space<vmem>>) dst(%dma_wait3A_665 : memref<64x112xf32, #tpu.memory_space<hbm>>)
      } else {
      }
      %parallel_loop3A_303 = arith.constant 0 : i32
      %parallel_loop3A_304 = arith.constant 112 : i32
      %parallel_loop3A_305 = arith.constant 1 : i32
      scf.for %parallel_loop3A_603 = %parallel_loop3A_303 to %parallel_loop3A_304 step %parallel_loop3A_305  : i32 {
        %parallel_loop3A_604 = vector.broadcast %parallel_loop3A_603 : i32 to vector<16xi32>
        %parallel_loop3A_605 = arith.constant 0 : i32
        %parallel_loop3A_606 = arith.constant 0 : i32
        %parallel_loop3A_607 = arith.index_cast %parallel_loop3A_605 : i32 to index
        %parallel_loop3A_608 = arith.index_cast %parallel_loop3A_606 : i32 to index
        %parallel_loop3A_609 = arith.index_cast %parallel_loop3A_603 : i32 to index
        %parallel_loop3A_610 = arith.constant 0 : index
        %parallel_loop3A_611 = tpu.vector_load %arg6[%parallel_loop3A_607, %parallel_loop3A_608, %parallel_loop3A_609, %parallel_loop3A_610] {strides = array<i32>} : memref<3x3x112x64xf32, #tpu.memory_space<vmem>>, vector<16xf32>,
        %parallel_loop3A_612 = arith.constant 0 : i32
        %parallel_loop3A_613 = arith.constant 1 : i32
        %parallel_loop3A_614 = arith.index_cast %parallel_loop3A_612 : i32 to index
        %parallel_loop3A_615 = arith.index_cast %parallel_loop3A_613 : i32 to index
        %parallel_loop3A_616 = arith.index_cast %parallel_loop3A_603 : i32 to index
        %parallel_loop3A_617 = arith.constant 0 : index
        %parallel_loop3A_618 = tpu.vector_load %arg6[%parallel_loop3A_614, %parallel_loop3A_615, %parallel_loop3A_616, %parallel_loop3A_617] {strides = array<i32>} : memref<3x3x112x64xf32, #tpu.memory_space<vmem>>, vector<16xf32>,
        %parallel_loop3A_619 = arith.addf %parallel_loop3A_611, %parallel_loop3A_618 : vector<16xf32>
        %parallel_loop3A_620 = arith.constant 0 : i32
        %parallel_loop3A_621 = arith.constant 2 : i32
        %parallel_loop3A_622 = arith.index_cast %parallel_loop3A_620 : i32 to index
        %parallel_loop3A_623 = arith.index_cast %parallel_loop3A_621 : i32 to index
        %parallel_loop3A_624 = arith.index_cast %parallel_loop3A_603 : i32 to index
        %parallel_loop3A_625 = arith.constant 0 : index
        %parallel_loop3A_626 = tpu.vector_load %arg6[%parallel_loop3A_622, %parallel_loop3A_623, %parallel_loop3A_624, %parallel_loop3A_625] {strides = array<i32>} : memref<3x3x112x64xf32, #tpu.memory_space<vmem>>, vector<16xf32>,
        %parallel_loop3A_627 = arith.addf %parallel_loop3A_619, %parallel_loop3A_626 : vector<16xf32>
        %parallel_loop3A_628 = arith.constant 0 : i32
        %parallel_loop3A_629 = arith.constant 0 : i32
        %parallel_loop3A_630 = arith.constant 0 : i32
        %parallel_loop3A_631 = tpu.memref_slice %arg7[%parallel_loop3A_628, %parallel_loop3A_629, %parallel_loop3A_630] : memref<3x64x113xf32, #tpu.memory_space<vmem>> -> memref<1x64x113xf32, #tpu.memory_space<vmem>>
        %parallel_loop3A_632 = tpu.memref_squeeze %parallel_loop3A_631 : memref<1x64x113xf32, #tpu.memory_space<vmem>> -> memref<64x113xf32, #tpu.memory_space<vmem>>
        tpu.vector_store_idx %parallel_loop3A_632[%add3A_107, %parallel_loop3A_604], %parallel_loop3A_627 : memref<64x113xf32, #tpu.memory_space<vmem>>[vector<16xi32>, vector<16xi32>], vector<16xf32>,
        %parallel_loop3A_633 = arith.constant 0 : i32
        %parallel_loop3A_634 = arith.constant 0 : i32
        %parallel_loop3A_635 = arith.index_cast %parallel_loop3A_633 : i32 to index
        %parallel_loop3A_636 = arith.index_cast %parallel_loop3A_634 : i32 to index
        %parallel_loop3A_637 = arith.index_cast %parallel_loop3A_603 : i32 to index
        %parallel_loop3A_638 = arith.constant 16 : index
        %parallel_loop3A_639 = tpu.vector_load %arg6[%parallel_loop3A_635, %parallel_loop3A_636, %parallel_loop3A_637, %parallel_loop3A_638] {strides = array<i32>} : memref<3x3x112x64xf32, #tpu.memory_space<vmem>>, vector<16xf32>,
        %parallel_loop3A_640 = arith.constant 0 : i32
        %parallel_loop3A_641 = arith.constant 1 : i32
        %parallel_loop3A_642 = arith.index_cast %parallel_loop3A_640 : i32 to index
        %parallel_loop3A_643 = arith.index_cast %parallel_loop3A_641 : i32 to index
        %parallel_loop3A_644 = arith.index_cast %parallel_loop3A_603 : i32 to index
        %parallel_loop3A_645 = arith.constant 16 : index
        %parallel_loop3A_646 = tpu.vector_load %arg6[%parallel_loop3A_642, %parallel_loop3A_643, %parallel_loop3A_644, %parallel_loop3A_645] {strides = array<i32>} : memref<3x3x112x64xf32, #tpu.memory_space<vmem>>, vector<16xf32>,
        %parallel_loop3A_647 = arith.addf %parallel_loop3A_639, %parallel_loop3A_646 : vector<16xf32>
        %parallel_loop3A_648 = arith.constant 0 : i32
        %parallel_loop3A_649 = arith.constant 2 : i32
        %parallel_loop3A_650 = arith.index_cast %parallel_loop3A_648 : i32 to index
        %parallel_loop3A_651 = arith.index_cast %parallel_loop3A_649 : i32 to index
        %parallel_loop3A_652 = arith.index_cast %parallel_loop3A_603 : i32 to index
        %parallel_loop3A_653 = arith.constant 16 : index
        %parallel_loop3A_654 = tpu.vector_load %arg6[%parallel_loop3A_650, %parallel_loop3A_651, %parallel_loop3A_652, %parallel_loop3A_653] {strides = array<i32>} : memref<3x3x112x64xf32, #tpu.memory_space<vmem>>, vector<16xf32>,
        %parallel_loop3A_655 = arith.addf %parallel_loop3A_647, %parallel_loop3A_654 : vector<16xf32>
        %parallel_loop3A_656 = arith.constant 0 : i32
        %parallel_loop3A_657 = arith.constant 0 : i32
        %parallel_loop3A_658 = arith.constant 0 : i32
        %parallel_loop3A_659 = tpu.memref_slice %arg7[%parallel_loop3A_656, %parallel_loop3A_657, %parallel_loop3A_658] : memref<3x64x113xf32, #tpu.memory_space<vmem>> -> memref<1x64x113xf32, #tpu.memory_space<vmem>>
        %parallel_loop3A_660 = tpu.memref_squeeze %parallel_loop3A_659 : memref<1x64x113xf32, #tpu.memory_space<vmem>> -> memref<64x113xf32, #tpu.memory_space<vmem>>
        tpu.vector_store_idx %parallel_loop3A_660[%add3A_110, %parallel_loop3A_604], %parallel_loop3A_655 : memref<64x113xf32, #tpu.memory_space<vmem>>[vector<16xi32>, vector<16xi32>], vector<16xf32>,
        %parallel_loop3A_661 = arith.constant 0 : i32
        %parallel_loop3A_662 = arith.constant 0 : i32
        %parallel_loop3A_663 = arith.index_cast %parallel_loop3A_661 : i32 to index
        %parallel_loop3A_664 = arith.index_cast %parallel_loop3A_662 : i32 to index
        %parallel_loop3A_665 = arith.index_cast %parallel_loop3A_603 : i32 to index
        %parallel_loop3A_666 = arith.constant 32 : index
        %parallel_loop3A_667 = tpu.vector_load %arg6[%parallel_loop3A_663, %parallel_loop3A_664, %parallel_loop3A_665, %parallel_loop3A_666] {strides = array<i32>} : memref<3x3x112x64xf32, #tpu.memory_space<vmem>>, vector<16xf32>,
        %parallel_loop3A_668 = arith.constant 0 : i32
        %parallel_loop3A_669 = arith.constant 1 : i32
        %parallel_loop3A_670 = arith.index_cast %parallel_loop3A_668 : i32 to index
        %parallel_loop3A_671 = arith.index_cast %parallel_loop3A_669 : i32 to index
        %parallel_loop3A_672 = arith.index_cast %parallel_loop3A_603 : i32 to index
        %parallel_loop3A_673 = arith.constant 32 : index
        %parallel_loop3A_674 = tpu.vector_load %arg6[%parallel_loop3A_670, %parallel_loop3A_671, %parallel_loop3A_672, %parallel_loop3A_673] {strides = array<i32>} : memref<3x3x112x64xf32, #tpu.memory_space<vmem>>, vector<16xf32>,
        %parallel_loop3A_675 = arith.addf %parallel_loop3A_667, %parallel_loop3A_674 : vector<16xf32>
        %parallel_loop3A_676 = arith.constant 0 : i32
        %parallel_loop3A_677 = arith.constant 2 : i32
        %parallel_loop3A_678 = arith.index_cast %parallel_loop3A_676 : i32 to index
        %parallel_loop3A_679 = arith.index_cast %parallel_loop3A_677 : i32 to index
        %parallel_loop3A_680 = arith.index_cast %parallel_loop3A_603 : i32 to index
        %parallel_loop3A_681 = arith.constant 32 : index
        %parallel_loop3A_682 = tpu.vector_load %arg6[%parallel_loop3A_678, %parallel_loop3A_679, %parallel_loop3A_680, %parallel_loop3A_681] {strides = array<i32>} : memref<3x3x112x64xf32, #tpu.memory_space<vmem>>, vector<16xf32>,
        %parallel_loop3A_683 = arith.addf %parallel_loop3A_675, %parallel_loop3A_682 : vector<16xf32>
        %parallel_loop3A_684 = arith.constant 0 : i32
        %parallel_loop3A_685 = arith.constant 0 : i32
        %parallel_loop3A_686 = arith.constant 0 : i32
        %parallel_loop3A_687 = tpu.memref_slice %arg7[%parallel_loop3A_684, %parallel_loop3A_685, %parallel_loop3A_686] : memref<3x64x113xf32, #tpu.memory_space<vmem>> -> memref<1x64x113xf32, #tpu.memory_space<vmem>>
        %parallel_loop3A_688 = tpu.memref_squeeze %parallel_loop3A_687 : memref<1x64x113xf32, #tpu.memory_space<vmem>> -> memref<64x113xf32, #tpu.memory_space<vmem>>
        tpu.vector_store_idx %parallel_loop3A_688[%add3A_113, %parallel_loop3A_604], %parallel_loop3A_683 : memref<64x113xf32, #tpu.memory_space<vmem>>[vector<16xi32>, vector<16xi32>], vector<16xf32>,
        %parallel_loop3A_689 = arith.constant 0 : i32
        %parallel_loop3A_690 = arith.constant 0 : i32
        %parallel_loop3A_691 = arith.index_cast %parallel_loop3A_689 : i32 to index
        %parallel_loop3A_692 = arith.index_cast %parallel_loop3A_690 : i32 to index
        %parallel_loop3A_693 = arith.index_cast %parallel_loop3A_603 : i32 to index
        %parallel_loop3A_694 = arith.constant 48 : index
        %parallel_loop3A_695 = tpu.vector_load %arg6[%parallel_loop3A_691, %parallel_loop3A_692, %parallel_loop3A_693, %parallel_loop3A_694] {strides = array<i32>} : memref<3x3x112x64xf32, #tpu.memory_space<vmem>>, vector<16xf32>,
        %parallel_loop3A_696 = arith.constant 0 : i32
        %parallel_loop3A_697 = arith.constant 1 : i32
        %parallel_loop3A_698 = arith.index_cast %parallel_loop3A_696 : i32 to index
        %parallel_loop3A_699 = arith.index_cast %parallel_loop3A_697 : i32 to index
        %parallel_loop3A_700 = arith.index_cast %parallel_loop3A_603 : i32 to index
        %parallel_loop3A_701 = arith.constant 48 : index
        %parallel_loop3A_702 = tpu.vector_load %arg6[%parallel_loop3A_698, %parallel_loop3A_699, %parallel_loop3A_700, %parallel_loop3A_701] {strides = array<i32>} : memref<3x3x112x64xf32, #tpu.memory_space<vmem>>, vector<16xf32>,
        %parallel_loop3A_703 = arith.addf %parallel_loop3A_695, %parallel_loop3A_702 : vector<16xf32>
        %parallel_loop3A_704 = arith.constant 0 : i32
        %parallel_loop3A_705 = arith.constant 2 : i32
        %parallel_loop3A_706 = arith.index_cast %parallel_loop3A_704 : i32 to index
        %parallel_loop3A_707 = arith.index_cast %parallel_loop3A_705 : i32 to index
        %parallel_loop3A_708 = arith.index_cast %parallel_loop3A_603 : i32 to index
        %parallel_loop3A_709 = arith.constant 48 : index
        %parallel_loop3A_710 = tpu.vector_load %arg6[%parallel_loop3A_706, %parallel_loop3A_707, %parallel_loop3A_708, %parallel_loop3A_709] {strides = array<i32>} : memref<3x3x112x64xf32, #tpu.memory_space<vmem>>, vector<16xf32>,
        %parallel_loop3A_711 = arith.addf %parallel_loop3A_703, %parallel_loop3A_710 : vector<16xf32>
        %parallel_loop3A_712 = arith.constant 0 : i32
        %parallel_loop3A_713 = arith.constant 0 : i32
        %parallel_loop3A_714 = arith.constant 0 : i32
        %parallel_loop3A_715 = tpu.memref_slice %arg7[%parallel_loop3A_712, %parallel_loop3A_713, %parallel_loop3A_714] : memref<3x64x113xf32, #tpu.memory_space<vmem>> -> memref<1x64x113xf32, #tpu.memory_space<vmem>>
        %parallel_loop3A_716 = tpu.memref_squeeze %parallel_loop3A_715 : memref<1x64x113xf32, #tpu.memory_space<vmem>> -> memref<64x113xf32, #tpu.memory_space<vmem>>
        tpu.vector_store_idx %parallel_loop3A_716[%add3A_116, %parallel_loop3A_604], %parallel_loop3A_711 : memref<64x113xf32, #tpu.memory_space<vmem>>[vector<16xi32>, vector<16xi32>], vector<16xf32>,
      } {sc.loop_unroll_factor = 4 : i64, sc.parallel_access}
      %jit3A = arith.constant 7 : i32
      %div3A = arith.divsi %add3A_267, %jit3A : i32
      %sign3A = arith.constant 0 : i32
      %sign3A_306 = arith.cmpi sgt, %add3A_267, %sign3A : i32
      %sign3A_307 = arith.extui %sign3A_306 : i1 to i32
      %sign3A_308 = arith.constant 0 : i32
      %sign3A_309 = arith.cmpi slt, %add3A_267, %sign3A_308 : i32
      %sign3A_310 = arith.extui %sign3A_309 : i1 to i32
      %sign3A_311 = arith.subi %sign3A_307, %sign3A_310 : i32
      %sign3A_312 = arith.constant 0 : i32
      %sign3A_313 = arith.cmpi sgt, %jit3A, %sign3A_312 : i32
      %sign3A_314 = arith.extui %sign3A_313 : i1 to i32
      %sign3A_315 = arith.constant 0 : i32
      %sign3A_316 = arith.cmpi slt, %jit3A, %sign3A_315 : i32
      %sign3A_317 = arith.extui %sign3A_316 : i1 to i32
      %sign3A_318 = arith.subi %sign3A_314, %sign3A_317 : i32
      %ne3A = arith.cmpi ne, %sign3A_311, %sign3A_318 : i32
      %rem3A = arith.remsi %add3A_267, %jit3A : i32
      %ne3A_319 = arith.constant 0 : i32
      %ne3A_320 = arith.cmpi ne, %rem3A, %ne3A_319 : i32
      %and3A = arith.andi %ne3A, %ne3A_320 : i1
      %sub3A = arith.constant 1 : i32
      %sub3A_321 = arith.subi %div3A, %sub3A : i32
      %select_n3A = arith.select %and3A, %sub3A_321, %div3A : i32
      %jit3A_322 = arith.constant 7 : i32
      %eq3A = arith.constant 0 : i32
      %eq3A_323 = arith.cmpi eq, %jit3A_322, %eq3A : i32
      %jit3A_324 = arith.constant 1 : i32
      %select_n3A_325 = arith.select %eq3A_323, %jit3A_324, %jit3A_322 : i32
      %rem3A_326 = arith.remsi %add3A_267, %select_n3A_325 : i32
      %ne3A_327 = arith.constant 0 : i32
      %ne3A_328 = arith.cmpi ne, %rem3A_326, %ne3A_327 : i32
      %lt3A = arith.constant 0 : i32
      %lt3A_329 = arith.cmpi slt, %rem3A_326, %lt3A : i32
      %lt3A_330 = arith.constant 0 : i32
      %lt3A_331 = arith.cmpi slt, %select_n3A_325, %lt3A_330 : i32
      %ne3A_332 = arith.xori %lt3A_329, %lt3A_331 : i1
      %and3A_333 = arith.andi %ne3A_332, %ne3A_328 : i1
      %add3A_334 = arith.addi %rem3A_326, %select_n3A_325 : i32
      %select_n3A_335 = arith.select %and3A_333, %add3A_334, %rem3A_326 : i32
      %mul3A_336 = arith.constant 112 : i32
      %mul3A_337 = arith.muli %select_n3A_335, %mul3A_336 : i32
      %mul3A_338 = arith.constant 3 : i32
      %mul3A_339 = arith.muli %select_n3A, %mul3A_338 : i32
      %mul3A_340 = arith.constant 784 : i32
      %mul3A_341 = arith.muli %mul3A_339, %mul3A_340 : i32
      %add3A_342 = arith.addi %mul3A_341, %mul3A_337 : i32
      %mul3A_343 = arith.constant 4 : i32
      %mul3A_344 = arith.muli %add3A, %mul3A_343 : i32
      %add3A_345 = arith.addi %mul3A_344, %select_n3A : i32
      %dma_start3A_346 = arith.constant 0 : i32
      %dma_start3A_347 = arith.constant 0 : i32
      %dma_start3A_348 = arith.constant 0 : i32
      %dma_start3A_349 = tpu.memref_slice %arg7[%dma_start3A_346, %dma_start3A_347, %dma_start3A_348] : memref<3x64x113xf32, #tpu.memory_space<vmem>> -> memref<1x64x112xf32, #tpu.memory_space<vmem>>
      %dma_start3A_350 = tpu.memref_squeeze %dma_start3A_349 : memref<1x64x112xf32, #tpu.memory_space<vmem>> -> memref<64x112xf32, #tpu.memory_space<vmem>>
      %dma_start3A_351 = arith.constant 0 : i32
      %dma_start3A_352 = tpu.memref_slice %arg4[%add3A_345, %dma_start3A_351, %mul3A_337] : memref<128x64x784xf32, #tpu.memory_space<hbm>> -> memref<1x64x112xf32, #tpu.memory_space<hbm>>
      %dma_start3A_353 = tpu.memref_squeeze %dma_start3A_352 : memref<1x64x112xf32, #tpu.memory_space<hbm>> -> memref<64x112xf32, #tpu.memory_space<hbm>>
      %dma_start3A_354 = arith.constant 0 : i32
      %dma_start3A_355 = tpu.memref_slice %arg4[%add3A_345, %dma_start3A_354, %mul3A_337] : memref<128x64x784xf32, #tpu.memory_space<hbm>> -> memref<1x64x112xf32, #tpu.memory_space<hbm>>
      %dma_start3A_356 = tpu.memref_squeeze %dma_start3A_355 : memref<1x64x112xf32, #tpu.memory_space<hbm>> -> memref<64x112xf32, #tpu.memory_space<hbm>>
      %dma_start3A_357 = arith.constant 0 : i32
      %dma_start3A_358 = arith.constant 0 : i32
      %dma_start3A_359 = tpu.memref_slice %arg7[%dma_start3A_346, %dma_start3A_357, %dma_start3A_358] : memref<3x64x113xf32, #tpu.memory_space<vmem>> -> memref<1x64x112xf32, #tpu.memory_space<vmem>>
      %dma_start3A_360 = tpu.memref_squeeze %dma_start3A_359 : memref<1x64x112xf32, #tpu.memory_space<vmem>> -> memref<64x112xf32, #tpu.memory_space<vmem>>
      tpu.enqueue_dma source(%dma_start3A_360 : memref<64x112xf32, #tpu.memory_space<vmem>>) target(%dma_start3A_356 : memref<64x112xf32, #tpu.memory_space<hbm>>) target_semaphore(%arg11 : memref<!tpu.dma_semaphore, #tpu.memory_space<semaphore_mem>>)
      %add3A_361 = arith.constant 3 : i32
      %add3A_362 = arith.addi %add3A_267, %add3A_361 : i32
      %lt3A_363 = arith.constant 28 : i32
      %lt3A_364 = arith.cmpi slt, %add3A_362, %lt3A_363 : i32
      %convert_element_type3A_365 = arith.extui %lt3A_364 : i1 to i32
      %cond3A_366 = arith.constant 0 : i32
      %cond3A_367 = arith.cmpi ne, %convert_element_type3A_365, %cond3A_366 : i32
      scf.if %cond3A_367 {
        %add3A_603 = arith.constant 3 : i32
        %add3A_604 = arith.addi %add3A_267, %add3A_603 : i32
        %jit3A_605 = arith.constant 7 : i32
        %div3A_606 = arith.divsi %add3A_604, %jit3A_605 : i32
        %sign3A_607 = arith.constant 0 : i32
        %sign3A_608 = arith.cmpi sgt, %add3A_604, %sign3A_607 : i32
        %sign3A_609 = arith.extui %sign3A_608 : i1 to i32
        %sign3A_610 = arith.constant 0 : i32
        %sign3A_611 = arith.cmpi slt, %add3A_604, %sign3A_610 : i32
        %sign3A_612 = arith.extui %sign3A_611 : i1 to i32
        %sign3A_613 = arith.subi %sign3A_609, %sign3A_612 : i32
        %sign3A_614 = arith.constant 0 : i32
        %sign3A_615 = arith.cmpi sgt, %jit3A_605, %sign3A_614 : i32
        %sign3A_616 = arith.extui %sign3A_615 : i1 to i32
        %sign3A_617 = arith.constant 0 : i32
        %sign3A_618 = arith.cmpi slt, %jit3A_605, %sign3A_617 : i32
        %sign3A_619 = arith.extui %sign3A_618 : i1 to i32
        %sign3A_620 = arith.subi %sign3A_616, %sign3A_619 : i32
        %ne3A_621 = arith.cmpi ne, %sign3A_613, %sign3A_620 : i32
        %rem3A_622 = arith.remsi %add3A_604, %jit3A_605 : i32
        %ne3A_623 = arith.constant 0 : i32
        %ne3A_624 = arith.cmpi ne, %rem3A_622, %ne3A_623 : i32
        %and3A_625 = arith.andi %ne3A_621, %ne3A_624 : i1
        %sub3A_626 = arith.constant 1 : i32
        %sub3A_627 = arith.subi %div3A_606, %sub3A_626 : i32
        %select_n3A_628 = arith.select %and3A_625, %sub3A_627, %div3A_606 : i32
        %jit3A_629 = arith.constant 7 : i32
        %eq3A_630 = arith.constant 0 : i32
        %eq3A_631 = arith.cmpi eq, %jit3A_629, %eq3A_630 : i32
        %jit3A_632 = arith.constant 1 : i32
        %select_n3A_633 = arith.select %eq3A_631, %jit3A_632, %jit3A_629 : i32
        %rem3A_634 = arith.remsi %add3A_604, %select_n3A_633 : i32
        %ne3A_635 = arith.constant 0 : i32
        %ne3A_636 = arith.cmpi ne, %rem3A_634, %ne3A_635 : i32
        %lt3A_637 = arith.constant 0 : i32
        %lt3A_638 = arith.cmpi slt, %rem3A_634, %lt3A_637 : i32
        %lt3A_639 = arith.constant 0 : i32
        %lt3A_640 = arith.cmpi slt, %select_n3A_633, %lt3A_639 : i32
        %ne3A_641 = arith.xori %lt3A_638, %lt3A_640 : i1
        %and3A_642 = arith.andi %ne3A_641, %ne3A_636 : i1
        %add3A_643 = arith.addi %rem3A_634, %select_n3A_633 : i32
        %select_n3A_644 = arith.select %and3A_642, %add3A_643, %rem3A_634 : i32
        %mul3A_645 = arith.constant 112 : i32
        %mul3A_646 = arith.muli %select_n3A_644, %mul3A_645 : i32
        %mul3A_647 = arith.constant 3 : i32
        %mul3A_648 = arith.muli %select_n3A_628, %mul3A_647 : i32
        %mul3A_649 = arith.constant 784 : i32
        %mul3A_650 = arith.muli %mul3A_648, %mul3A_649 : i32
        %add3A_651 = arith.addi %mul3A_650, %mul3A_646 : i32
        %add3A_652 = arith.constant 0 : i32
        %add3A_653 = arith.addi %add3A_651, %add3A_652 : i32
        %dma_start3A_654 = arith.constant 0 : i32
        %dma_start3A_655 = arith.constant 0 : i32
        %dma_start3A_656 = arith.constant 0 : i32
        %dma_start3A_657 = arith.constant 0 : i32
        %dma_start3A_658 = tpu.memref_slice %arg6[%dma_start3A_654, %dma_start3A_655, %dma_start3A_656, %dma_start3A_657] : memref<3x3x112x64xf32, #tpu.memory_space<vmem>> -> memref<1x1x112x64xf32, #tpu.memory_space<vmem>>
        %dma_start3A_659 = tpu.memref_squeeze %dma_start3A_658 : memref<1x1x112x64xf32, #tpu.memory_space<vmem>> -> memref<112x64xf32, #tpu.memory_space<vmem>>
        %dma_start3A_660 = tpu.memref_slice %arg5[%add3A_653] : memref<9408xi32, #tpu.memory_space<vmem>> -> memref<112xi32, #tpu.memory_space<vmem>>
        %dma_start3A_661 = arith.constant 0 : i32
        %dma_start3A_662 = arith.constant 0 : i32
        %dma_start3A_663 = tpu.memref_slice %arg3[%dma_start3A_661, %dma_start3A_662] : memref<300000x64xf32, #tpu.memory_space<hbm>> -> memref<300000x64xf32, #tpu.memory_space<hbm>>
        tpu.enqueue_indirect_dma source(%dma_start3A_663 : memref<300000x64xf32, #tpu.memory_space<hbm>>) target(%dma_start3A_659 : memref<112x64xf32, #tpu.memory_space<vmem>>) offsets(%dma_start3A_660 : memref<112xi32, #tpu.memory_space<vmem>>) semaphore(%arg8 : memref<!tpu.dma_semaphore, #tpu.memory_space<semaphore_mem>>)
        %add3A_664 = arith.constant 784 : i32
        %add3A_665 = arith.addi %add3A_651, %add3A_664 : i32
        %dma_start3A_666 = arith.constant 0 : i32
        %dma_start3A_667 = arith.constant 1 : i32
        %dma_start3A_668 = arith.constant 0 : i32
        %dma_start3A_669 = arith.constant 0 : i32
        %dma_start3A_670 = tpu.memref_slice %arg6[%dma_start3A_666, %dma_start3A_667, %dma_start3A_668, %dma_start3A_669] : memref<3x3x112x64xf32, #tpu.memory_space<vmem>> -> memref<1x1x112x64xf32, #tpu.memory_space<vmem>>
        %dma_start3A_671 = tpu.memref_squeeze %dma_start3A_670 : memref<1x1x112x64xf32, #tpu.memory_space<vmem>> -> memref<112x64xf32, #tpu.memory_space<vmem>>
        %dma_start3A_672 = tpu.memref_slice %arg5[%add3A_665] : memref<9408xi32, #tpu.memory_space<vmem>> -> memref<112xi32, #tpu.memory_space<vmem>>
        %dma_start3A_673 = arith.constant 0 : i32
        %dma_start3A_674 = arith.constant 0 : i32
        %dma_start3A_675 = tpu.memref_slice %arg3[%dma_start3A_673, %dma_start3A_674] : memref<300000x64xf32, #tpu.memory_space<hbm>> -> memref<300000x64xf32, #tpu.memory_space<hbm>>
        tpu.enqueue_indirect_dma source(%dma_start3A_675 : memref<300000x64xf32, #tpu.memory_space<hbm>>) target(%dma_start3A_671 : memref<112x64xf32, #tpu.memory_space<vmem>>) offsets(%dma_start3A_672 : memref<112xi32, #tpu.memory_space<vmem>>) semaphore(%arg8 : memref<!tpu.dma_semaphore, #tpu.memory_space<semaphore_mem>>)
        %add3A_676 = arith.constant 1568 : i32
        %add3A_677 = arith.addi %add3A_651, %add3A_676 : i32
        %dma_start3A_678 = arith.constant 0 : i32
        %dma_start3A_679 = arith.constant 2 : i32
        %dma_start3A_680 = arith.constant 0 : i32
        %dma_start3A_681 = arith.constant 0 : i32
        %dma_start3A_682 = tpu.memref_slice %arg6[%dma_start3A_678, %dma_start3A_679, %dma_start3A_680, %dma_start3A_681] : memref<3x3x112x64xf32, #tpu.memory_space<vmem>> -> memref<1x1x112x64xf32, #tpu.memory_space<vmem>>
        %dma_start3A_683 = tpu.memref_squeeze %dma_start3A_682 : memref<1x1x112x64xf32, #tpu.memory_space<vmem>> -> memref<112x64xf32, #tpu.memory_space<vmem>>
        %dma_start3A_684 = tpu.memref_slice %arg5[%add3A_677] : memref<9408xi32, #tpu.memory_space<vmem>> -> memref<112xi32, #tpu.memory_space<vmem>>
        %dma_start3A_685 = arith.constant 0 : i32
        %dma_start3A_686 = arith.constant 0 : i32
        %dma_start3A_687 = tpu.memref_slice %arg3[%dma_start3A_685, %dma_start3A_686] : memref<300000x64xf32, #tpu.memory_space<hbm>> -> memref<300000x64xf32, #tpu.memory_space<hbm>>
        tpu.enqueue_indirect_dma source(%dma_start3A_687 : memref<300000x64xf32, #tpu.memory_space<hbm>>) target(%dma_start3A_683 : memref<112x64xf32, #tpu.memory_space<vmem>>) offsets(%dma_start3A_684 : memref<112xi32, #tpu.memory_space<vmem>>) semaphore(%arg8 : memref<!tpu.dma_semaphore, #tpu.memory_space<semaphore_mem>>)
      } else {
      }
      %mul3A_368 = arith.constant 3 : i32
      %mul3A_369 = arith.muli %mul3A_368, %scan3A_262 : i32
      %add3A_370 = arith.constant 1 : i32
      %add3A_371 = arith.addi %mul3A_369, %add3A_370 : i32
      %dma_wait3A_372 = arith.constant 1 : i32
      %dma_wait3A_373 = arith.constant 0 : i32
      %dma_wait3A_374 = arith.constant 0 : i32
      %dma_wait3A_375 = arith.constant 0 : i32
      %dma_wait3A_376 = tpu.memref_slice %arg6[%dma_wait3A_372, %dma_wait3A_373, %dma_wait3A_374, %dma_wait3A_375] : memref<3x3x112x64xf32, #tpu.memory_space<vmem>> -> memref<1x1x112x64xf32, #tpu.memory_space<vmem>>
      %dma_wait3A_377 = tpu.memref_squeeze %dma_wait3A_376 : memref<1x1x112x64xf32, #tpu.memory_space<vmem>> -> memref<112x64xf32, #tpu.memory_space<vmem>>
      %dma_wait3A_378 = arith.constant 0 : i32
      %dma_wait3A_379 = tpu.memref_slice %arg5[%dma_wait3A_378] : memref<9408xi32, #tpu.memory_space<vmem>> -> memref<112xi32, #tpu.memory_space<vmem>>
      %dma_wait3A_380 = arith.constant 0 : i32
      %dma_wait3A_381 = arith.constant 0 : i32
      %dma_wait3A_382 = tpu.memref_slice %arg3[%dma_wait3A_380, %dma_wait3A_381] : memref<300000x64xf32, #tpu.memory_space<hbm>> -> memref<300000x64xf32, #tpu.memory_space<hbm>>
      tpu.wait_indirect_dma semaphore(%arg9 : memref<!tpu.dma_semaphore, #tpu.memory_space<semaphore_mem>>) src(%dma_wait3A_382 : memref<300000x64xf32, #tpu.memory_space<hbm>>) dst(%dma_wait3A_377 : memref<112x64xf32, #tpu.memory_space<vmem>>)
      %dma_wait3A_383 = arith.constant 1 : i32
      %dma_wait3A_384 = arith.constant 1 : i32
      %dma_wait3A_385 = arith.constant 0 : i32
      %dma_wait3A_386 = arith.constant 0 : i32
      %dma_wait3A_387 = tpu.memref_slice %arg6[%dma_wait3A_383, %dma_wait3A_384, %dma_wait3A_385, %dma_wait3A_386] : memref<3x3x112x64xf32, #tpu.memory_space<vmem>> -> memref<1x1x112x64xf32, #tpu.memory_space<vmem>>
      %dma_wait3A_388 = tpu.memref_squeeze %dma_wait3A_387 : memref<1x1x112x64xf32, #tpu.memory_space<vmem>> -> memref<112x64xf32, #tpu.memory_space<vmem>>
      %dma_wait3A_389 = arith.constant 0 : i32
      %dma_wait3A_390 = tpu.memref_slice %arg5[%dma_wait3A_389] : memref<9408xi32, #tpu.memory_space<vmem>> -> memref<112xi32, #tpu.memory_space<vmem>>
      %dma_wait3A_391 = arith.constant 0 : i32
      %dma_wait3A_392 = arith.constant 0 : i32
      %dma_wait3A_393 = tpu.memref_slice %arg3[%dma_wait3A_391, %dma_wait3A_392] : memref<300000x64xf32, #tpu.memory_space<hbm>> -> memref<300000x64xf32, #tpu.memory_space<hbm>>
      tpu.wait_indirect_dma semaphore(%arg9 : memref<!tpu.dma_semaphore, #tpu.memory_space<semaphore_mem>>) src(%dma_wait3A_393 : memref<300000x64xf32, #tpu.memory_space<hbm>>) dst(%dma_wait3A_388 : memref<112x64xf32, #tpu.memory_space<vmem>>)
      %dma_wait3A_394 = arith.constant 1 : i32
      %dma_wait3A_395 = arith.constant 2 : i32
      %dma_wait3A_396 = arith.constant 0 : i32
      %dma_wait3A_397 = arith.constant 0 : i32
      %dma_wait3A_398 = tpu.memref_slice %arg6[%dma_wait3A_394, %dma_wait3A_395, %dma_wait3A_396, %dma_wait3A_397] : memref<3x3x112x64xf32, #tpu.memory_space<vmem>> -> memref<1x1x112x64xf32, #tpu.memory_space<vmem>>
      %dma_wait3A_399 = tpu.memref_squeeze %dma_wait3A_398 : memref<1x1x112x64xf32, #tpu.memory_space<vmem>> -> memref<112x64xf32, #tpu.memory_space<vmem>>
      %dma_wait3A_400 = arith.constant 0 : i32
      %dma_wait3A_401 = tpu.memref_slice %arg5[%dma_wait3A_400] : memref<9408xi32, #tpu.memory_space<vmem>> -> memref<112xi32, #tpu.memory_space<vmem>>
      %dma_wait3A_402 = arith.constant 0 : i32
      %dma_wait3A_403 = arith.constant 0 : i32
      %dma_wait3A_404 = tpu.memref_slice %arg3[%dma_wait3A_402, %dma_wait3A_403] : memref<300000x64xf32, #tpu.memory_space<hbm>> -> memref<300000x64xf32, #tpu.memory_space<hbm>>
      tpu.wait_indirect_dma semaphore(%arg9 : memref<!tpu.dma_semaphore, #tpu.memory_space<semaphore_mem>>) src(%dma_wait3A_404 : memref<300000x64xf32, #tpu.memory_space<hbm>>) dst(%dma_wait3A_399 : memref<112x64xf32, #tpu.memory_space<vmem>>)
      %ge3A_405 = arith.constant 3 : i32
      %ge3A_406 = arith.cmpi sge, %add3A_371, %ge3A_405 : i32
      %convert_element_type3A_407 = arith.extui %ge3A_406 : i1 to i32
      %cond3A_408 = arith.constant 0 : i32
      %cond3A_409 = arith.cmpi ne, %convert_element_type3A_407, %cond3A_408 : i32
      scf.if %cond3A_409 {
        %sub3A_603 = arith.constant 3 : i32
        %sub3A_604 = arith.subi %add3A_371, %sub3A_603 : i32
        %jit3A_605 = arith.constant 7 : i32
        %div3A_606 = arith.divsi %sub3A_604, %jit3A_605 : i32
        %sign3A_607 = arith.constant 0 : i32
        %sign3A_608 = arith.cmpi sgt, %sub3A_604, %sign3A_607 : i32
        %sign3A_609 = arith.extui %sign3A_608 : i1 to i32
        %sign3A_610 = arith.constant 0 : i32
        %sign3A_611 = arith.cmpi slt, %sub3A_604, %sign3A_610 : i32
        %sign3A_612 = arith.extui %sign3A_611 : i1 to i32
        %sign3A_613 = arith.subi %sign3A_609, %sign3A_612 : i32
        %sign3A_614 = arith.constant 0 : i32
        %sign3A_615 = arith.cmpi sgt, %jit3A_605, %sign3A_614 : i32
        %sign3A_616 = arith.extui %sign3A_615 : i1 to i32
        %sign3A_617 = arith.constant 0 : i32
        %sign3A_618 = arith.cmpi slt, %jit3A_605, %sign3A_617 : i32
        %sign3A_619 = arith.extui %sign3A_618 : i1 to i32
        %sign3A_620 = arith.subi %sign3A_616, %sign3A_619 : i32
        %ne3A_621 = arith.cmpi ne, %sign3A_613, %sign3A_620 : i32
        %rem3A_622 = arith.remsi %sub3A_604, %jit3A_605 : i32
        %ne3A_623 = arith.constant 0 : i32
        %ne3A_624 = arith.cmpi ne, %rem3A_622, %ne3A_623 : i32
        %and3A_625 = arith.andi %ne3A_621, %ne3A_624 : i1
        %sub3A_626 = arith.constant 1 : i32
        %sub3A_627 = arith.subi %div3A_606, %sub3A_626 : i32
        %select_n3A_628 = arith.select %and3A_625, %sub3A_627, %div3A_606 : i32
        %jit3A_629 = arith.constant 7 : i32
        %eq3A_630 = arith.constant 0 : i32
        %eq3A_631 = arith.cmpi eq, %jit3A_629, %eq3A_630 : i32
        %jit3A_632 = arith.constant 1 : i32
        %select_n3A_633 = arith.select %eq3A_631, %jit3A_632, %jit3A_629 : i32
        %rem3A_634 = arith.remsi %sub3A_604, %select_n3A_633 : i32
        %ne3A_635 = arith.constant 0 : i32
        %ne3A_636 = arith.cmpi ne, %rem3A_634, %ne3A_635 : i32
        %lt3A_637 = arith.constant 0 : i32
        %lt3A_638 = arith.cmpi slt, %rem3A_634, %lt3A_637 : i32
        %lt3A_639 = arith.constant 0 : i32
        %lt3A_640 = arith.cmpi slt, %select_n3A_633, %lt3A_639 : i32
        %ne3A_641 = arith.xori %lt3A_638, %lt3A_640 : i1
        %and3A_642 = arith.andi %ne3A_641, %ne3A_636 : i1
        %add3A_643 = arith.addi %rem3A_634, %select_n3A_633 : i32
        %select_n3A_644 = arith.select %and3A_642, %add3A_643, %rem3A_634 : i32
        %mul3A_645 = arith.constant 112 : i32
        %mul3A_646 = arith.muli %select_n3A_644, %mul3A_645 : i32
        %mul3A_647 = arith.constant 3 : i32
        %mul3A_648 = arith.muli %select_n3A_628, %mul3A_647 : i32
        %mul3A_649 = arith.constant 784 : i32
        %mul3A_650 = arith.muli %mul3A_648, %mul3A_649 : i32
        %add3A_651 = arith.addi %mul3A_650, %mul3A_646 : i32
        %mul3A_652 = arith.constant 4 : i32
        %mul3A_653 = arith.muli %add3A, %mul3A_652 : i32
        %add3A_654 = arith.addi %mul3A_653, %select_n3A_628 : i32
        %dma_wait3A_655 = arith.constant 1 : i32
        %dma_wait3A_656 = arith.constant 0 : i32
        %dma_wait3A_657 = arith.constant 0 : i32
        %dma_wait3A_658 = tpu.memref_slice %arg7[%dma_wait3A_655, %dma_wait3A_656, %dma_wait3A_657] : memref<3x64x113xf32, #tpu.memory_space<vmem>> -> memref<1x64x112xf32, #tpu.memory_space<vmem>>
        %dma_wait3A_659 = tpu.memref_squeeze %dma_wait3A_658 : memref<1x64x112xf32, #tpu.memory_space<vmem>> -> memref<64x112xf32, #tpu.memory_space<vmem>>
        %dma_wait3A_660 = arith.constant 0 : i32
        %dma_wait3A_661 = tpu.memref_slice %arg4[%add3A_654, %dma_wait3A_660, %mul3A_646] : memref<128x64x784xf32, #tpu.memory_space<hbm>> -> memref<1x64x112xf32, #tpu.memory_space<hbm>>
        %dma_wait3A_662 = tpu.memref_squeeze %dma_wait3A_661 : memref<1x64x112xf32, #tpu.memory_space<hbm>> -> memref<64x112xf32, #tpu.memory_space<hbm>>
        %dma_wait3A_663 = arith.constant 0 : i32
        %dma_wait3A_664 = tpu.memref_slice %arg4[%add3A_654, %dma_wait3A_663, %mul3A_646] : memref<128x64x784xf32, #tpu.memory_space<hbm>> -> memref<1x64x112xf32, #tpu.memory_space<hbm>>
        %dma_wait3A_665 = tpu.memref_squeeze %dma_wait3A_664 : memref<1x64x112xf32, #tpu.memory_space<hbm>> -> memref<64x112xf32, #tpu.memory_space<hbm>>
        %dma_wait3A_666 = arith.constant 0 : i32
        %dma_wait3A_667 = arith.constant 0 : i32
        %dma_wait3A_668 = tpu.memref_slice %arg7[%dma_wait3A_655, %dma_wait3A_666, %dma_wait3A_667] : memref<3x64x113xf32, #tpu.memory_space<vmem>> -> memref<1x64x112xf32, #tpu.memory_space<vmem>>
        %dma_wait3A_669 = tpu.memref_squeeze %dma_wait3A_668 : memref<1x64x112xf32, #tpu.memory_space<vmem>> -> memref<64x112xf32, #tpu.memory_space<vmem>>
        tpu.wait_dma2 semaphore(%arg12 : memref<!tpu.dma_semaphore, #tpu.memory_space<semaphore_mem>>) src(%dma_wait3A_669 : memref<64x112xf32, #tpu.memory_space<vmem>>) dst(%dma_wait3A_665 : memref<64x112xf32, #tpu.memory_space<hbm>>)
      } else {
      }
      %parallel_loop3A_410 = arith.constant 0 : i32
      %parallel_loop3A_411 = arith.constant 112 : i32
      %parallel_loop3A_412 = arith.constant 1 : i32
      scf.for %parallel_loop3A_603 = %parallel_loop3A_410 to %parallel_loop3A_411 step %parallel_loop3A_412  : i32 {
        %parallel_loop3A_604 = vector.broadcast %parallel_loop3A_603 : i32 to vector<16xi32>
        %parallel_loop3A_605 = arith.constant 1 : i32
        %parallel_loop3A_606 = arith.constant 0 : i32
        %parallel_loop3A_607 = arith.index_cast %parallel_loop3A_605 : i32 to index
        %parallel_loop3A_608 = arith.index_cast %parallel_loop3A_606 : i32 to index
        %parallel_loop3A_609 = arith.index_cast %parallel_loop3A_603 : i32 to index
        %parallel_loop3A_610 = arith.constant 0 : index
        %parallel_loop3A_611 = tpu.vector_load %arg6[%parallel_loop3A_607, %parallel_loop3A_608, %parallel_loop3A_609, %parallel_loop3A_610] {strides = array<i32>} : memref<3x3x112x64xf32, #tpu.memory_space<vmem>>, vector<16xf32>,
        %parallel_loop3A_612 = arith.constant 1 : i32
        %parallel_loop3A_613 = arith.constant 1 : i32
        %parallel_loop3A_614 = arith.index_cast %parallel_loop3A_612 : i32 to index
        %parallel_loop3A_615 = arith.index_cast %parallel_loop3A_613 : i32 to index
        %parallel_loop3A_616 = arith.index_cast %parallel_loop3A_603 : i32 to index
        %parallel_loop3A_617 = arith.constant 0 : index
        %parallel_loop3A_618 = tpu.vector_load %arg6[%parallel_loop3A_614, %parallel_loop3A_615, %parallel_loop3A_616, %parallel_loop3A_617] {strides = array<i32>} : memref<3x3x112x64xf32, #tpu.memory_space<vmem>>, vector<16xf32>,
        %parallel_loop3A_619 = arith.addf %parallel_loop3A_611, %parallel_loop3A_618 : vector<16xf32>
        %parallel_loop3A_620 = arith.constant 1 : i32
        %parallel_loop3A_621 = arith.constant 2 : i32
        %parallel_loop3A_622 = arith.index_cast %parallel_loop3A_620 : i32 to index
        %parallel_loop3A_623 = arith.index_cast %parallel_loop3A_621 : i32 to index
        %parallel_loop3A_624 = arith.index_cast %parallel_loop3A_603 : i32 to index
        %parallel_loop3A_625 = arith.constant 0 : index
        %parallel_loop3A_626 = tpu.vector_load %arg6[%parallel_loop3A_622, %parallel_loop3A_623, %parallel_loop3A_624, %parallel_loop3A_625] {strides = array<i32>} : memref<3x3x112x64xf32, #tpu.memory_space<vmem>>, vector<16xf32>,
        %parallel_loop3A_627 = arith.addf %parallel_loop3A_619, %parallel_loop3A_626 : vector<16xf32>
        %parallel_loop3A_628 = arith.constant 1 : i32
        %parallel_loop3A_629 = arith.constant 0 : i32
        %parallel_loop3A_630 = arith.constant 0 : i32
        %parallel_loop3A_631 = tpu.memref_slice %arg7[%parallel_loop3A_628, %parallel_loop3A_629, %parallel_loop3A_630] : memref<3x64x113xf32, #tpu.memory_space<vmem>> -> memref<1x64x113xf32, #tpu.memory_space<vmem>>
        %parallel_loop3A_632 = tpu.memref_squeeze %parallel_loop3A_631 : memref<1x64x113xf32, #tpu.memory_space<vmem>> -> memref<64x113xf32, #tpu.memory_space<vmem>>
        tpu.vector_store_idx %parallel_loop3A_632[%add3A_107, %parallel_loop3A_604], %parallel_loop3A_627 : memref<64x113xf32, #tpu.memory_space<vmem>>[vector<16xi32>, vector<16xi32>], vector<16xf32>,
        %parallel_loop3A_633 = arith.constant 1 : i32
        %parallel_loop3A_634 = arith.constant 0 : i32
        %parallel_loop3A_635 = arith.index_cast %parallel_loop3A_633 : i32 to index
        %parallel_loop3A_636 = arith.index_cast %parallel_loop3A_634 : i32 to index
        %parallel_loop3A_637 = arith.index_cast %parallel_loop3A_603 : i32 to index
        %parallel_loop3A_638 = arith.constant 16 : index
        %parallel_loop3A_639 = tpu.vector_load %arg6[%parallel_loop3A_635, %parallel_loop3A_636, %parallel_loop3A_637, %parallel_loop3A_638] {strides = array<i32>} : memref<3x3x112x64xf32, #tpu.memory_space<vmem>>, vector<16xf32>,
        %parallel_loop3A_640 = arith.constant 1 : i32
        %parallel_loop3A_641 = arith.constant 1 : i32
        %parallel_loop3A_642 = arith.index_cast %parallel_loop3A_640 : i32 to index
        %parallel_loop3A_643 = arith.index_cast %parallel_loop3A_641 : i32 to index
        %parallel_loop3A_644 = arith.index_cast %parallel_loop3A_603 : i32 to index
        %parallel_loop3A_645 = arith.constant 16 : index
        %parallel_loop3A_646 = tpu.vector_load %arg6[%parallel_loop3A_642, %parallel_loop3A_643, %parallel_loop3A_644, %parallel_loop3A_645] {strides = array<i32>} : memref<3x3x112x64xf32, #tpu.memory_space<vmem>>, vector<16xf32>,
        %parallel_loop3A_647 = arith.addf %parallel_loop3A_639, %parallel_loop3A_646 : vector<16xf32>
        %parallel_loop3A_648 = arith.constant 1 : i32
        %parallel_loop3A_649 = arith.constant 2 : i32
        %parallel_loop3A_650 = arith.index_cast %parallel_loop3A_648 : i32 to index
        %parallel_loop3A_651 = arith.index_cast %parallel_loop3A_649 : i32 to index
        %parallel_loop3A_652 = arith.index_cast %parallel_loop3A_603 : i32 to index
        %parallel_loop3A_653 = arith.constant 16 : index
        %parallel_loop3A_654 = tpu.vector_load %arg6[%parallel_loop3A_650, %parallel_loop3A_651, %parallel_loop3A_652, %parallel_loop3A_653] {strides = array<i32>} : memref<3x3x112x64xf32, #tpu.memory_space<vmem>>, vector<16xf32>,
        %parallel_loop3A_655 = arith.addf %parallel_loop3A_647, %parallel_loop3A_654 : vector<16xf32>
        %parallel_loop3A_656 = arith.constant 1 : i32
        %parallel_loop3A_657 = arith.constant 0 : i32
        %parallel_loop3A_658 = arith.constant 0 : i32
        %parallel_loop3A_659 = tpu.memref_slice %arg7[%parallel_loop3A_656, %parallel_loop3A_657, %parallel_loop3A_658] : memref<3x64x113xf32, #tpu.memory_space<vmem>> -> memref<1x64x113xf32, #tpu.memory_space<vmem>>
        %parallel_loop3A_660 = tpu.memref_squeeze %parallel_loop3A_659 : memref<1x64x113xf32, #tpu.memory_space<vmem>> -> memref<64x113xf32, #tpu.memory_space<vmem>>
        tpu.vector_store_idx %parallel_loop3A_660[%add3A_110, %parallel_loop3A_604], %parallel_loop3A_655 : memref<64x113xf32, #tpu.memory_space<vmem>>[vector<16xi32>, vector<16xi32>], vector<16xf32>,
        %parallel_loop3A_661 = arith.constant 1 : i32
        %parallel_loop3A_662 = arith.constant 0 : i32
        %parallel_loop3A_663 = arith.index_cast %parallel_loop3A_661 : i32 to index
        %parallel_loop3A_664 = arith.index_cast %parallel_loop3A_662 : i32 to index
        %parallel_loop3A_665 = arith.index_cast %parallel_loop3A_603 : i32 to index
        %parallel_loop3A_666 = arith.constant 32 : index
        %parallel_loop3A_667 = tpu.vector_load %arg6[%parallel_loop3A_663, %parallel_loop3A_664, %parallel_loop3A_665, %parallel_loop3A_666] {strides = array<i32>} : memref<3x3x112x64xf32, #tpu.memory_space<vmem>>, vector<16xf32>,
        %parallel_loop3A_668 = arith.constant 1 : i32
        %parallel_loop3A_669 = arith.constant 1 : i32
        %parallel_loop3A_670 = arith.index_cast %parallel_loop3A_668 : i32 to index
        %parallel_loop3A_671 = arith.index_cast %parallel_loop3A_669 : i32 to index
        %parallel_loop3A_672 = arith.index_cast %parallel_loop3A_603 : i32 to index
        %parallel_loop3A_673 = arith.constant 32 : index
        %parallel_loop3A_674 = tpu.vector_load %arg6[%parallel_loop3A_670, %parallel_loop3A_671, %parallel_loop3A_672, %parallel_loop3A_673] {strides = array<i32>} : memref<3x3x112x64xf32, #tpu.memory_space<vmem>>, vector<16xf32>,
        %parallel_loop3A_675 = arith.addf %parallel_loop3A_667, %parallel_loop3A_674 : vector<16xf32>
        %parallel_loop3A_676 = arith.constant 1 : i32
        %parallel_loop3A_677 = arith.constant 2 : i32
        %parallel_loop3A_678 = arith.index_cast %parallel_loop3A_676 : i32 to index
        %parallel_loop3A_679 = arith.index_cast %parallel_loop3A_677 : i32 to index
        %parallel_loop3A_680 = arith.index_cast %parallel_loop3A_603 : i32 to index
        %parallel_loop3A_681 = arith.constant 32 : index
        %parallel_loop3A_682 = tpu.vector_load %arg6[%parallel_loop3A_678, %parallel_loop3A_679, %parallel_loop3A_680, %parallel_loop3A_681] {strides = array<i32>} : memref<3x3x112x64xf32, #tpu.memory_space<vmem>>, vector<16xf32>,
        %parallel_loop3A_683 = arith.addf %parallel_loop3A_675, %parallel_loop3A_682 : vector<16xf32>
        %parallel_loop3A_684 = arith.constant 1 : i32
        %parallel_loop3A_685 = arith.constant 0 : i32
        %parallel_loop3A_686 = arith.constant 0 : i32
        %parallel_loop3A_687 = tpu.memref_slice %arg7[%parallel_loop3A_684, %parallel_loop3A_685, %parallel_loop3A_686] : memref<3x64x113xf32, #tpu.memory_space<vmem>> -> memref<1x64x113xf32, #tpu.memory_space<vmem>>
        %parallel_loop3A_688 = tpu.memref_squeeze %parallel_loop3A_687 : memref<1x64x113xf32, #tpu.memory_space<vmem>> -> memref<64x113xf32, #tpu.memory_space<vmem>>
        tpu.vector_store_idx %parallel_loop3A_688[%add3A_113, %parallel_loop3A_604], %parallel_loop3A_683 : memref<64x113xf32, #tpu.memory_space<vmem>>[vector<16xi32>, vector<16xi32>], vector<16xf32>,
        %parallel_loop3A_689 = arith.constant 1 : i32
        %parallel_loop3A_690 = arith.constant 0 : i32
        %parallel_loop3A_691 = arith.index_cast %parallel_loop3A_689 : i32 to index
        %parallel_loop3A_692 = arith.index_cast %parallel_loop3A_690 : i32 to index
        %parallel_loop3A_693 = arith.index_cast %parallel_loop3A_603 : i32 to index
        %parallel_loop3A_694 = arith.constant 48 : index
        %parallel_loop3A_695 = tpu.vector_load %arg6[%parallel_loop3A_691, %parallel_loop3A_692, %parallel_loop3A_693, %parallel_loop3A_694] {strides = array<i32>} : memref<3x3x112x64xf32, #tpu.memory_space<vmem>>, vector<16xf32>,
        %parallel_loop3A_696 = arith.constant 1 : i32
        %parallel_loop3A_697 = arith.constant 1 : i32
        %parallel_loop3A_698 = arith.index_cast %parallel_loop3A_696 : i32 to index
        %parallel_loop3A_699 = arith.index_cast %parallel_loop3A_697 : i32 to index
        %parallel_loop3A_700 = arith.index_cast %parallel_loop3A_603 : i32 to index
        %parallel_loop3A_701 = arith.constant 48 : index
        %parallel_loop3A_702 = tpu.vector_load %arg6[%parallel_loop3A_698, %parallel_loop3A_699, %parallel_loop3A_700, %parallel_loop3A_701] {strides = array<i32>} : memref<3x3x112x64xf32, #tpu.memory_space<vmem>>, vector<16xf32>,
        %parallel_loop3A_703 = arith.addf %parallel_loop3A_695, %parallel_loop3A_702 : vector<16xf32>
        %parallel_loop3A_704 = arith.constant 1 : i32
        %parallel_loop3A_705 = arith.constant 2 : i32
        %parallel_loop3A_706 = arith.index_cast %parallel_loop3A_704 : i32 to index
        %parallel_loop3A_707 = arith.index_cast %parallel_loop3A_705 : i32 to index
        %parallel_loop3A_708 = arith.index_cast %parallel_loop3A_603 : i32 to index
        %parallel_loop3A_709 = arith.constant 48 : index
        %parallel_loop3A_710 = tpu.vector_load %arg6[%parallel_loop3A_706, %parallel_loop3A_707, %parallel_loop3A_708, %parallel_loop3A_709] {strides = array<i32>} : memref<3x3x112x64xf32, #tpu.memory_space<vmem>>, vector<16xf32>,
        %parallel_loop3A_711 = arith.addf %parallel_loop3A_703, %parallel_loop3A_710 : vector<16xf32>
        %parallel_loop3A_712 = arith.constant 1 : i32
        %parallel_loop3A_713 = arith.constant 0 : i32
        %parallel_loop3A_714 = arith.constant 0 : i32
        %parallel_loop3A_715 = tpu.memref_slice %arg7[%parallel_loop3A_712, %parallel_loop3A_713, %parallel_loop3A_714] : memref<3x64x113xf32, #tpu.memory_space<vmem>> -> memref<1x64x113xf32, #tpu.memory_space<vmem>>
        %parallel_loop3A_716 = tpu.memref_squeeze %parallel_loop3A_715 : memref<1x64x113xf32, #tpu.memory_space<vmem>> -> memref<64x113xf32, #tpu.memory_space<vmem>>
        tpu.vector_store_idx %parallel_loop3A_716[%add3A_116, %parallel_loop3A_604], %parallel_loop3A_711 : memref<64x113xf32, #tpu.memory_space<vmem>>[vector<16xi32>, vector<16xi32>], vector<16xf32>,
      } {sc.loop_unroll_factor = 4 : i64, sc.parallel_access}
      %jit3A_413 = arith.constant 7 : i32
      %div3A_414 = arith.divsi %add3A_371, %jit3A_413 : i32
      %sign3A_415 = arith.constant 0 : i32
      %sign3A_416 = arith.cmpi sgt, %add3A_371, %sign3A_415 : i32
      %sign3A_417 = arith.extui %sign3A_416 : i1 to i32
      %sign3A_418 = arith.constant 0 : i32
      %sign3A_419 = arith.cmpi slt, %add3A_371, %sign3A_418 : i32
      %sign3A_420 = arith.extui %sign3A_419 : i1 to i32
      %sign3A_421 = arith.subi %sign3A_417, %sign3A_420 : i32
      %sign3A_422 = arith.constant 0 : i32
      %sign3A_423 = arith.cmpi sgt, %jit3A_413, %sign3A_422 : i32
      %sign3A_424 = arith.extui %sign3A_423 : i1 to i32
      %sign3A_425 = arith.constant 0 : i32
      %sign3A_426 = arith.cmpi slt, %jit3A_413, %sign3A_425 : i32
      %sign3A_427 = arith.extui %sign3A_426 : i1 to i32
      %sign3A_428 = arith.subi %sign3A_424, %sign3A_427 : i32
      %ne3A_429 = arith.cmpi ne, %sign3A_421, %sign3A_428 : i32
      %rem3A_430 = arith.remsi %add3A_371, %jit3A_413 : i32
      %ne3A_431 = arith.constant 0 : i32
      %ne3A_432 = arith.cmpi ne, %rem3A_430, %ne3A_431 : i32
      %and3A_433 = arith.andi %ne3A_429, %ne3A_432 : i1
      %sub3A_434 = arith.constant 1 : i32
      %sub3A_435 = arith.subi %div3A_414, %sub3A_434 : i32
      %select_n3A_436 = arith.select %and3A_433, %sub3A_435, %div3A_414 : i32
      %jit3A_437 = arith.constant 7 : i32
      %eq3A_438 = arith.constant 0 : i32
      %eq3A_439 = arith.cmpi eq, %jit3A_437, %eq3A_438 : i32
      %jit3A_440 = arith.constant 1 : i32
      %select_n3A_441 = arith.select %eq3A_439, %jit3A_440, %jit3A_437 : i32
      %rem3A_442 = arith.remsi %add3A_371, %select_n3A_441 : i32
      %ne3A_443 = arith.constant 0 : i32
      %ne3A_444 = arith.cmpi ne, %rem3A_442, %ne3A_443 : i32
      %lt3A_445 = arith.constant 0 : i32
      %lt3A_446 = arith.cmpi slt, %rem3A_442, %lt3A_445 : i32
      %lt3A_447 = arith.constant 0 : i32
      %lt3A_448 = arith.cmpi slt, %select_n3A_441, %lt3A_447 : i32
      %ne3A_449 = arith.xori %lt3A_446, %lt3A_448 : i1
      %and3A_450 = arith.andi %ne3A_449, %ne3A_444 : i1
      %add3A_451 = arith.addi %rem3A_442, %select_n3A_441 : i32
      %select_n3A_452 = arith.select %and3A_450, %add3A_451, %rem3A_442 : i32
      %mul3A_453 = arith.constant 112 : i32
      %mul3A_454 = arith.muli %select_n3A_452, %mul3A_453 : i32
      %mul3A_455 = arith.constant 3 : i32
      %mul3A_456 = arith.muli %select_n3A_436, %mul3A_455 : i32
      %mul3A_457 = arith.constant 784 : i32
      %mul3A_458 = arith.muli %mul3A_456, %mul3A_457 : i32
      %add3A_459 = arith.addi %mul3A_458, %mul3A_454 : i32
      %mul3A_460 = arith.constant 4 : i32
      %mul3A_461 = arith.muli %add3A, %mul3A_460 : i32
      %add3A_462 = arith.addi %mul3A_461, %select_n3A_436 : i32
      %dma_start3A_463 = arith.constant 1 : i32
      %dma_start3A_464 = arith.constant 0 : i32
      %dma_start3A_465 = arith.constant 0 : i32
      %dma_start3A_466 = tpu.memref_slice %arg7[%dma_start3A_463, %dma_start3A_464, %dma_start3A_465] : memref<3x64x113xf32, #tpu.memory_space<vmem>> -> memref<1x64x112xf32, #tpu.memory_space<vmem>>
      %dma_start3A_467 = tpu.memref_squeeze %dma_start3A_466 : memref<1x64x112xf32, #tpu.memory_space<vmem>> -> memref<64x112xf32, #tpu.memory_space<vmem>>
      %dma_start3A_468 = arith.constant 0 : i32
      %dma_start3A_469 = tpu.memref_slice %arg4[%add3A_462, %dma_start3A_468, %mul3A_454] : memref<128x64x784xf32, #tpu.memory_space<hbm>> -> memref<1x64x112xf32, #tpu.memory_space<hbm>>
      %dma_start3A_470 = tpu.memref_squeeze %dma_start3A_469 : memref<1x64x112xf32, #tpu.memory_space<hbm>> -> memref<64x112xf32, #tpu.memory_space<hbm>>
      %dma_start3A_471 = arith.constant 0 : i32
      %dma_start3A_472 = tpu.memref_slice %arg4[%add3A_462, %dma_start3A_471, %mul3A_454] : memref<128x64x784xf32, #tpu.memory_space<hbm>> -> memref<1x64x112xf32, #tpu.memory_space<hbm>>
      %dma_start3A_473 = tpu.memref_squeeze %dma_start3A_472 : memref<1x64x112xf32, #tpu.memory_space<hbm>> -> memref<64x112xf32, #tpu.memory_space<hbm>>
      %dma_start3A_474 = arith.constant 0 : i32
      %dma_start3A_475 = arith.constant 0 : i32
      %dma_start3A_476 = tpu.memref_slice %arg7[%dma_start3A_463, %dma_start3A_474, %dma_start3A_475] : memref<3x64x113xf32, #tpu.memory_space<vmem>> -> memref<1x64x112xf32, #tpu.memory_space<vmem>>
      %dma_start3A_477 = tpu.memref_squeeze %dma_start3A_476 : memref<1x64x112xf32, #tpu.memory_space<vmem>> -> memref<64x112xf32, #tpu.memory_space<vmem>>
      tpu.enqueue_dma source(%dma_start3A_477 : memref<64x112xf32, #tpu.memory_space<vmem>>) target(%dma_start3A_473 : memref<64x112xf32, #tpu.memory_space<hbm>>) target_semaphore(%arg12 : memref<!tpu.dma_semaphore, #tpu.memory_space<semaphore_mem>>)
      %add3A_478 = arith.constant 3 : i32
      %add3A_479 = arith.addi %add3A_371, %add3A_478 : i32
      %lt3A_480 = arith.constant 28 : i32
      %lt3A_481 = arith.cmpi slt, %add3A_479, %lt3A_480 : i32
      %convert_element_type3A_482 = arith.extui %lt3A_481 : i1 to i32
      %cond3A_483 = arith.constant 0 : i32
      %cond3A_484 = arith.cmpi ne, %convert_element_type3A_482, %cond3A_483 : i32
      scf.if %cond3A_484 {
        %add3A_603 = arith.constant 3 : i32
        %add3A_604 = arith.addi %add3A_371, %add3A_603 : i32
        %jit3A_605 = arith.constant 7 : i32
        %div3A_606 = arith.divsi %add3A_604, %jit3A_605 : i32
        %sign3A_607 = arith.constant 0 : i32
        %sign3A_608 = arith.cmpi sgt, %add3A_604, %sign3A_607 : i32
        %sign3A_609 = arith.extui %sign3A_608 : i1 to i32
        %sign3A_610 = arith.constant 0 : i32
        %sign3A_611 = arith.cmpi slt, %add3A_604, %sign3A_610 : i32
        %sign3A_612 = arith.extui %sign3A_611 : i1 to i32
        %sign3A_613 = arith.subi %sign3A_609, %sign3A_612 : i32
        %sign3A_614 = arith.constant 0 : i32
        %sign3A_615 = arith.cmpi sgt, %jit3A_605, %sign3A_614 : i32
        %sign3A_616 = arith.extui %sign3A_615 : i1 to i32
        %sign3A_617 = arith.constant 0 : i32
        %sign3A_618 = arith.cmpi slt, %jit3A_605, %sign3A_617 : i32
        %sign3A_619 = arith.extui %sign3A_618 : i1 to i32
        %sign3A_620 = arith.subi %sign3A_616, %sign3A_619 : i32
        %ne3A_621 = arith.cmpi ne, %sign3A_613, %sign3A_620 : i32
        %rem3A_622 = arith.remsi %add3A_604, %jit3A_605 : i32
        %ne3A_623 = arith.constant 0 : i32
        %ne3A_624 = arith.cmpi ne, %rem3A_622, %ne3A_623 : i32
        %and3A_625 = arith.andi %ne3A_621, %ne3A_624 : i1
        %sub3A_626 = arith.constant 1 : i32
        %sub3A_627 = arith.subi %div3A_606, %sub3A_626 : i32
        %select_n3A_628 = arith.select %and3A_625, %sub3A_627, %div3A_606 : i32
        %jit3A_629 = arith.constant 7 : i32
        %eq3A_630 = arith.constant 0 : i32
        %eq3A_631 = arith.cmpi eq, %jit3A_629, %eq3A_630 : i32
        %jit3A_632 = arith.constant 1 : i32
        %select_n3A_633 = arith.select %eq3A_631, %jit3A_632, %jit3A_629 : i32
        %rem3A_634 = arith.remsi %add3A_604, %select_n3A_633 : i32
        %ne3A_635 = arith.constant 0 : i32
        %ne3A_636 = arith.cmpi ne, %rem3A_634, %ne3A_635 : i32
        %lt3A_637 = arith.constant 0 : i32
        %lt3A_638 = arith.cmpi slt, %rem3A_634, %lt3A_637 : i32
        %lt3A_639 = arith.constant 0 : i32
        %lt3A_640 = arith.cmpi slt, %select_n3A_633, %lt3A_639 : i32
        %ne3A_641 = arith.xori %lt3A_638, %lt3A_640 : i1
        %and3A_642 = arith.andi %ne3A_641, %ne3A_636 : i1
        %add3A_643 = arith.addi %rem3A_634, %select_n3A_633 : i32
        %select_n3A_644 = arith.select %and3A_642, %add3A_643, %rem3A_634 : i32
        %mul3A_645 = arith.constant 112 : i32
        %mul3A_646 = arith.muli %select_n3A_644, %mul3A_645 : i32
        %mul3A_647 = arith.constant 3 : i32
        %mul3A_648 = arith.muli %select_n3A_628, %mul3A_647 : i32
        %mul3A_649 = arith.constant 784 : i32
        %mul3A_650 = arith.muli %mul3A_648, %mul3A_649 : i32
        %add3A_651 = arith.addi %mul3A_650, %mul3A_646 : i32
        %add3A_652 = arith.constant 0 : i32
        %add3A_653 = arith.addi %add3A_651, %add3A_652 : i32
        %dma_start3A_654 = arith.constant 1 : i32
        %dma_start3A_655 = arith.constant 0 : i32
        %dma_start3A_656 = arith.constant 0 : i32
        %dma_start3A_657 = arith.constant 0 : i32
        %dma_start3A_658 = tpu.memref_slice %arg6[%dma_start3A_654, %dma_start3A_655, %dma_start3A_656, %dma_start3A_657] : memref<3x3x112x64xf32, #tpu.memory_space<vmem>> -> memref<1x1x112x64xf32, #tpu.memory_space<vmem>>
        %dma_start3A_659 = tpu.memref_squeeze %dma_start3A_658 : memref<1x1x112x64xf32, #tpu.memory_space<vmem>> -> memref<112x64xf32, #tpu.memory_space<vmem>>
        %dma_start3A_660 = tpu.memref_slice %arg5[%add3A_653] : memref<9408xi32, #tpu.memory_space<vmem>> -> memref<112xi32, #tpu.memory_space<vmem>>
        %dma_start3A_661 = arith.constant 0 : i32
        %dma_start3A_662 = arith.constant 0 : i32
        %dma_start3A_663 = tpu.memref_slice %arg3[%dma_start3A_661, %dma_start3A_662] : memref<300000x64xf32, #tpu.memory_space<hbm>> -> memref<300000x64xf32, #tpu.memory_space<hbm>>
        tpu.enqueue_indirect_dma source(%dma_start3A_663 : memref<300000x64xf32, #tpu.memory_space<hbm>>) target(%dma_start3A_659 : memref<112x64xf32, #tpu.memory_space<vmem>>) offsets(%dma_start3A_660 : memref<112xi32, #tpu.memory_space<vmem>>) semaphore(%arg9 : memref<!tpu.dma_semaphore, #tpu.memory_space<semaphore_mem>>)
        %add3A_664 = arith.constant 784 : i32
        %add3A_665 = arith.addi %add3A_651, %add3A_664 : i32
        %dma_start3A_666 = arith.constant 1 : i32
        %dma_start3A_667 = arith.constant 1 : i32
        %dma_start3A_668 = arith.constant 0 : i32
        %dma_start3A_669 = arith.constant 0 : i32
        %dma_start3A_670 = tpu.memref_slice %arg6[%dma_start3A_666, %dma_start3A_667, %dma_start3A_668, %dma_start3A_669] : memref<3x3x112x64xf32, #tpu.memory_space<vmem>> -> memref<1x1x112x64xf32, #tpu.memory_space<vmem>>
        %dma_start3A_671 = tpu.memref_squeeze %dma_start3A_670 : memref<1x1x112x64xf32, #tpu.memory_space<vmem>> -> memref<112x64xf32, #tpu.memory_space<vmem>>
        %dma_start3A_672 = tpu.memref_slice %arg5[%add3A_665] : memref<9408xi32, #tpu.memory_space<vmem>> -> memref<112xi32, #tpu.memory_space<vmem>>
        %dma_start3A_673 = arith.constant 0 : i32
        %dma_start3A_674 = arith.constant 0 : i32
        %dma_start3A_675 = tpu.memref_slice %arg3[%dma_start3A_673, %dma_start3A_674] : memref<300000x64xf32, #tpu.memory_space<hbm>> -> memref<300000x64xf32, #tpu.memory_space<hbm>>
        tpu.enqueue_indirect_dma source(%dma_start3A_675 : memref<300000x64xf32, #tpu.memory_space<hbm>>) target(%dma_start3A_671 : memref<112x64xf32, #tpu.memory_space<vmem>>) offsets(%dma_start3A_672 : memref<112xi32, #tpu.memory_space<vmem>>) semaphore(%arg9 : memref<!tpu.dma_semaphore, #tpu.memory_space<semaphore_mem>>)
        %add3A_676 = arith.constant 1568 : i32
        %add3A_677 = arith.addi %add3A_651, %add3A_676 : i32
        %dma_start3A_678 = arith.constant 1 : i32
        %dma_start3A_679 = arith.constant 2 : i32
        %dma_start3A_680 = arith.constant 0 : i32
        %dma_start3A_681 = arith.constant 0 : i32
        %dma_start3A_682 = tpu.memref_slice %arg6[%dma_start3A_678, %dma_start3A_679, %dma_start3A_680, %dma_start3A_681] : memref<3x3x112x64xf32, #tpu.memory_space<vmem>> -> memref<1x1x112x64xf32, #tpu.memory_space<vmem>>
        %dma_start3A_683 = tpu.memref_squeeze %dma_start3A_682 : memref<1x1x112x64xf32, #tpu.memory_space<vmem>> -> memref<112x64xf32, #tpu.memory_space<vmem>>
        %dma_start3A_684 = tpu.memref_slice %arg5[%add3A_677] : memref<9408xi32, #tpu.memory_space<vmem>> -> memref<112xi32, #tpu.memory_space<vmem>>
        %dma_start3A_685 = arith.constant 0 : i32
        %dma_start3A_686 = arith.constant 0 : i32
        %dma_start3A_687 = tpu.memref_slice %arg3[%dma_start3A_685, %dma_start3A_686] : memref<300000x64xf32, #tpu.memory_space<hbm>> -> memref<300000x64xf32, #tpu.memory_space<hbm>>
        tpu.enqueue_indirect_dma source(%dma_start3A_687 : memref<300000x64xf32, #tpu.memory_space<hbm>>) target(%dma_start3A_683 : memref<112x64xf32, #tpu.memory_space<vmem>>) offsets(%dma_start3A_684 : memref<112xi32, #tpu.memory_space<vmem>>) semaphore(%arg9 : memref<!tpu.dma_semaphore, #tpu.memory_space<semaphore_mem>>)
      } else {
      }
      %mul3A_485 = arith.constant 3 : i32
      %mul3A_486 = arith.muli %mul3A_485, %scan3A_262 : i32
      %add3A_487 = arith.constant 2 : i32
      %add3A_488 = arith.addi %mul3A_486, %add3A_487 : i32
      %dma_wait3A_489 = arith.constant 2 : i32
      %dma_wait3A_490 = arith.constant 0 : i32
      %dma_wait3A_491 = arith.constant 0 : i32
      %dma_wait3A_492 = arith.constant 0 : i32
      %dma_wait3A_493 = tpu.memref_slice %arg6[%dma_wait3A_489, %dma_wait3A_490, %dma_wait3A_491, %dma_wait3A_492] : memref<3x3x112x64xf32, #tpu.memory_space<vmem>> -> memref<1x1x112x64xf32, #tpu.memory_space<vmem>>
      %dma_wait3A_494 = tpu.memref_squeeze %dma_wait3A_493 : memref<1x1x112x64xf32, #tpu.memory_space<vmem>> -> memref<112x64xf32, #tpu.memory_space<vmem>>
      %dma_wait3A_495 = arith.constant 0 : i32
      %dma_wait3A_496 = tpu.memref_slice %arg5[%dma_wait3A_495] : memref<9408xi32, #tpu.memory_space<vmem>> -> memref<112xi32, #tpu.memory_space<vmem>>
      %dma_wait3A_497 = arith.constant 0 : i32
      %dma_wait3A_498 = arith.constant 0 : i32
      %dma_wait3A_499 = tpu.memref_slice %arg3[%dma_wait3A_497, %dma_wait3A_498] : memref<300000x64xf32, #tpu.memory_space<hbm>> -> memref<300000x64xf32, #tpu.memory_space<hbm>>
      tpu.wait_indirect_dma semaphore(%arg10 : memref<!tpu.dma_semaphore, #tpu.memory_space<semaphore_mem>>) src(%dma_wait3A_499 : memref<300000x64xf32, #tpu.memory_space<hbm>>) dst(%dma_wait3A_494 : memref<112x64xf32, #tpu.memory_space<vmem>>)
      %dma_wait3A_500 = arith.constant 2 : i32
      %dma_wait3A_501 = arith.constant 1 : i32
      %dma_wait3A_502 = arith.constant 0 : i32
      %dma_wait3A_503 = arith.constant 0 : i32
      %dma_wait3A_504 = tpu.memref_slice %arg6[%dma_wait3A_500, %dma_wait3A_501, %dma_wait3A_502, %dma_wait3A_503] : memref<3x3x112x64xf32, #tpu.memory_space<vmem>> -> memref<1x1x112x64xf32, #tpu.memory_space<vmem>>
      %dma_wait3A_505 = tpu.memref_squeeze %dma_wait3A_504 : memref<1x1x112x64xf32, #tpu.memory_space<vmem>> -> memref<112x64xf32, #tpu.memory_space<vmem>>
      %dma_wait3A_506 = arith.constant 0 : i32
      %dma_wait3A_507 = tpu.memref_slice %arg5[%dma_wait3A_506] : memref<9408xi32, #tpu.memory_space<vmem>> -> memref<112xi32, #tpu.memory_space<vmem>>
      %dma_wait3A_508 = arith.constant 0 : i32
      %dma_wait3A_509 = arith.constant 0 : i32
      %dma_wait3A_510 = tpu.memref_slice %arg3[%dma_wait3A_508, %dma_wait3A_509] : memref<300000x64xf32, #tpu.memory_space<hbm>> -> memref<300000x64xf32, #tpu.memory_space<hbm>>
      tpu.wait_indirect_dma semaphore(%arg10 : memref<!tpu.dma_semaphore, #tpu.memory_space<semaphore_mem>>) src(%dma_wait3A_510 : memref<300000x64xf32, #tpu.memory_space<hbm>>) dst(%dma_wait3A_505 : memref<112x64xf32, #tpu.memory_space<vmem>>)
      %dma_wait3A_511 = arith.constant 2 : i32
      %dma_wait3A_512 = arith.constant 2 : i32
      %dma_wait3A_513 = arith.constant 0 : i32
      %dma_wait3A_514 = arith.constant 0 : i32
      %dma_wait3A_515 = tpu.memref_slice %arg6[%dma_wait3A_511, %dma_wait3A_512, %dma_wait3A_513, %dma_wait3A_514] : memref<3x3x112x64xf32, #tpu.memory_space<vmem>> -> memref<1x1x112x64xf32, #tpu.memory_space<vmem>>
      %dma_wait3A_516 = tpu.memref_squeeze %dma_wait3A_515 : memref<1x1x112x64xf32, #tpu.memory_space<vmem>> -> memref<112x64xf32, #tpu.memory_space<vmem>>
      %dma_wait3A_517 = arith.constant 0 : i32
      %dma_wait3A_518 = tpu.memref_slice %arg5[%dma_wait3A_517] : memref<9408xi32, #tpu.memory_space<vmem>> -> memref<112xi32, #tpu.memory_space<vmem>>
      %dma_wait3A_519 = arith.constant 0 : i32
      %dma_wait3A_520 = arith.constant 0 : i32
      %dma_wait3A_521 = tpu.memref_slice %arg3[%dma_wait3A_519, %dma_wait3A_520] : memref<300000x64xf32, #tpu.memory_space<hbm>> -> memref<300000x64xf32, #tpu.memory_space<hbm>>
      tpu.wait_indirect_dma semaphore(%arg10 : memref<!tpu.dma_semaphore, #tpu.memory_space<semaphore_mem>>) src(%dma_wait3A_521 : memref<300000x64xf32, #tpu.memory_space<hbm>>) dst(%dma_wait3A_516 : memref<112x64xf32, #tpu.memory_space<vmem>>)
      %ge3A_522 = arith.constant 3 : i32
      %ge3A_523 = arith.cmpi sge, %add3A_488, %ge3A_522 : i32
      %convert_element_type3A_524 = arith.extui %ge3A_523 : i1 to i32
      %cond3A_525 = arith.constant 0 : i32
      %cond3A_526 = arith.cmpi ne, %convert_element_type3A_524, %cond3A_525 : i32
      scf.if %cond3A_526 {
        %sub3A_603 = arith.constant 3 : i32
        %sub3A_604 = arith.subi %add3A_488, %sub3A_603 : i32
        %jit3A_605 = arith.constant 7 : i32
        %div3A_606 = arith.divsi %sub3A_604, %jit3A_605 : i32
        %sign3A_607 = arith.constant 0 : i32
        %sign3A_608 = arith.cmpi sgt, %sub3A_604, %sign3A_607 : i32
        %sign3A_609 = arith.extui %sign3A_608 : i1 to i32
        %sign3A_610 = arith.constant 0 : i32
        %sign3A_611 = arith.cmpi slt, %sub3A_604, %sign3A_610 : i32
        %sign3A_612 = arith.extui %sign3A_611 : i1 to i32
        %sign3A_613 = arith.subi %sign3A_609, %sign3A_612 : i32
        %sign3A_614 = arith.constant 0 : i32
        %sign3A_615 = arith.cmpi sgt, %jit3A_605, %sign3A_614 : i32
        %sign3A_616 = arith.extui %sign3A_615 : i1 to i32
        %sign3A_617 = arith.constant 0 : i32
        %sign3A_618 = arith.cmpi slt, %jit3A_605, %sign3A_617 : i32
        %sign3A_619 = arith.extui %sign3A_618 : i1 to i32
        %sign3A_620 = arith.subi %sign3A_616, %sign3A_619 : i32
        %ne3A_621 = arith.cmpi ne, %sign3A_613, %sign3A_620 : i32
        %rem3A_622 = arith.remsi %sub3A_604, %jit3A_605 : i32
        %ne3A_623 = arith.constant 0 : i32
        %ne3A_624 = arith.cmpi ne, %rem3A_622, %ne3A_623 : i32
        %and3A_625 = arith.andi %ne3A_621, %ne3A_624 : i1
        %sub3A_626 = arith.constant 1 : i32
        %sub3A_627 = arith.subi %div3A_606, %sub3A_626 : i32
        %select_n3A_628 = arith.select %and3A_625, %sub3A_627, %div3A_606 : i32
        %jit3A_629 = arith.constant 7 : i32
        %eq3A_630 = arith.constant 0 : i32
        %eq3A_631 = arith.cmpi eq, %jit3A_629, %eq3A_630 : i32
        %jit3A_632 = arith.constant 1 : i32
        %select_n3A_633 = arith.select %eq3A_631, %jit3A_632, %jit3A_629 : i32
        %rem3A_634 = arith.remsi %sub3A_604, %select_n3A_633 : i32
        %ne3A_635 = arith.constant 0 : i32
        %ne3A_636 = arith.cmpi ne, %rem3A_634, %ne3A_635 : i32
        %lt3A_637 = arith.constant 0 : i32
        %lt3A_638 = arith.cmpi slt, %rem3A_634, %lt3A_637 : i32
        %lt3A_639 = arith.constant 0 : i32
        %lt3A_640 = arith.cmpi slt, %select_n3A_633, %lt3A_639 : i32
        %ne3A_641 = arith.xori %lt3A_638, %lt3A_640 : i1
        %and3A_642 = arith.andi %ne3A_641, %ne3A_636 : i1
        %add3A_643 = arith.addi %rem3A_634, %select_n3A_633 : i32
        %select_n3A_644 = arith.select %and3A_642, %add3A_643, %rem3A_634 : i32
        %mul3A_645 = arith.constant 112 : i32
        %mul3A_646 = arith.muli %select_n3A_644, %mul3A_645 : i32
        %mul3A_647 = arith.constant 3 : i32
        %mul3A_648 = arith.muli %select_n3A_628, %mul3A_647 : i32
        %mul3A_649 = arith.constant 784 : i32
        %mul3A_650 = arith.muli %mul3A_648, %mul3A_649 : i32
        %add3A_651 = arith.addi %mul3A_650, %mul3A_646 : i32
        %mul3A_652 = arith.constant 4 : i32
        %mul3A_653 = arith.muli %add3A, %mul3A_652 : i32
        %add3A_654 = arith.addi %mul3A_653, %select_n3A_628 : i32
        %dma_wait3A_655 = arith.constant 2 : i32
        %dma_wait3A_656 = arith.constant 0 : i32
        %dma_wait3A_657 = arith.constant 0 : i32
        %dma_wait3A_658 = tpu.memref_slice %arg7[%dma_wait3A_655, %dma_wait3A_656, %dma_wait3A_657] : memref<3x64x113xf32, #tpu.memory_space<vmem>> -> memref<1x64x112xf32, #tpu.memory_space<vmem>>
        %dma_wait3A_659 = tpu.memref_squeeze %dma_wait3A_658 : memref<1x64x112xf32, #tpu.memory_space<vmem>> -> memref<64x112xf32, #tpu.memory_space<vmem>>
        %dma_wait3A_660 = arith.constant 0 : i32
        %dma_wait3A_661 = tpu.memref_slice %arg4[%add3A_654, %dma_wait3A_660, %mul3A_646] : memref<128x64x784xf32, #tpu.memory_space<hbm>> -> memref<1x64x112xf32, #tpu.memory_space<hbm>>
        %dma_wait3A_662 = tpu.memref_squeeze %dma_wait3A_661 : memref<1x64x112xf32, #tpu.memory_space<hbm>> -> memref<64x112xf32, #tpu.memory_space<hbm>>
        %dma_wait3A_663 = arith.constant 0 : i32
        %dma_wait3A_664 = tpu.memref_slice %arg4[%add3A_654, %dma_wait3A_663, %mul3A_646] : memref<128x64x784xf32, #tpu.memory_space<hbm>> -> memref<1x64x112xf32, #tpu.memory_space<hbm>>
        %dma_wait3A_665 = tpu.memref_squeeze %dma_wait3A_664 : memref<1x64x112xf32, #tpu.memory_space<hbm>> -> memref<64x112xf32, #tpu.memory_space<hbm>>
        %dma_wait3A_666 = arith.constant 0 : i32
        %dma_wait3A_667 = arith.constant 0 : i32
        %dma_wait3A_668 = tpu.memref_slice %arg7[%dma_wait3A_655, %dma_wait3A_666, %dma_wait3A_667] : memref<3x64x113xf32, #tpu.memory_space<vmem>> -> memref<1x64x112xf32, #tpu.memory_space<vmem>>
        %dma_wait3A_669 = tpu.memref_squeeze %dma_wait3A_668 : memref<1x64x112xf32, #tpu.memory_space<vmem>> -> memref<64x112xf32, #tpu.memory_space<vmem>>
        tpu.wait_dma2 semaphore(%arg13 : memref<!tpu.dma_semaphore, #tpu.memory_space<semaphore_mem>>) src(%dma_wait3A_669 : memref<64x112xf32, #tpu.memory_space<vmem>>) dst(%dma_wait3A_665 : memref<64x112xf32, #tpu.memory_space<hbm>>)
      } else {
      }
      %parallel_loop3A_527 = arith.constant 0 : i32
      %parallel_loop3A_528 = arith.constant 112 : i32
      %parallel_loop3A_529 = arith.constant 1 : i32
      scf.for %parallel_loop3A_603 = %parallel_loop3A_527 to %parallel_loop3A_528 step %parallel_loop3A_529  : i32 {
        %parallel_loop3A_604 = vector.broadcast %parallel_loop3A_603 : i32 to vector<16xi32>
        %parallel_loop3A_605 = arith.constant 2 : i32
        %parallel_loop3A_606 = arith.constant 0 : i32
        %parallel_loop3A_607 = arith.index_cast %parallel_loop3A_605 : i32 to index
        %parallel_loop3A_608 = arith.index_cast %parallel_loop3A_606 : i32 to index
        %parallel_loop3A_609 = arith.index_cast %parallel_loop3A_603 : i32 to index
        %parallel_loop3A_610 = arith.constant 0 : index
        %parallel_loop3A_611 = tpu.vector_load %arg6[%parallel_loop3A_607, %parallel_loop3A_608, %parallel_loop3A_609, %parallel_loop3A_610] {strides = array<i32>} : memref<3x3x112x64xf32, #tpu.memory_space<vmem>>, vector<16xf32>,
        %parallel_loop3A_612 = arith.constant 2 : i32
        %parallel_loop3A_613 = arith.constant 1 : i32
        %parallel_loop3A_614 = arith.index_cast %parallel_loop3A_612 : i32 to index
        %parallel_loop3A_615 = arith.index_cast %parallel_loop3A_613 : i32 to index
        %parallel_loop3A_616 = arith.index_cast %parallel_loop3A_603 : i32 to index
        %parallel_loop3A_617 = arith.constant 0 : index
        %parallel_loop3A_618 = tpu.vector_load %arg6[%parallel_loop3A_614, %parallel_loop3A_615, %parallel_loop3A_616, %parallel_loop3A_617] {strides = array<i32>} : memref<3x3x112x64xf32, #tpu.memory_space<vmem>>, vector<16xf32>,
        %parallel_loop3A_619 = arith.addf %parallel_loop3A_611, %parallel_loop3A_618 : vector<16xf32>
        %parallel_loop3A_620 = arith.constant 2 : i32
        %parallel_loop3A_621 = arith.constant 2 : i32
        %parallel_loop3A_622 = arith.index_cast %parallel_loop3A_620 : i32 to index
        %parallel_loop3A_623 = arith.index_cast %parallel_loop3A_621 : i32 to index
        %parallel_loop3A_624 = arith.index_cast %parallel_loop3A_603 : i32 to index
        %parallel_loop3A_625 = arith.constant 0 : index
        %parallel_loop3A_626 = tpu.vector_load %arg6[%parallel_loop3A_622, %parallel_loop3A_623, %parallel_loop3A_624, %parallel_loop3A_625] {strides = array<i32>} : memref<3x3x112x64xf32, #tpu.memory_space<vmem>>, vector<16xf32>,
        %parallel_loop3A_627 = arith.addf %parallel_loop3A_619, %parallel_loop3A_626 : vector<16xf32>
        %parallel_loop3A_628 = arith.constant 2 : i32
        %parallel_loop3A_629 = arith.constant 0 : i32
        %parallel_loop3A_630 = arith.constant 0 : i32
        %parallel_loop3A_631 = tpu.memref_slice %arg7[%parallel_loop3A_628, %parallel_loop3A_629, %parallel_loop3A_630] : memref<3x64x113xf32, #tpu.memory_space<vmem>> -> memref<1x64x113xf32, #tpu.memory_space<vmem>>
        %parallel_loop3A_632 = tpu.memref_squeeze %parallel_loop3A_631 : memref<1x64x113xf32, #tpu.memory_space<vmem>> -> memref<64x113xf32, #tpu.memory_space<vmem>>
        tpu.vector_store_idx %parallel_loop3A_632[%add3A_107, %parallel_loop3A_604], %parallel_loop3A_627 : memref<64x113xf32, #tpu.memory_space<vmem>>[vector<16xi32>, vector<16xi32>], vector<16xf32>,
        %parallel_loop3A_633 = arith.constant 2 : i32
        %parallel_loop3A_634 = arith.constant 0 : i32
        %parallel_loop3A_635 = arith.index_cast %parallel_loop3A_633 : i32 to index
        %parallel_loop3A_636 = arith.index_cast %parallel_loop3A_634 : i32 to index
        %parallel_loop3A_637 = arith.index_cast %parallel_loop3A_603 : i32 to index
        %parallel_loop3A_638 = arith.constant 16 : index
        %parallel_loop3A_639 = tpu.vector_load %arg6[%parallel_loop3A_635, %parallel_loop3A_636, %parallel_loop3A_637, %parallel_loop3A_638] {strides = array<i32>} : memref<3x3x112x64xf32, #tpu.memory_space<vmem>>, vector<16xf32>,
        %parallel_loop3A_640 = arith.constant 2 : i32
        %parallel_loop3A_641 = arith.constant 1 : i32
        %parallel_loop3A_642 = arith.index_cast %parallel_loop3A_640 : i32 to index
        %parallel_loop3A_643 = arith.index_cast %parallel_loop3A_641 : i32 to index
        %parallel_loop3A_644 = arith.index_cast %parallel_loop3A_603 : i32 to index
        %parallel_loop3A_645 = arith.constant 16 : index
        %parallel_loop3A_646 = tpu.vector_load %arg6[%parallel_loop3A_642, %parallel_loop3A_643, %parallel_loop3A_644, %parallel_loop3A_645] {strides = array<i32>} : memref<3x3x112x64xf32, #tpu.memory_space<vmem>>, vector<16xf32>,
        %parallel_loop3A_647 = arith.addf %parallel_loop3A_639, %parallel_loop3A_646 : vector<16xf32>
        %parallel_loop3A_648 = arith.constant 2 : i32
        %parallel_loop3A_649 = arith.constant 2 : i32
        %parallel_loop3A_650 = arith.index_cast %parallel_loop3A_648 : i32 to index
        %parallel_loop3A_651 = arith.index_cast %parallel_loop3A_649 : i32 to index
        %parallel_loop3A_652 = arith.index_cast %parallel_loop3A_603 : i32 to index
        %parallel_loop3A_653 = arith.constant 16 : index
        %parallel_loop3A_654 = tpu.vector_load %arg6[%parallel_loop3A_650, %parallel_loop3A_651, %parallel_loop3A_652, %parallel_loop3A_653] {strides = array<i32>} : memref<3x3x112x64xf32, #tpu.memory_space<vmem>>, vector<16xf32>,
        %parallel_loop3A_655 = arith.addf %parallel_loop3A_647, %parallel_loop3A_654 : vector<16xf32>
        %parallel_loop3A_656 = arith.constant 2 : i32
        %parallel_loop3A_657 = arith.constant 0 : i32
        %parallel_loop3A_658 = arith.constant 0 : i32
        %parallel_loop3A_659 = tpu.memref_slice %arg7[%parallel_loop3A_656, %parallel_loop3A_657, %parallel_loop3A_658] : memref<3x64x113xf32, #tpu.memory_space<vmem>> -> memref<1x64x113xf32, #tpu.memory_space<vmem>>
        %parallel_loop3A_660 = tpu.memref_squeeze %parallel_loop3A_659 : memref<1x64x113xf32, #tpu.memory_space<vmem>> -> memref<64x113xf32, #tpu.memory_space<vmem>>
        tpu.vector_store_idx %parallel_loop3A_660[%add3A_110, %parallel_loop3A_604], %parallel_loop3A_655 : memref<64x113xf32, #tpu.memory_space<vmem>>[vector<16xi32>, vector<16xi32>], vector<16xf32>,
        %parallel_loop3A_661 = arith.constant 2 : i32
        %parallel_loop3A_662 = arith.constant 0 : i32
        %parallel_loop3A_663 = arith.index_cast %parallel_loop3A_661 : i32 to index
        %parallel_loop3A_664 = arith.index_cast %parallel_loop3A_662 : i32 to index
        %parallel_loop3A_665 = arith.index_cast %parallel_loop3A_603 : i32 to index
        %parallel_loop3A_666 = arith.constant 32 : index
        %parallel_loop3A_667 = tpu.vector_load %arg6[%parallel_loop3A_663, %parallel_loop3A_664, %parallel_loop3A_665, %parallel_loop3A_666] {strides = array<i32>} : memref<3x3x112x64xf32, #tpu.memory_space<vmem>>, vector<16xf32>,
        %parallel_loop3A_668 = arith.constant 2 : i32
        %parallel_loop3A_669 = arith.constant 1 : i32
        %parallel_loop3A_670 = arith.index_cast %parallel_loop3A_668 : i32 to index
        %parallel_loop3A_671 = arith.index_cast %parallel_loop3A_669 : i32 to index
        %parallel_loop3A_672 = arith.index_cast %parallel_loop3A_603 : i32 to index
        %parallel_loop3A_673 = arith.constant 32 : index
        %parallel_loop3A_674 = tpu.vector_load %arg6[%parallel_loop3A_670, %parallel_loop3A_671, %parallel_loop3A_672, %parallel_loop3A_673] {strides = array<i32>} : memref<3x3x112x64xf32, #tpu.memory_space<vmem>>, vector<16xf32>,
        %parallel_loop3A_675 = arith.addf %parallel_loop3A_667, %parallel_loop3A_674 : vector<16xf32>
        %parallel_loop3A_676 = arith.constant 2 : i32
        %parallel_loop3A_677 = arith.constant 2 : i32
        %parallel_loop3A_678 = arith.index_cast %parallel_loop3A_676 : i32 to index
        %parallel_loop3A_679 = arith.index_cast %parallel_loop3A_677 : i32 to index
        %parallel_loop3A_680 = arith.index_cast %parallel_loop3A_603 : i32 to index
        %parallel_loop3A_681 = arith.constant 32 : index
        %parallel_loop3A_682 = tpu.vector_load %arg6[%parallel_loop3A_678, %parallel_loop3A_679, %parallel_loop3A_680, %parallel_loop3A_681] {strides = array<i32>} : memref<3x3x112x64xf32, #tpu.memory_space<vmem>>, vector<16xf32>,
        %parallel_loop3A_683 = arith.addf %parallel_loop3A_675, %parallel_loop3A_682 : vector<16xf32>
        %parallel_loop3A_684 = arith.constant 2 : i32
        %parallel_loop3A_685 = arith.constant 0 : i32
        %parallel_loop3A_686 = arith.constant 0 : i32
        %parallel_loop3A_687 = tpu.memref_slice %arg7[%parallel_loop3A_684, %parallel_loop3A_685, %parallel_loop3A_686] : memref<3x64x113xf32, #tpu.memory_space<vmem>> -> memref<1x64x113xf32, #tpu.memory_space<vmem>>
        %parallel_loop3A_688 = tpu.memref_squeeze %parallel_loop3A_687 : memref<1x64x113xf32, #tpu.memory_space<vmem>> -> memref<64x113xf32, #tpu.memory_space<vmem>>
        tpu.vector_store_idx %parallel_loop3A_688[%add3A_113, %parallel_loop3A_604], %parallel_loop3A_683 : memref<64x113xf32, #tpu.memory_space<vmem>>[vector<16xi32>, vector<16xi32>], vector<16xf32>,
        %parallel_loop3A_689 = arith.constant 2 : i32
        %parallel_loop3A_690 = arith.constant 0 : i32
        %parallel_loop3A_691 = arith.index_cast %parallel_loop3A_689 : i32 to index
        %parallel_loop3A_692 = arith.index_cast %parallel_loop3A_690 : i32 to index
        %parallel_loop3A_693 = arith.index_cast %parallel_loop3A_603 : i32 to index
        %parallel_loop3A_694 = arith.constant 48 : index
        %parallel_loop3A_695 = tpu.vector_load %arg6[%parallel_loop3A_691, %parallel_loop3A_692, %parallel_loop3A_693, %parallel_loop3A_694] {strides = array<i32>} : memref<3x3x112x64xf32, #tpu.memory_space<vmem>>, vector<16xf32>,
        %parallel_loop3A_696 = arith.constant 2 : i32
        %parallel_loop3A_697 = arith.constant 1 : i32
        %parallel_loop3A_698 = arith.index_cast %parallel_loop3A_696 : i32 to index
        %parallel_loop3A_699 = arith.index_cast %parallel_loop3A_697 : i32 to index
        %parallel_loop3A_700 = arith.index_cast %parallel_loop3A_603 : i32 to index
        %parallel_loop3A_701 = arith.constant 48 : index
        %parallel_loop3A_702 = tpu.vector_load %arg6[%parallel_loop3A_698, %parallel_loop3A_699, %parallel_loop3A_700, %parallel_loop3A_701] {strides = array<i32>} : memref<3x3x112x64xf32, #tpu.memory_space<vmem>>, vector<16xf32>,
        %parallel_loop3A_703 = arith.addf %parallel_loop3A_695, %parallel_loop3A_702 : vector<16xf32>
        %parallel_loop3A_704 = arith.constant 2 : i32
        %parallel_loop3A_705 = arith.constant 2 : i32
        %parallel_loop3A_706 = arith.index_cast %parallel_loop3A_704 : i32 to index
        %parallel_loop3A_707 = arith.index_cast %parallel_loop3A_705 : i32 to index
        %parallel_loop3A_708 = arith.index_cast %parallel_loop3A_603 : i32 to index
        %parallel_loop3A_709 = arith.constant 48 : index
        %parallel_loop3A_710 = tpu.vector_load %arg6[%parallel_loop3A_706, %parallel_loop3A_707, %parallel_loop3A_708, %parallel_loop3A_709] {strides = array<i32>} : memref<3x3x112x64xf32, #tpu.memory_space<vmem>>, vector<16xf32>,
        %parallel_loop3A_711 = arith.addf %parallel_loop3A_703, %parallel_loop3A_710 : vector<16xf32>
        %parallel_loop3A_712 = arith.constant 2 : i32
        %parallel_loop3A_713 = arith.constant 0 : i32
        %parallel_loop3A_714 = arith.constant 0 : i32
        %parallel_loop3A_715 = tpu.memref_slice %arg7[%parallel_loop3A_712, %parallel_loop3A_713, %parallel_loop3A_714] : memref<3x64x113xf32, #tpu.memory_space<vmem>> -> memref<1x64x113xf32, #tpu.memory_space<vmem>>
        %parallel_loop3A_716 = tpu.memref_squeeze %parallel_loop3A_715 : memref<1x64x113xf32, #tpu.memory_space<vmem>> -> memref<64x113xf32, #tpu.memory_space<vmem>>
        tpu.vector_store_idx %parallel_loop3A_716[%add3A_116, %parallel_loop3A_604], %parallel_loop3A_711 : memref<64x113xf32, #tpu.memory_space<vmem>>[vector<16xi32>, vector<16xi32>], vector<16xf32>,
      } {sc.loop_unroll_factor = 4 : i64, sc.parallel_access}
      %jit3A_530 = arith.constant 7 : i32
      %div3A_531 = arith.divsi %add3A_488, %jit3A_530 : i32
      %sign3A_532 = arith.constant 0 : i32
      %sign3A_533 = arith.cmpi sgt, %add3A_488, %sign3A_532 : i32
      %sign3A_534 = arith.extui %sign3A_533 : i1 to i32
      %sign3A_535 = arith.constant 0 : i32
      %sign3A_536 = arith.cmpi slt, %add3A_488, %sign3A_535 : i32
      %sign3A_537 = arith.extui %sign3A_536 : i1 to i32
      %sign3A_538 = arith.subi %sign3A_534, %sign3A_537 : i32
      %sign3A_539 = arith.constant 0 : i32
      %sign3A_540 = arith.cmpi sgt, %jit3A_530, %sign3A_539 : i32
      %sign3A_541 = arith.extui %sign3A_540 : i1 to i32
      %sign3A_542 = arith.constant 0 : i32
      %sign3A_543 = arith.cmpi slt, %jit3A_530, %sign3A_542 : i32
      %sign3A_544 = arith.extui %sign3A_543 : i1 to i32
      %sign3A_545 = arith.subi %sign3A_541, %sign3A_544 : i32
      %ne3A_546 = arith.cmpi ne, %sign3A_538, %sign3A_545 : i32
      %rem3A_547 = arith.remsi %add3A_488, %jit3A_530 : i32
      %ne3A_548 = arith.constant 0 : i32
      %ne3A_549 = arith.cmpi ne, %rem3A_547, %ne3A_548 : i32
      %and3A_550 = arith.andi %ne3A_546, %ne3A_549 : i1
      %sub3A_551 = arith.constant 1 : i32
      %sub3A_552 = arith.subi %div3A_531, %sub3A_551 : i32
      %select_n3A_553 = arith.select %and3A_550, %sub3A_552, %div3A_531 : i32
      %jit3A_554 = arith.constant 7 : i32
      %eq3A_555 = arith.constant 0 : i32
      %eq3A_556 = arith.cmpi eq, %jit3A_554, %eq3A_555 : i32
      %jit3A_557 = arith.constant 1 : i32
      %select_n3A_558 = arith.select %eq3A_556, %jit3A_557, %jit3A_554 : i32
      %rem3A_559 = arith.remsi %add3A_488, %select_n3A_558 : i32
      %ne3A_560 = arith.constant 0 : i32
      %ne3A_561 = arith.cmpi ne, %rem3A_559, %ne3A_560 : i32
      %lt3A_562 = arith.constant 0 : i32
      %lt3A_563 = arith.cmpi slt, %rem3A_559, %lt3A_562 : i32
      %lt3A_564 = arith.constant 0 : i32
      %lt3A_565 = arith.cmpi slt, %select_n3A_558, %lt3A_564 : i32
      %ne3A_566 = arith.xori %lt3A_563, %lt3A_565 : i1
      %and3A_567 = arith.andi %ne3A_566, %ne3A_561 : i1
      %add3A_568 = arith.addi %rem3A_559, %select_n3A_558 : i32
      %select_n3A_569 = arith.select %and3A_567, %add3A_568, %rem3A_559 : i32
      %mul3A_570 = arith.constant 112 : i32
      %mul3A_571 = arith.muli %select_n3A_569, %mul3A_570 : i32
      %mul3A_572 = arith.constant 3 : i32
      %mul3A_573 = arith.muli %select_n3A_553, %mul3A_572 : i32
      %mul3A_574 = arith.constant 784 : i32
      %mul3A_575 = arith.muli %mul3A_573, %mul3A_574 : i32
      %add3A_576 = arith.addi %mul3A_575, %mul3A_571 : i32
      %mul3A_577 = arith.constant 4 : i32
      %mul3A_578 = arith.muli %add3A, %mul3A_577 : i32
      %add3A_579 = arith.addi %mul3A_578, %select_n3A_553 : i32
      %dma_start3A_580 = arith.constant 2 : i32
      %dma_start3A_581 = arith.constant 0 : i32
      %dma_start3A_582 = arith.constant 0 : i32
      %dma_start3A_583 = tpu.memref_slice %arg7[%dma_start3A_580, %dma_start3A_581, %dma_start3A_582] : memref<3x64x113xf32, #tpu.memory_space<vmem>> -> memref<1x64x112xf32, #tpu.memory_space<vmem>>
      %dma_start3A_584 = tpu.memref_squeeze %dma_start3A_583 : memref<1x64x112xf32, #tpu.memory_space<vmem>> -> memref<64x112xf32, #tpu.memory_space<vmem>>
      %dma_start3A_585 = arith.constant 0 : i32
      %dma_start3A_586 = tpu.memref_slice %arg4[%add3A_579, %dma_start3A_585, %mul3A_571] : memref<128x64x784xf32, #tpu.memory_space<hbm>> -> memref<1x64x112xf32, #tpu.memory_space<hbm>>
      %dma_start3A_587 = tpu.memref_squeeze %dma_start3A_586 : memref<1x64x112xf32, #tpu.memory_space<hbm>> -> memref<64x112xf32, #tpu.memory_space<hbm>>
      %dma_start3A_588 = arith.constant 0 : i32
      %dma_start3A_589 = tpu.memref_slice %arg4[%add3A_579, %dma_start3A_588, %mul3A_571] : memref<128x64x784xf32, #tpu.memory_space<hbm>> -> memref<1x64x112xf32, #tpu.memory_space<hbm>>
      %dma_start3A_590 = tpu.memref_squeeze %dma_start3A_589 : memref<1x64x112xf32, #tpu.memory_space<hbm>> -> memref<64x112xf32, #tpu.memory_space<hbm>>
      %dma_start3A_591 = arith.constant 0 : i32
      %dma_start3A_592 = arith.constant 0 : i32
      %dma_start3A_593 = tpu.memref_slice %arg7[%dma_start3A_580, %dma_start3A_591, %dma_start3A_592] : memref<3x64x113xf32, #tpu.memory_space<vmem>> -> memref<1x64x112xf32, #tpu.memory_space<vmem>>
      %dma_start3A_594 = tpu.memref_squeeze %dma_start3A_593 : memref<1x64x112xf32, #tpu.memory_space<vmem>> -> memref<64x112xf32, #tpu.memory_space<vmem>>
      tpu.enqueue_dma source(%dma_start3A_594 : memref<64x112xf32, #tpu.memory_space<vmem>>) target(%dma_start3A_590 : memref<64x112xf32, #tpu.memory_space<hbm>>) target_semaphore(%arg13 : memref<!tpu.dma_semaphore, #tpu.memory_space<semaphore_mem>>)
      %add3A_595 = arith.constant 3 : i32
      %add3A_596 = arith.addi %add3A_488, %add3A_595 : i32
      %lt3A_597 = arith.constant 28 : i32
      %lt3A_598 = arith.cmpi slt, %add3A_596, %lt3A_597 : i32
      %convert_element_type3A_599 = arith.extui %lt3A_598 : i1 to i32
      %cond3A_600 = arith.constant 0 : i32
      %cond3A_601 = arith.cmpi ne, %convert_element_type3A_599, %cond3A_600 : i32
      scf.if %cond3A_601 {
        %add3A_603 = arith.constant 3 : i32
        %add3A_604 = arith.addi %add3A_488, %add3A_603 : i32
        %jit3A_605 = arith.constant 7 : i32
        %div3A_606 = arith.divsi %add3A_604, %jit3A_605 : i32
        %sign3A_607 = arith.constant 0 : i32
        %sign3A_608 = arith.cmpi sgt, %add3A_604, %sign3A_607 : i32
        %sign3A_609 = arith.extui %sign3A_608 : i1 to i32
        %sign3A_610 = arith.constant 0 : i32
        %sign3A_611 = arith.cmpi slt, %add3A_604, %sign3A_610 : i32
        %sign3A_612 = arith.extui %sign3A_611 : i1 to i32
        %sign3A_613 = arith.subi %sign3A_609, %sign3A_612 : i32
        %sign3A_614 = arith.constant 0 : i32
        %sign3A_615 = arith.cmpi sgt, %jit3A_605, %sign3A_614 : i32
        %sign3A_616 = arith.extui %sign3A_615 : i1 to i32
        %sign3A_617 = arith.constant 0 : i32
        %sign3A_618 = arith.cmpi slt, %jit3A_605, %sign3A_617 : i32
        %sign3A_619 = arith.extui %sign3A_618 : i1 to i32
        %sign3A_620 = arith.subi %sign3A_616, %sign3A_619 : i32
        %ne3A_621 = arith.cmpi ne, %sign3A_613, %sign3A_620 : i32
        %rem3A_622 = arith.remsi %add3A_604, %jit3A_605 : i32
        %ne3A_623 = arith.constant 0 : i32
        %ne3A_624 = arith.cmpi ne, %rem3A_622, %ne3A_623 : i32
        %and3A_625 = arith.andi %ne3A_621, %ne3A_624 : i1
        %sub3A_626 = arith.constant 1 : i32
        %sub3A_627 = arith.subi %div3A_606, %sub3A_626 : i32
        %select_n3A_628 = arith.select %and3A_625, %sub3A_627, %div3A_606 : i32
        %jit3A_629 = arith.constant 7 : i32
        %eq3A_630 = arith.constant 0 : i32
        %eq3A_631 = arith.cmpi eq, %jit3A_629, %eq3A_630 : i32
        %jit3A_632 = arith.constant 1 : i32
        %select_n3A_633 = arith.select %eq3A_631, %jit3A_632, %jit3A_629 : i32
        %rem3A_634 = arith.remsi %add3A_604, %select_n3A_633 : i32
        %ne3A_635 = arith.constant 0 : i32
        %ne3A_636 = arith.cmpi ne, %rem3A_634, %ne3A_635 : i32
        %lt3A_637 = arith.constant 0 : i32
        %lt3A_638 = arith.cmpi slt, %rem3A_634, %lt3A_637 : i32
        %lt3A_639 = arith.constant 0 : i32
        %lt3A_640 = arith.cmpi slt, %select_n3A_633, %lt3A_639 : i32
        %ne3A_641 = arith.xori %lt3A_638, %lt3A_640 : i1
        %and3A_642 = arith.andi %ne3A_641, %ne3A_636 : i1
        %add3A_643 = arith.addi %rem3A_634, %select_n3A_633 : i32
        %select_n3A_644 = arith.select %and3A_642, %add3A_643, %rem3A_634 : i32
        %mul3A_645 = arith.constant 112 : i32
        %mul3A_646 = arith.muli %select_n3A_644, %mul3A_645 : i32
        %mul3A_647 = arith.constant 3 : i32
        %mul3A_648 = arith.muli %select_n3A_628, %mul3A_647 : i32
        %mul3A_649 = arith.constant 784 : i32
        %mul3A_650 = arith.muli %mul3A_648, %mul3A_649 : i32
        %add3A_651 = arith.addi %mul3A_650, %mul3A_646 : i32
        %add3A_652 = arith.constant 0 : i32
        %add3A_653 = arith.addi %add3A_651, %add3A_652 : i32
        %dma_start3A_654 = arith.constant 2 : i32
        %dma_start3A_655 = arith.constant 0 : i32
        %dma_start3A_656 = arith.constant 0 : i32
        %dma_start3A_657 = arith.constant 0 : i32
        %dma_start3A_658 = tpu.memref_slice %arg6[%dma_start3A_654, %dma_start3A_655, %dma_start3A_656, %dma_start3A_657] : memref<3x3x112x64xf32, #tpu.memory_space<vmem>> -> memref<1x1x112x64xf32, #tpu.memory_space<vmem>>
        %dma_start3A_659 = tpu.memref_squeeze %dma_start3A_658 : memref<1x1x112x64xf32, #tpu.memory_space<vmem>> -> memref<112x64xf32, #tpu.memory_space<vmem>>
        %dma_start3A_660 = tpu.memref_slice %arg5[%add3A_653] : memref<9408xi32, #tpu.memory_space<vmem>> -> memref<112xi32, #tpu.memory_space<vmem>>
        %dma_start3A_661 = arith.constant 0 : i32
        %dma_start3A_662 = arith.constant 0 : i32
        %dma_start3A_663 = tpu.memref_slice %arg3[%dma_start3A_661, %dma_start3A_662] : memref<300000x64xf32, #tpu.memory_space<hbm>> -> memref<300000x64xf32, #tpu.memory_space<hbm>>
        tpu.enqueue_indirect_dma source(%dma_start3A_663 : memref<300000x64xf32, #tpu.memory_space<hbm>>) target(%dma_start3A_659 : memref<112x64xf32, #tpu.memory_space<vmem>>) offsets(%dma_start3A_660 : memref<112xi32, #tpu.memory_space<vmem>>) semaphore(%arg10 : memref<!tpu.dma_semaphore, #tpu.memory_space<semaphore_mem>>)
        %add3A_664 = arith.constant 784 : i32
        %add3A_665 = arith.addi %add3A_651, %add3A_664 : i32
        %dma_start3A_666 = arith.constant 2 : i32
        %dma_start3A_667 = arith.constant 1 : i32
        %dma_start3A_668 = arith.constant 0 : i32
        %dma_start3A_669 = arith.constant 0 : i32
        %dma_start3A_670 = tpu.memref_slice %arg6[%dma_start3A_666, %dma_start3A_667, %dma_start3A_668, %dma_start3A_669] : memref<3x3x112x64xf32, #tpu.memory_space<vmem>> -> memref<1x1x112x64xf32, #tpu.memory_space<vmem>>
        %dma_start3A_671 = tpu.memref_squeeze %dma_start3A_670 : memref<1x1x112x64xf32, #tpu.memory_space<vmem>> -> memref<112x64xf32, #tpu.memory_space<vmem>>
        %dma_start3A_672 = tpu.memref_slice %arg5[%add3A_665] : memref<9408xi32, #tpu.memory_space<vmem>> -> memref<112xi32, #tpu.memory_space<vmem>>
        %dma_start3A_673 = arith.constant 0 : i32
        %dma_start3A_674 = arith.constant 0 : i32
        %dma_start3A_675 = tpu.memref_slice %arg3[%dma_start3A_673, %dma_start3A_674] : memref<300000x64xf32, #tpu.memory_space<hbm>> -> memref<300000x64xf32, #tpu.memory_space<hbm>>
        tpu.enqueue_indirect_dma source(%dma_start3A_675 : memref<300000x64xf32, #tpu.memory_space<hbm>>) target(%dma_start3A_671 : memref<112x64xf32, #tpu.memory_space<vmem>>) offsets(%dma_start3A_672 : memref<112xi32, #tpu.memory_space<vmem>>) semaphore(%arg10 : memref<!tpu.dma_semaphore, #tpu.memory_space<semaphore_mem>>)
        %add3A_676 = arith.constant 1568 : i32
        %add3A_677 = arith.addi %add3A_651, %add3A_676 : i32
        %dma_start3A_678 = arith.constant 2 : i32
        %dma_start3A_679 = arith.constant 2 : i32
        %dma_start3A_680 = arith.constant 0 : i32
        %dma_start3A_681 = arith.constant 0 : i32
        %dma_start3A_682 = tpu.memref_slice %arg6[%dma_start3A_678, %dma_start3A_679, %dma_start3A_680, %dma_start3A_681] : memref<3x3x112x64xf32, #tpu.memory_space<vmem>> -> memref<1x1x112x64xf32, #tpu.memory_space<vmem>>
        %dma_start3A_683 = tpu.memref_squeeze %dma_start3A_682 : memref<1x1x112x64xf32, #tpu.memory_space<vmem>> -> memref<112x64xf32, #tpu.memory_space<vmem>>
        %dma_start3A_684 = tpu.memref_slice %arg5[%add3A_677] : memref<9408xi32, #tpu.memory_space<vmem>> -> memref<112xi32, #tpu.memory_space<vmem>>
        %dma_start3A_685 = arith.constant 0 : i32
        %dma_start3A_686 = arith.constant 0 : i32
        %dma_start3A_687 = tpu.memref_slice %arg3[%dma_start3A_685, %dma_start3A_686] : memref<300000x64xf32, #tpu.memory_space<hbm>> -> memref<300000x64xf32, #tpu.memory_space<hbm>>
        tpu.enqueue_indirect_dma source(%dma_start3A_687 : memref<300000x64xf32, #tpu.memory_space<hbm>>) target(%dma_start3A_683 : memref<112x64xf32, #tpu.memory_space<vmem>>) offsets(%dma_start3A_684 : memref<112xi32, #tpu.memory_space<vmem>>) semaphore(%arg10 : memref<!tpu.dma_semaphore, #tpu.memory_space<semaphore_mem>>)
      } else {
      }
      %scan3A_602 = arith.constant 0 : i32
      scf.yield %scan3A_602 : i32
    }
    %scan3A_122 = arith.constant 9 : i32
    %dma_wait3A = arith.constant 0 : i32
    %dma_wait3A_123 = arith.constant 0 : i32
    %dma_wait3A_124 = arith.constant 0 : i32
    %dma_wait3A_125 = arith.constant 0 : i32
    %dma_wait3A_126 = tpu.memref_slice %arg6[%dma_wait3A, %dma_wait3A_123, %dma_wait3A_124, %dma_wait3A_125] : memref<3x3x112x64xf32, #tpu.memory_space<vmem>> -> memref<1x1x112x64xf32, #tpu.memory_space<vmem>>
    %dma_wait3A_127 = tpu.memref_squeeze %dma_wait3A_126 : memref<1x1x112x64xf32, #tpu.memory_space<vmem>> -> memref<112x64xf32, #tpu.memory_space<vmem>>
    %dma_wait3A_128 = arith.constant 0 : i32
    %dma_wait3A_129 = tpu.memref_slice %arg5[%dma_wait3A_128] : memref<9408xi32, #tpu.memory_space<vmem>> -> memref<112xi32, #tpu.memory_space<vmem>>
    %dma_wait3A_130 = arith.constant 0 : i32
    %dma_wait3A_131 = arith.constant 0 : i32
    %dma_wait3A_132 = tpu.memref_slice %arg3[%dma_wait3A_130, %dma_wait3A_131] : memref<300000x64xf32, #tpu.memory_space<hbm>> -> memref<300000x64xf32, #tpu.memory_space<hbm>>
    tpu.wait_indirect_dma semaphore(%arg8 : memref<!tpu.dma_semaphore, #tpu.memory_space<semaphore_mem>>) src(%dma_wait3A_132 : memref<300000x64xf32, #tpu.memory_space<hbm>>) dst(%dma_wait3A_127 : memref<112x64xf32, #tpu.memory_space<vmem>>)
    %dma_wait3A_133 = arith.constant 0 : i32
    %dma_wait3A_134 = arith.constant 1 : i32
    %dma_wait3A_135 = arith.constant 0 : i32
    %dma_wait3A_136 = arith.constant 0 : i32
    %dma_wait3A_137 = tpu.memref_slice %arg6[%dma_wait3A_133, %dma_wait3A_134, %dma_wait3A_135, %dma_wait3A_136] : memref<3x3x112x64xf32, #tpu.memory_space<vmem>> -> memref<1x1x112x64xf32, #tpu.memory_space<vmem>>
    %dma_wait3A_138 = tpu.memref_squeeze %dma_wait3A_137 : memref<1x1x112x64xf32, #tpu.memory_space<vmem>> -> memref<112x64xf32, #tpu.memory_space<vmem>>
    %dma_wait3A_139 = arith.constant 0 : i32
    %dma_wait3A_140 = tpu.memref_slice %arg5[%dma_wait3A_139] : memref<9408xi32, #tpu.memory_space<vmem>> -> memref<112xi32, #tpu.memory_space<vmem>>
    %dma_wait3A_141 = arith.constant 0 : i32
    %dma_wait3A_142 = arith.constant 0 : i32
    %dma_wait3A_143 = tpu.memref_slice %arg3[%dma_wait3A_141, %dma_wait3A_142] : memref<300000x64xf32, #tpu.memory_space<hbm>> -> memref<300000x64xf32, #tpu.memory_space<hbm>>
    tpu.wait_indirect_dma semaphore(%arg8 : memref<!tpu.dma_semaphore, #tpu.memory_space<semaphore_mem>>) src(%dma_wait3A_143 : memref<300000x64xf32, #tpu.memory_space<hbm>>) dst(%dma_wait3A_138 : memref<112x64xf32, #tpu.memory_space<vmem>>)
    %dma_wait3A_144 = arith.constant 0 : i32
    %dma_wait3A_145 = arith.constant 2 : i32
    %dma_wait3A_146 = arith.constant 0 : i32
    %dma_wait3A_147 = arith.constant 0 : i32
    %dma_wait3A_148 = tpu.memref_slice %arg6[%dma_wait3A_144, %dma_wait3A_145, %dma_wait3A_146, %dma_wait3A_147] : memref<3x3x112x64xf32, #tpu.memory_space<vmem>> -> memref<1x1x112x64xf32, #tpu.memory_space<vmem>>
    %dma_wait3A_149 = tpu.memref_squeeze %dma_wait3A_148 : memref<1x1x112x64xf32, #tpu.memory_space<vmem>> -> memref<112x64xf32, #tpu.memory_space<vmem>>
    %dma_wait3A_150 = arith.constant 0 : i32
    %dma_wait3A_151 = tpu.memref_slice %arg5[%dma_wait3A_150] : memref<9408xi32, #tpu.memory_space<vmem>> -> memref<112xi32, #tpu.memory_space<vmem>>
    %dma_wait3A_152 = arith.constant 0 : i32
    %dma_wait3A_153 = arith.constant 0 : i32
    %dma_wait3A_154 = tpu.memref_slice %arg3[%dma_wait3A_152, %dma_wait3A_153] : memref<300000x64xf32, #tpu.memory_space<hbm>> -> memref<300000x64xf32, #tpu.memory_space<hbm>>
    tpu.wait_indirect_dma semaphore(%arg8 : memref<!tpu.dma_semaphore, #tpu.memory_space<semaphore_mem>>) src(%dma_wait3A_154 : memref<300000x64xf32, #tpu.memory_space<hbm>>) dst(%dma_wait3A_149 : memref<112x64xf32, #tpu.memory_space<vmem>>)
    %mul3A_155 = arith.constant 4 : i32
    %mul3A_156 = arith.muli %add3A, %mul3A_155 : i32
    %add3A_157 = arith.constant 3 : i32
    %add3A_158 = arith.addi %mul3A_156, %add3A_157 : i32
    %dma_wait3A_159 = arith.constant 0 : i32
    %dma_wait3A_160 = arith.constant 0 : i32
    %dma_wait3A_161 = arith.constant 0 : i32
    %dma_wait3A_162 = tpu.memref_slice %arg7[%dma_wait3A_159, %dma_wait3A_160, %dma_wait3A_161] : memref<3x64x113xf32, #tpu.memory_space<vmem>> -> memref<1x64x112xf32, #tpu.memory_space<vmem>>
    %dma_wait3A_163 = tpu.memref_squeeze %dma_wait3A_162 : memref<1x64x112xf32, #tpu.memory_space<vmem>> -> memref<64x112xf32, #tpu.memory_space<vmem>>
    %dma_wait3A_164 = arith.constant 0 : i32
    %dma_wait3A_165 = arith.constant 336 : i32
    %dma_wait3A_166 = tpu.memref_slice %arg4[%add3A_158, %dma_wait3A_164, %dma_wait3A_165] : memref<128x64x784xf32, #tpu.memory_space<hbm>> -> memref<1x64x112xf32, #tpu.memory_space<hbm>>
    %dma_wait3A_167 = tpu.memref_squeeze %dma_wait3A_166 : memref<1x64x112xf32, #tpu.memory_space<hbm>> -> memref<64x112xf32, #tpu.memory_space<hbm>>
    %dma_wait3A_168 = arith.constant 0 : i32
    %dma_wait3A_169 = arith.constant 336 : i32
    %dma_wait3A_170 = tpu.memref_slice %arg4[%add3A_158, %dma_wait3A_168, %dma_wait3A_169] : memref<128x64x784xf32, #tpu.memory_space<hbm>> -> memref<1x64x112xf32, #tpu.memory_space<hbm>>
    %dma_wait3A_171 = tpu.memref_squeeze %dma_wait3A_170 : memref<1x64x112xf32, #tpu.memory_space<hbm>> -> memref<64x112xf32, #tpu.memory_space<hbm>>
    %dma_wait3A_172 = arith.constant 0 : i32
    %dma_wait3A_173 = arith.constant 0 : i32
    %dma_wait3A_174 = tpu.memref_slice %arg7[%dma_wait3A_159, %dma_wait3A_172, %dma_wait3A_173] : memref<3x64x113xf32, #tpu.memory_space<vmem>> -> memref<1x64x112xf32, #tpu.memory_space<vmem>>
    %dma_wait3A_175 = tpu.memref_squeeze %dma_wait3A_174 : memref<1x64x112xf32, #tpu.memory_space<vmem>> -> memref<64x112xf32, #tpu.memory_space<vmem>>
    tpu.wait_dma2 semaphore(%arg11 : memref<!tpu.dma_semaphore, #tpu.memory_space<semaphore_mem>>) src(%dma_wait3A_175 : memref<64x112xf32, #tpu.memory_space<vmem>>) dst(%dma_wait3A_171 : memref<64x112xf32, #tpu.memory_space<hbm>>)
    %parallel_loop3A = arith.constant 0 : i32
    %parallel_loop3A_176 = arith.constant 112 : i32
    %parallel_loop3A_177 = arith.constant 1 : i32
    scf.for %parallel_loop3A_262 = %parallel_loop3A to %parallel_loop3A_176 step %parallel_loop3A_177  : i32 {
      %parallel_loop3A_263 = vector.broadcast %parallel_loop3A_262 : i32 to vector<16xi32>
      %parallel_loop3A_264 = arith.constant 0 : i32
      %parallel_loop3A_265 = arith.constant 0 : i32
      %parallel_loop3A_266 = arith.index_cast %parallel_loop3A_264 : i32 to index
      %parallel_loop3A_267 = arith.index_cast %parallel_loop3A_265 : i32 to index
      %parallel_loop3A_268 = arith.index_cast %parallel_loop3A_262 : i32 to index
      %parallel_loop3A_269 = arith.constant 0 : index
      %parallel_loop3A_270 = tpu.vector_load %arg6[%parallel_loop3A_266, %parallel_loop3A_267, %parallel_loop3A_268, %parallel_loop3A_269] {strides = array<i32>} : memref<3x3x112x64xf32, #tpu.memory_space<vmem>>, vector<16xf32>,
      %parallel_loop3A_271 = arith.constant 0 : i32
      %parallel_loop3A_272 = arith.constant 1 : i32
      %parallel_loop3A_273 = arith.index_cast %parallel_loop3A_271 : i32 to index
      %parallel_loop3A_274 = arith.index_cast %parallel_loop3A_272 : i32 to index
      %parallel_loop3A_275 = arith.index_cast %parallel_loop3A_262 : i32 to index
      %parallel_loop3A_276 = arith.constant 0 : index
      %parallel_loop3A_277 = tpu.vector_load %arg6[%parallel_loop3A_273, %parallel_loop3A_274, %parallel_loop3A_275, %parallel_loop3A_276] {strides = array<i32>} : memref<3x3x112x64xf32, #tpu.memory_space<vmem>>, vector<16xf32>,
      %parallel_loop3A_278 = arith.addf %parallel_loop3A_270, %parallel_loop3A_277 : vector<16xf32>
      %parallel_loop3A_279 = arith.constant 0 : i32
      %parallel_loop3A_280 = arith.constant 2 : i32
      %parallel_loop3A_281 = arith.index_cast %parallel_loop3A_279 : i32 to index
      %parallel_loop3A_282 = arith.index_cast %parallel_loop3A_280 : i32 to index
      %parallel_loop3A_283 = arith.index_cast %parallel_loop3A_262 : i32 to index
      %parallel_loop3A_284 = arith.constant 0 : index
      %parallel_loop3A_285 = tpu.vector_load %arg6[%parallel_loop3A_281, %parallel_loop3A_282, %parallel_loop3A_283, %parallel_loop3A_284] {strides = array<i32>} : memref<3x3x112x64xf32, #tpu.memory_space<vmem>>, vector<16xf32>,
      %parallel_loop3A_286 = arith.addf %parallel_loop3A_278, %parallel_loop3A_285 : vector<16xf32>
      %parallel_loop3A_287 = arith.constant 0 : i32
      %parallel_loop3A_288 = arith.constant 0 : i32
      %parallel_loop3A_289 = arith.constant 0 : i32
      %parallel_loop3A_290 = tpu.memref_slice %arg7[%parallel_loop3A_287, %parallel_loop3A_288, %parallel_loop3A_289] : memref<3x64x113xf32, #tpu.memory_space<vmem>> -> memref<1x64x113xf32, #tpu.memory_space<vmem>>
      %parallel_loop3A_291 = tpu.memref_squeeze %parallel_loop3A_290 : memref<1x64x113xf32, #tpu.memory_space<vmem>> -> memref<64x113xf32, #tpu.memory_space<vmem>>
      tpu.vector_store_idx %parallel_loop3A_291[%add3A_107, %parallel_loop3A_263], %parallel_loop3A_286 : memref<64x113xf32, #tpu.memory_space<vmem>>[vector<16xi32>, vector<16xi32>], vector<16xf32>,
      %parallel_loop3A_292 = arith.constant 0 : i32
      %parallel_loop3A_293 = arith.constant 0 : i32
      %parallel_loop3A_294 = arith.index_cast %parallel_loop3A_292 : i32 to index
      %parallel_loop3A_295 = arith.index_cast %parallel_loop3A_293 : i32 to index
      %parallel_loop3A_296 = arith.index_cast %parallel_loop3A_262 : i32 to index
      %parallel_loop3A_297 = arith.constant 16 : index
      %parallel_loop3A_298 = tpu.vector_load %arg6[%parallel_loop3A_294, %parallel_loop3A_295, %parallel_loop3A_296, %parallel_loop3A_297] {strides = array<i32>} : memref<3x3x112x64xf32, #tpu.memory_space<vmem>>, vector<16xf32>,
      %parallel_loop3A_299 = arith.constant 0 : i32
      %parallel_loop3A_300 = arith.constant 1 : i32
      %parallel_loop3A_301 = arith.index_cast %parallel_loop3A_299 : i32 to index
      %parallel_loop3A_302 = arith.index_cast %parallel_loop3A_300 : i32 to index
      %parallel_loop3A_303 = arith.index_cast %parallel_loop3A_262 : i32 to index
      %parallel_loop3A_304 = arith.constant 16 : index
      %parallel_loop3A_305 = tpu.vector_load %arg6[%parallel_loop3A_301, %parallel_loop3A_302, %parallel_loop3A_303, %parallel_loop3A_304] {strides = array<i32>} : memref<3x3x112x64xf32, #tpu.memory_space<vmem>>, vector<16xf32>,
      %parallel_loop3A_306 = arith.addf %parallel_loop3A_298, %parallel_loop3A_305 : vector<16xf32>
      %parallel_loop3A_307 = arith.constant 0 : i32
      %parallel_loop3A_308 = arith.constant 2 : i32
      %parallel_loop3A_309 = arith.index_cast %parallel_loop3A_307 : i32 to index
      %parallel_loop3A_310 = arith.index_cast %parallel_loop3A_308 : i32 to index
      %parallel_loop3A_311 = arith.index_cast %parallel_loop3A_262 : i32 to index
      %parallel_loop3A_312 = arith.constant 16 : index
      %parallel_loop3A_313 = tpu.vector_load %arg6[%parallel_loop3A_309, %parallel_loop3A_310, %parallel_loop3A_311, %parallel_loop3A_312] {strides = array<i32>} : memref<3x3x112x64xf32, #tpu.memory_space<vmem>>, vector<16xf32>,
      %parallel_loop3A_314 = arith.addf %parallel_loop3A_306, %parallel_loop3A_313 : vector<16xf32>
      %parallel_loop3A_315 = arith.constant 0 : i32
      %parallel_loop3A_316 = arith.constant 0 : i32
      %parallel_loop3A_317 = arith.constant 0 : i32
      %parallel_loop3A_318 = tpu.memref_slice %arg7[%parallel_loop3A_315, %parallel_loop3A_316, %parallel_loop3A_317] : memref<3x64x113xf32, #tpu.memory_space<vmem>> -> memref<1x64x113xf32, #tpu.memory_space<vmem>>
      %parallel_loop3A_319 = tpu.memref_squeeze %parallel_loop3A_318 : memref<1x64x113xf32, #tpu.memory_space<vmem>> -> memref<64x113xf32, #tpu.memory_space<vmem>>
      tpu.vector_store_idx %parallel_loop3A_319[%add3A_110, %parallel_loop3A_263], %parallel_loop3A_314 : memref<64x113xf32, #tpu.memory_space<vmem>>[vector<16xi32>, vector<16xi32>], vector<16xf32>,
      %parallel_loop3A_320 = arith.constant 0 : i32
      %parallel_loop3A_321 = arith.constant 0 : i32
      %parallel_loop3A_322 = arith.index_cast %parallel_loop3A_320 : i32 to index
      %parallel_loop3A_323 = arith.index_cast %parallel_loop3A_321 : i32 to index
      %parallel_loop3A_324 = arith.index_cast %parallel_loop3A_262 : i32 to index
      %parallel_loop3A_325 = arith.constant 32 : index
      %parallel_loop3A_326 = tpu.vector_load %arg6[%parallel_loop3A_322, %parallel_loop3A_323, %parallel_loop3A_324, %parallel_loop3A_325] {strides = array<i32>} : memref<3x3x112x64xf32, #tpu.memory_space<vmem>>, vector<16xf32>,
      %parallel_loop3A_327 = arith.constant 0 : i32
      %parallel_loop3A_328 = arith.constant 1 : i32
      %parallel_loop3A_329 = arith.index_cast %parallel_loop3A_327 : i32 to index
      %parallel_loop3A_330 = arith.index_cast %parallel_loop3A_328 : i32 to index
      %parallel_loop3A_331 = arith.index_cast %parallel_loop3A_262 : i32 to index
      %parallel_loop3A_332 = arith.constant 32 : index
      %parallel_loop3A_333 = tpu.vector_load %arg6[%parallel_loop3A_329, %parallel_loop3A_330, %parallel_loop3A_331, %parallel_loop3A_332] {strides = array<i32>} : memref<3x3x112x64xf32, #tpu.memory_space<vmem>>, vector<16xf32>,
      %parallel_loop3A_334 = arith.addf %parallel_loop3A_326, %parallel_loop3A_333 : vector<16xf32>
      %parallel_loop3A_335 = arith.constant 0 : i32
      %parallel_loop3A_336 = arith.constant 2 : i32
      %parallel_loop3A_337 = arith.index_cast %parallel_loop3A_335 : i32 to index
      %parallel_loop3A_338 = arith.index_cast %parallel_loop3A_336 : i32 to index
      %parallel_loop3A_339 = arith.index_cast %parallel_loop3A_262 : i32 to index
      %parallel_loop3A_340 = arith.constant 32 : index
      %parallel_loop3A_341 = tpu.vector_load %arg6[%parallel_loop3A_337, %parallel_loop3A_338, %parallel_loop3A_339, %parallel_loop3A_340] {strides = array<i32>} : memref<3x3x112x64xf32, #tpu.memory_space<vmem>>, vector<16xf32>,
      %parallel_loop3A_342 = arith.addf %parallel_loop3A_334, %parallel_loop3A_341 : vector<16xf32>
      %parallel_loop3A_343 = arith.constant 0 : i32
      %parallel_loop3A_344 = arith.constant 0 : i32
      %parallel_loop3A_345 = arith.constant 0 : i32
      %parallel_loop3A_346 = tpu.memref_slice %arg7[%parallel_loop3A_343, %parallel_loop3A_344, %parallel_loop3A_345] : memref<3x64x113xf32, #tpu.memory_space<vmem>> -> memref<1x64x113xf32, #tpu.memory_space<vmem>>
      %parallel_loop3A_347 = tpu.memref_squeeze %parallel_loop3A_346 : memref<1x64x113xf32, #tpu.memory_space<vmem>> -> memref<64x113xf32, #tpu.memory_space<vmem>>
      tpu.vector_store_idx %parallel_loop3A_347[%add3A_113, %parallel_loop3A_263], %parallel_loop3A_342 : memref<64x113xf32, #tpu.memory_space<vmem>>[vector<16xi32>, vector<16xi32>], vector<16xf32>,
      %parallel_loop3A_348 = arith.constant 0 : i32
      %parallel_loop3A_349 = arith.constant 0 : i32
      %parallel_loop3A_350 = arith.index_cast %parallel_loop3A_348 : i32 to index
      %parallel_loop3A_351 = arith.index_cast %parallel_loop3A_349 : i32 to index
      %parallel_loop3A_352 = arith.index_cast %parallel_loop3A_262 : i32 to index
      %parallel_loop3A_353 = arith.constant 48 : index
      %parallel_loop3A_354 = tpu.vector_load %arg6[%parallel_loop3A_350, %parallel_loop3A_351, %parallel_loop3A_352, %parallel_loop3A_353] {strides = array<i32>} : memref<3x3x112x64xf32, #tpu.memory_space<vmem>>, vector<16xf32>,
      %parallel_loop3A_355 = arith.constant 0 : i32
      %parallel_loop3A_356 = arith.constant 1 : i32
      %parallel_loop3A_357 = arith.index_cast %parallel_loop3A_355 : i32 to index
      %parallel_loop3A_358 = arith.index_cast %parallel_loop3A_356 : i32 to index
      %parallel_loop3A_359 = arith.index_cast %parallel_loop3A_262 : i32 to index
      %parallel_loop3A_360 = arith.constant 48 : index
      %parallel_loop3A_361 = tpu.vector_load %arg6[%parallel_loop3A_357, %parallel_loop3A_358, %parallel_loop3A_359, %parallel_loop3A_360] {strides = array<i32>} : memref<3x3x112x64xf32, #tpu.memory_space<vmem>>, vector<16xf32>,
      %parallel_loop3A_362 = arith.addf %parallel_loop3A_354, %parallel_loop3A_361 : vector<16xf32>
      %parallel_loop3A_363 = arith.constant 0 : i32
      %parallel_loop3A_364 = arith.constant 2 : i32
      %parallel_loop3A_365 = arith.index_cast %parallel_loop3A_363 : i32 to index
      %parallel_loop3A_366 = arith.index_cast %parallel_loop3A_364 : i32 to index
      %parallel_loop3A_367 = arith.index_cast %parallel_loop3A_262 : i32 to index
      %parallel_loop3A_368 = arith.constant 48 : index
      %parallel_loop3A_369 = tpu.vector_load %arg6[%parallel_loop3A_365, %parallel_loop3A_366, %parallel_loop3A_367, %parallel_loop3A_368] {strides = array<i32>} : memref<3x3x112x64xf32, #tpu.memory_space<vmem>>, vector<16xf32>,
      %parallel_loop3A_370 = arith.addf %parallel_loop3A_362, %parallel_loop3A_369 : vector<16xf32>
      %parallel_loop3A_371 = arith.constant 0 : i32
      %parallel_loop3A_372 = arith.constant 0 : i32
      %parallel_loop3A_373 = arith.constant 0 : i32
      %parallel_loop3A_374 = tpu.memref_slice %arg7[%parallel_loop3A_371, %parallel_loop3A_372, %parallel_loop3A_373] : memref<3x64x113xf32, #tpu.memory_space<vmem>> -> memref<1x64x113xf32, #tpu.memory_space<vmem>>
      %parallel_loop3A_375 = tpu.memref_squeeze %parallel_loop3A_374 : memref<1x64x113xf32, #tpu.memory_space<vmem>> -> memref<64x113xf32, #tpu.memory_space<vmem>>
      tpu.vector_store_idx %parallel_loop3A_375[%add3A_116, %parallel_loop3A_263], %parallel_loop3A_370 : memref<64x113xf32, #tpu.memory_space<vmem>>[vector<16xi32>, vector<16xi32>], vector<16xf32>,
    } {sc.loop_unroll_factor = 4 : i64, sc.parallel_access}
    %mul3A_178 = arith.constant 4 : i32
    %mul3A_179 = arith.muli %add3A, %mul3A_178 : i32
    %add3A_180 = arith.constant 3 : i32
    %add3A_181 = arith.addi %mul3A_179, %add3A_180 : i32
    %dma_start3A_182 = arith.constant 0 : i32
    %dma_start3A_183 = arith.constant 0 : i32
    %dma_start3A_184 = arith.constant 0 : i32
    %dma_start3A_185 = tpu.memref_slice %arg7[%dma_start3A_182, %dma_start3A_183, %dma_start3A_184] : memref<3x64x113xf32, #tpu.memory_space<vmem>> -> memref<1x64x112xf32, #tpu.memory_space<vmem>>
    %dma_start3A_186 = tpu.memref_squeeze %dma_start3A_185 : memref<1x64x112xf32, #tpu.memory_space<vmem>> -> memref<64x112xf32, #tpu.memory_space<vmem>>
    %dma_start3A_187 = arith.constant 0 : i32
    %dma_start3A_188 = arith.constant 672 : i32
    %dma_start3A_189 = tpu.memref_slice %arg4[%add3A_181, %dma_start3A_187, %dma_start3A_188] : memref<128x64x784xf32, #tpu.memory_space<hbm>> -> memref<1x64x112xf32, #tpu.memory_space<hbm>>
    %dma_start3A_190 = tpu.memref_squeeze %dma_start3A_189 : memref<1x64x112xf32, #tpu.memory_space<hbm>> -> memref<64x112xf32, #tpu.memory_space<hbm>>
    %dma_start3A_191 = arith.constant 0 : i32
    %dma_start3A_192 = arith.constant 672 : i32
    %dma_start3A_193 = tpu.memref_slice %arg4[%add3A_181, %dma_start3A_191, %dma_start3A_192] : memref<128x64x784xf32, #tpu.memory_space<hbm>> -> memref<1x64x112xf32, #tpu.memory_space<hbm>>
    %dma_start3A_194 = tpu.memref_squeeze %dma_start3A_193 : memref<1x64x112xf32, #tpu.memory_space<hbm>> -> memref<64x112xf32, #tpu.memory_space<hbm>>
    %dma_start3A_195 = arith.constant 0 : i32
    %dma_start3A_196 = arith.constant 0 : i32
    %dma_start3A_197 = tpu.memref_slice %arg7[%dma_start3A_182, %dma_start3A_195, %dma_start3A_196] : memref<3x64x113xf32, #tpu.memory_space<vmem>> -> memref<1x64x112xf32, #tpu.memory_space<vmem>>
    %dma_start3A_198 = tpu.memref_squeeze %dma_start3A_197 : memref<1x64x112xf32, #tpu.memory_space<vmem>> -> memref<64x112xf32, #tpu.memory_space<vmem>>
    tpu.enqueue_dma source(%dma_start3A_198 : memref<64x112xf32, #tpu.memory_space<vmem>>) target(%dma_start3A_194 : memref<64x112xf32, #tpu.memory_space<hbm>>) target_semaphore(%arg11 : memref<!tpu.dma_semaphore, #tpu.memory_space<semaphore_mem>>)
    %mul3A_199 = arith.constant 4 : i32
    %mul3A_200 = arith.muli %add3A, %mul3A_199 : i32
    %add3A_201 = arith.constant 3 : i32
    %add3A_202 = arith.addi %mul3A_200, %add3A_201 : i32
    %dma_wait3A_203 = arith.constant 1 : i32
    %dma_wait3A_204 = arith.constant 0 : i32
    %dma_wait3A_205 = arith.constant 0 : i32
    %dma_wait3A_206 = tpu.memref_slice %arg7[%dma_wait3A_203, %dma_wait3A_204, %dma_wait3A_205] : memref<3x64x113xf32, #tpu.memory_space<vmem>> -> memref<1x64x112xf32, #tpu.memory_space<vmem>>
    %dma_wait3A_207 = tpu.memref_squeeze %dma_wait3A_206 : memref<1x64x112xf32, #tpu.memory_space<vmem>> -> memref<64x112xf32, #tpu.memory_space<vmem>>
    %dma_wait3A_208 = arith.constant 0 : i32
    %dma_wait3A_209 = arith.constant 448 : i32
    %dma_wait3A_210 = tpu.memref_slice %arg4[%add3A_202, %dma_wait3A_208, %dma_wait3A_209] : memref<128x64x784xf32, #tpu.memory_space<hbm>> -> memref<1x64x112xf32, #tpu.memory_space<hbm>>
    %dma_wait3A_211 = tpu.memref_squeeze %dma_wait3A_210 : memref<1x64x112xf32, #tpu.memory_space<hbm>> -> memref<64x112xf32, #tpu.memory_space<hbm>>
    %dma_wait3A_212 = arith.constant 0 : i32
    %dma_wait3A_213 = arith.constant 448 : i32
    %dma_wait3A_214 = tpu.memref_slice %arg4[%add3A_202, %dma_wait3A_212, %dma_wait3A_213] : memref<128x64x784xf32, #tpu.memory_space<hbm>> -> memref<1x64x112xf32, #tpu.memory_space<hbm>>
    %dma_wait3A_215 = tpu.memref_squeeze %dma_wait3A_214 : memref<1x64x112xf32, #tpu.memory_space<hbm>> -> memref<64x112xf32, #tpu.memory_space<hbm>>
    %dma_wait3A_216 = arith.constant 0 : i32
    %dma_wait3A_217 = arith.constant 0 : i32
    %dma_wait3A_218 = tpu.memref_slice %arg7[%dma_wait3A_203, %dma_wait3A_216, %dma_wait3A_217] : memref<3x64x113xf32, #tpu.memory_space<vmem>> -> memref<1x64x112xf32, #tpu.memory_space<vmem>>
    %dma_wait3A_219 = tpu.memref_squeeze %dma_wait3A_218 : memref<1x64x112xf32, #tpu.memory_space<vmem>> -> memref<64x112xf32, #tpu.memory_space<vmem>>
    tpu.wait_dma2 semaphore(%arg12 : memref<!tpu.dma_semaphore, #tpu.memory_space<semaphore_mem>>) src(%dma_wait3A_219 : memref<64x112xf32, #tpu.memory_space<vmem>>) dst(%dma_wait3A_215 : memref<64x112xf32, #tpu.memory_space<hbm>>)
    %mul3A_220 = arith.constant 4 : i32
    %mul3A_221 = arith.muli %add3A, %mul3A_220 : i32
    %add3A_222 = arith.constant 3 : i32
    %add3A_223 = arith.addi %mul3A_221, %add3A_222 : i32
    %dma_wait3A_224 = arith.constant 2 : i32
    %dma_wait3A_225 = arith.constant 0 : i32
    %dma_wait3A_226 = arith.constant 0 : i32
    %dma_wait3A_227 = tpu.memref_slice %arg7[%dma_wait3A_224, %dma_wait3A_225, %dma_wait3A_226] : memref<3x64x113xf32, #tpu.memory_space<vmem>> -> memref<1x64x112xf32, #tpu.memory_space<vmem>>
    %dma_wait3A_228 = tpu.memref_squeeze %dma_wait3A_227 : memref<1x64x112xf32, #tpu.memory_space<vmem>> -> memref<64x112xf32, #tpu.memory_space<vmem>>
    %dma_wait3A_229 = arith.constant 0 : i32
    %dma_wait3A_230 = arith.constant 560 : i32
    %dma_wait3A_231 = tpu.memref_slice %arg4[%add3A_223, %dma_wait3A_229, %dma_wait3A_230] : memref<128x64x784xf32, #tpu.memory_space<hbm>> -> memref<1x64x112xf32, #tpu.memory_space<hbm>>
    %dma_wait3A_232 = tpu.memref_squeeze %dma_wait3A_231 : memref<1x64x112xf32, #tpu.memory_space<hbm>> -> memref<64x112xf32, #tpu.memory_space<hbm>>
    %dma_wait3A_233 = arith.constant 0 : i32
    %dma_wait3A_234 = arith.constant 560 : i32
    %dma_wait3A_235 = tpu.memref_slice %arg4[%add3A_223, %dma_wait3A_233, %dma_wait3A_234] : memref<128x64x784xf32, #tpu.memory_space<hbm>> -> memref<1x64x112xf32, #tpu.memory_space<hbm>>
    %dma_wait3A_236 = tpu.memref_squeeze %dma_wait3A_235 : memref<1x64x112xf32, #tpu.memory_space<hbm>> -> memref<64x112xf32, #tpu.memory_space<hbm>>
    %dma_wait3A_237 = arith.constant 0 : i32
    %dma_wait3A_238 = arith.constant 0 : i32
    %dma_wait3A_239 = tpu.memref_slice %arg7[%dma_wait3A_224, %dma_wait3A_237, %dma_wait3A_238] : memref<3x64x113xf32, #tpu.memory_space<vmem>> -> memref<1x64x112xf32, #tpu.memory_space<vmem>>
    %dma_wait3A_240 = tpu.memref_squeeze %dma_wait3A_239 : memref<1x64x112xf32, #tpu.memory_space<vmem>> -> memref<64x112xf32, #tpu.memory_space<vmem>>
    tpu.wait_dma2 semaphore(%arg13 : memref<!tpu.dma_semaphore, #tpu.memory_space<semaphore_mem>>) src(%dma_wait3A_240 : memref<64x112xf32, #tpu.memory_space<vmem>>) dst(%dma_wait3A_236 : memref<64x112xf32, #tpu.memory_space<hbm>>)
    %mul3A_241 = arith.constant 4 : i32
    %mul3A_242 = arith.muli %add3A, %mul3A_241 : i32
    %add3A_243 = arith.constant 3 : i32
    %add3A_244 = arith.addi %mul3A_242, %add3A_243 : i32
    %dma_wait3A_245 = arith.constant 0 : i32
    %dma_wait3A_246 = arith.constant 0 : i32
    %dma_wait3A_247 = arith.constant 0 : i32
    %dma_wait3A_248 = tpu.memref_slice %arg7[%dma_wait3A_245, %dma_wait3A_246, %dma_wait3A_247] : memref<3x64x113xf32, #tpu.memory_space<vmem>> -> memref<1x64x112xf32, #tpu.memory_space<vmem>>
    %dma_wait3A_249 = tpu.memref_squeeze %dma_wait3A_248 : memref<1x64x112xf32, #tpu.memory_space<vmem>> -> memref<64x112xf32, #tpu.memory_space<vmem>>
    %dma_wait3A_250 = arith.constant 0 : i32
    %dma_wait3A_251 = arith.constant 672 : i32
    %dma_wait3A_252 = tpu.memref_slice %arg4[%add3A_244, %dma_wait3A_250, %dma_wait3A_251] : memref<128x64x784xf32, #tpu.memory_space<hbm>> -> memref<1x64x112xf32, #tpu.memory_space<hbm>>
    %dma_wait3A_253 = tpu.memref_squeeze %dma_wait3A_252 : memref<1x64x112xf32, #tpu.memory_space<hbm>> -> memref<64x112xf32, #tpu.memory_space<hbm>>
    %dma_wait3A_254 = arith.constant 0 : i32
    %dma_wait3A_255 = arith.constant 672 : i32
    %dma_wait3A_256 = tpu.memref_slice %arg4[%add3A_244, %dma_wait3A_254, %dma_wait3A_255] : memref<128x64x784xf32, #tpu.memory_space<hbm>> -> memref<1x64x112xf32, #tpu.memory_space<hbm>>
    %dma_wait3A_257 = tpu.memref_squeeze %dma_wait3A_256 : memref<1x64x112xf32, #tpu.memory_space<hbm>> -> memref<64x112xf32, #tpu.memory_space<hbm>>
    %dma_wait3A_258 = arith.constant 0 : i32
    %dma_wait3A_259 = arith.constant 0 : i32
    %dma_wait3A_260 = tpu.memref_slice %arg7[%dma_wait3A_245, %dma_wait3A_258, %dma_wait3A_259] : memref<3x64x113xf32, #tpu.memory_space<vmem>> -> memref<1x64x112xf32, #tpu.memory_space<vmem>>
    %dma_wait3A_261 = tpu.memref_squeeze %dma_wait3A_260 : memref<1x64x112xf32, #tpu.memory_space<vmem>> -> memref<64x112xf32, #tpu.memory_space<vmem>>
    tpu.wait_dma2 semaphore(%arg11 : memref<!tpu.dma_semaphore, #tpu.memory_space<semaphore_mem>>) src(%dma_wait3A_261 : memref<64x112xf32, #tpu.memory_space<vmem>>) dst(%dma_wait3A_257 : memref<64x112xf32, #tpu.memory_space<hbm>>)
    return
  }
}

</mosaic_0001>

<sc_bundles>
// kernel: _bow_gather.3.cloned.1.call-start
scs
__scs_entry_jumppad:
0x0: {  	(pc) =	sbr.rel $0x88, $3  }
0x1: {  	(tag) =	ssettag $0x0;
	lr =	simm.s32 $0x1  }
0x2: {  	[smem:$0x3F9F] =	sst lr;
	_ =	strace $0xD0000000  }
0x3: {  	_ = 	snop  }
0x4: {  	_ = 	snop  }
0x5: {  	_ = 	snop  }
0x6: {  	_ = 	snop  }
0x7: {  	_ = 	snop  }
__scs_overlays_trampoline_lowered:
0x8: {  	[smem:$0x3FAE] =	sst s0  }
0x9: {  	[smem:$0x3FAF] =	sst s1  }
0xa: {  	[smem:$0x3FB0] =	sst s2  }
0xb: {  	[smem:$0x3FB1] =	sst s3  }
0xc: {  	[smem:$0x3FB2] =	sst s4  }
0xd: {  	[smem:$0x3FB3] =	sst s5  }
0xe: {  	[smem:$0x3FB4] =	sst s6  }
0xf: {  	[smem:$0x3FB5] =	sst s7  }
0x10: {  	[smem:$0x3FB6] =	sst s8  }
0x11: {  	[smem:$0x3FB7] =	sst s9;
	s0 =	simm.s32 @!p0 $0x0  }
0x12: {  	s1 =	sld [smem:$0x3F9D];
	s0 =	simm.s32 @p0 $0x1  }
0x13: {  	[smem:$0x3FB8] =	sst s0;
	s0 =	simm.s32 @!p1 $0x0  }
0x14: {  	s2 =	sld [smem:$0x3F9C];
	s0 =	simm.s32 @p1 $0x1  }
0x15: {  	[smem:$0x3FB9] =	sst s0;
	s0 =	simm.s32 @!p2 $0x0  }
0x16: {  	s3 =	sld [smem:$0x3FDB];
	s0 =	simm.s32 @p2 $0x1  }
0x17: {  	s4 =	simm.s32 $0x1BF5;
	[smem:$0x3FBB] =	sst s0  }
0x18: {  	s0 =	sld [smem:$0x3F9E];
	_ =	swait.ge [sflag:s4], $0x0  }
0x19: {  	s7 =	sld [smem:$0x3F9F]  }
0x1a: {  	s8 =	sadd.s32 $0xFFFFE003, lr  }
0x1b: {  	s9 =	sadd.s32 $0xFFFFFEF7, lr;
	s5 =	simm.s32 $0xFFFFFFFF;
	p2 =	slt.u32 s8, $0xFFFFF086  }
0x1c: {  	p1 =	slt.u32 s9, $0xF7A;
	s5 =	simm.s32 @!p2 $0x0  }
0x1d: {  	s5 =	simm.s32 @p1 $0x1;
	p0 =	seq.s32 s7, s2  }
0x1e: {  	s7 =	smul.u32 @!p0 $0xF7A, s2;
	p2 =	seq.s32 @!p0 s5, $0x0  }
0x1f: {  	s9 =	smul.u32 $0xF7A, s1;
	s8 =	simm.s32 @!p0 $0x1BF5;
	p2 =	por !p2, p0  }
0x20: {  	[sflag:s8] =	ssyncset.s32 @!p0 $0xFFFFF086;
	s6 =	sadd.s32 @!p0 s3, s7;
	s7 =	simm.s32 @!p0 $0x108  }
0x21: {  	s3 =	sadd.s32 s3, s9;
	s6 =	sadd.s32 @!p0 $0x88, s6;
	s7 =	simm.s32 @p2 $0x1082  }
0x22: {  	[simem:s7], [sflag:s8] =	dma.local @!p0 [hbm:s6], $0xF7A  }
0x23: {  	s9 =	sor.u32 $0xD0000000, s2;
	s6 =	simm.s32 $0x108;
	_ =	swait.ge @!p0 [sflag:s8], $0x0  }
0x24: {  	s3 =	sadd.s32 $0x88, s3;
	s6 =	simm.s32 @!p1 $0x1082;
	[sflag:s4] =	ssyncset.s32 $0xFFFFF086  }
0x25: {  	[simem:s6], [sflag:s4] =	dma.local [hbm:s3], $0xF7A  }
0x26: {  	[smem:$0x3F9F] =	sst s1;
	(tag) =	ssettag s2;
	_ =	strace s9  }
0x27: {  	s1 =	sld [smem:$0x3FAF]  }
0x28: {  	s2 =	sld [smem:$0x3FB0]  }
0x29: {  	s4 =	sld [smem:$0x3FB2]  }
0x2a: {  	p0 =	seq.s32 s5, $0x0;
	s5 =	sld [smem:$0x3FB3]  }
0x2b: {  	s6 =	sld [smem:$0x3FB4]  }
0x2c: {  	s7 =	sld [smem:$0x3FB5]  }
0x2d: {  	s3 =	simm.s32 $0x108;
	s8 =	sld [smem:$0x3FB6]  }
0x2e: {  	s3 =	simm.s32 @!p0 $0x1082;
	s9 =	sld [smem:$0x3FB7]  }
0x2f: {  	lr =	sadd.s32 s0, s3;
	s0 =	sld [smem:$0x3FAE]  }
0x30: {  	s3 =	sld [smem:$0x3FB1]  }
0x31: {  	[smem:$0x3FBA] =	sst s10  }
0x32: {  	s10 =	sld [smem:$0x3FB8];
	_ =	sdelay $0x3  }
0x33: {  	p0 =	seq.s32 s10, $0x1;
	s10 =	sld [smem:$0x3FBA];
	_ =	sdelay $0x3  }
0x34: {  	[smem:$0x3FBA] =	sst s10  }
0x35: {  	s10 =	sld [smem:$0x3FB9];
	_ =	sdelay $0x3  }
0x36: {  	p1 =	seq.s32 s10, $0x1;
	s10 =	sld [smem:$0x3FBA];
	_ =	sdelay $0x3  }
0x37: {  	[smem:$0x3FBA] =	sst s10  }
0x38: {  	s10 =	sld [smem:$0x3FBB]  }
0x39: {  	_ = 	snop;
	(pc) =	sbr.ind lr, $3  }
0x3a: {  	_ = 	snop  }
0x3b: {  	_ = 	snop  }
0x3c: {  	p2 =	seq.s32 s10, $0x1;
	s10 =	sld [smem:$0x3FBA]  }
0x3d: {  	_ =	shalt  }
0x3e: {  	_ =	shalt  }
0x3f: {  	_ =	shalt  }
0x40: {  	_ =	shalt  }
0x41: {  	_ =	shalt  }
0x42: {  	_ =	shalt  }
0x43: {  	_ =	shalt  }
0x44: {  	_ =	shalt  }
0x45: {  	_ =	shalt  }
0x46: {  	_ =	shalt  }
0x47: {  	_ =	shalt  }
0x48: {  	_ =	shalt  }
0x49: {  	_ =	shalt  }
0x4a: {  	_ =	shalt  }
0x4b: {  	_ =	shalt  }
0x4c: {  	_ =	shalt  }
0x4d: {  	_ =	shalt  }
0x4e: {  	_ =	shalt  }
0x4f: {  	_ =	shalt  }
0x50: {  	_ =	shalt  }
0x51: {  	_ =	shalt  }
0x52: {  	_ =	shalt  }
0x53: {  	_ =	shalt  }
0x54: {  	_ =	shalt  }
0x55: {  	_ =	shalt  }
0x56: {  	_ =	shalt  }
0x57: {  	_ =	shalt  }
0x58: {  	_ =	shalt  }
0x59: {  	_ =	shalt  }
0x5a: {  	_ =	shalt  }
0x5b: {  	_ =	shalt  }
0x5c: {  	_ =	shalt  }
0x5d: {  	_ =	shalt  }
0x5e: {  	_ =	shalt  }
0x5f: {  	_ =	shalt  }
0x60: {  	_ =	shalt  }
0x61: {  	_ =	shalt  }
0x62: {  	_ =	shalt  }
0x63: {  	_ =	shalt  }
0x64: {  	_ =	shalt  }
0x65: {  	_ =	shalt  }
0x66: {  	_ =	shalt  }
0x67: {  	_ =	shalt  }
0x68: {  	_ =	shalt  }
0x69: {  	_ =	shalt  }
0x6a: {  	_ =	shalt  }
0x6b: {  	_ =	shalt  }
0x6c: {  	_ =	shalt  }
0x6d: {  	_ =	shalt  }
0x6e: {  	_ =	shalt  }
0x6f: {  	_ =	shalt  }
0x70: {  	_ =	shalt  }
0x71: {  	_ =	shalt  }
0x72: {  	_ =	shalt  }
0x73: {  	_ =	shalt  }
0x74: {  	_ =	shalt  }
0x75: {  	_ =	shalt  }
0x76: {  	_ =	shalt  }
0x77: {  	_ =	shalt  }
0x78: {  	_ =	shalt  }
0x79: {  	_ =	shalt  }
0x7a: {  	_ =	shalt  }
0x7b: {  	_ =	shalt  }
0x7c: {  	_ =	shalt  }
0x7d: {  	_ =	shalt  }
0x7e: {  	_ =	shalt  }
0x7f: {  	_ =	shalt  }
0x80: {  	_ =	shalt  }
0x81: {  	_ =	shalt  }
0x82: {  	_ =	shalt  }
0x83: {  	_ =	shalt  }
0x84: {  	_ =	shalt  }
0x85: {  	_ =	shalt  }
0x86: {  	_ =	shalt  }
0x87: {  	_ =	shalt  }
.Lfunc_end0:
.L_simem_size_0:
called_computation_lowered:
.L_overlay_start_0:
0x88: {  	s2 =	sld [smem:$0x3FD9]  }
0x89: {  	s3 =	sld [smem:$0x3FFE];
	_ =	sdelay $0x1  }
0x8a: {  	s1 =	srdreg.scid  }
0x8b: {  	s0 =	sand.u32 $0x1, s1  }
0x8c: {  	s17 =	sshll.u32 s0, $0xA;
	s2 =	sadd.s32 s3, s2  }
0x8d: {  	s2 =	sadd.s32 s2, s17  }
0x8e: {  	[smem:$0x3FC6] =	sst s2  }
0x8f: {  	_ = 	snop  }
0x90: {  	s2 =	sld [smem:$0x3FC9]  }
0x91: {  	s18 =	sld [smem:$0x3FD0];
	(tm) =	ssettm $0x1  }
0x92: {  	s4 =	sld [smem:$0x3FFB];
	_ =	sdelay $0x3  }
0x93: {  	_ =	strace s4  }
0x94: {  	s4 =	sld [smem:$0x3FFC];
	_ =	sdelay $0x3  }
0x95: {  	_ =	strace s4  }
0x96: {  	s4 =	sld [smem:$0x3FFD];
	_ =	sdelay $0x3  }
0x97: {  	_ =	strace s4  }
0x98: {  	_ =	strace $0x8FFFFFFF  }
0x99: {  	s19 =	sld [smem:$0x3FDB];
	_ =	sdelay $0x1  }
0x9a: {  	s5 =	simm.s32 $_scs_section_size  }
0x9b: {  	s6 =	simm.s32 $_size__tile_overlayer_lowered;
	s7 =	simm.s32 $_tile_overlayer_lowered  }
0x9c: {  	s22 =	simm.s32 $0x1BFF;
	s21 =	sshll.u32 s7, $0x1;
	s4 =	sadd.s32 s5, s19  }
0x9d: {  	s8 =	simm.s32 $0x0;
	s20 =	sshll.u32 s6, $0x1;
	s6 =	sadd.s32 s21, s4  }
0x9e: {  	[timem:s8], [sflag:s22] =	dma.local [hbm:s6], s20  }
0x9f: {  	_ =	swait.ge [sflag:s22], s20  }
0xa0: {  	s5 =	ssub.s32 $0x0, s20;
	[sflag:s22] =	ssyncset.done $0x0  }
0xa1: {  	[sflag:s22] =	ssyncadd.s32 s5;
	_ =	sdelay $0x1  }
0xa2: {  	s23 =	simm.s32 $0x1B8B  }
0xa3: {  	_ =	swait.ge [sflag:s23], $0x1  }
0xa4: {  	[sflag:s23] =	ssyncset.done $0x0  }
0xa5: {  	s25 =	simm.s32 $0x1B8E;
	s24 =	sld [smem:$0x3FFE];
	[sflag:s23] =	ssyncadd.s32 $0xFFFFFFFF  }
0xa6: {  	s26 =	simm.s32 $execute0_lowered;
	[smem:$0x3FD2] =	sst s25  }
0xa7: {  	s6 =	sshll.u32 s26, $0x1;
	_ =	strace $0x80000046;
	[dreg:$0x1] =	wrdreg $0xFFFFFFFF  }
0xa8: {  	s28 =	simm.s32 $_size_execute0_lowered;
	s4 =	sadd.s32 s4, s6;
	[dreg:$0x0] =	wrdreg $0x0  }
0xa9: {  	s6 =	sshll.u32 s28, $0x1;
	[dreg:$0x2] =	wrdreg s4  }
0xaa: {  	[dreg:$0x3] =	wrdreg s6  }
0xab: {  	[dreg:$0x4] =	wrdreg $0xC0  }
0xac: {  	_ =	task [dreg:s8], $0x5FFFF  }
0xad: {  	[dreg:$0x1] =	wrdreg $0xFFFFFFFF  }
0xae: {  	[dreg:$0x0] =	wrdreg $0x60  }
0xaf: {  	[dreg:$0x2] =	wrdreg s2  }
0xb0: {  	[dreg:$0x3] =	wrdreg s24  }
0xb1: {  	[dreg:$0x4] =	wrdreg s18  }
0xb2: {  	[dreg:$0x5] =	wrdreg $0x9  }
0xb3: {  	_ =	task.clear_ibuf [dreg:s8], $0x6FFFF;
	_ =	strace $0x90000046  }
0xb4: {  	s29 =	simm.s32 $0x9;
	_ =	strace $0x80000048  }
0xb5: {  	_ =	swait.ge [sflag:s29], $0x1  }
0xb6: {  	[sflag:s29] =	ssyncadd.s32 $0xFFFFFFFF  }
0xb7: {  	_ =	strace $0x90000048  }
0xb8: {  	_ =	sfence  }
0xb9: {  	s30 =	sld [smem:$0x0];
	_ =	sdelay $0x2  }
0xba: {  	s31 =	sshll.u32 s1, $0xD;
	s1 =	sshrl.u32 s1, $0x2  }
0xbb: {  	s3 =	sand.u32 $0x4000, s31;
	s1 =	sadd.s32 s1, s30  }
0xbc: {  	s0 =	sor.u32 s3, s0;
	s1 =	sshll.u32 s1, $0x11  }
0xbd: {  	s0 =	sor.u32 s1, s0  }
0xbe: {  	s0 =	sadd.s32 $0x8F2B, s0  }
0xbf: {  	[sflag:s0] =	ssyncadd.remote.s32 $0x1  }
0xc0: {  	_ =	sfence.sel $0xFFFF  }
0xc1: {  	[dreg:$0x0] =	wrdreg $0xFFFFFFFF;
	(pc) =	sbr.abs _section_cstart, $3  }
0xc2: {  	[dreg:$0x1] =	wrdreg $0xFFFFFFFF  }
0xc3: {  	_ =	task.clear_ibuf [dreg:s8], $0x2FFFF;
	_ =	strace $0x9FFFFFFF  }
0xc4: {  	(tm) =	ssettm $0x7FFFFFFF  }
0xc5: {  	_ =	shalt  }
tec
execute0_lowered:
.L_overlay_start_1:
0x0: {  	(tag) =	ssettag $0x1  }
0x1: {  	s0 =	rddreg [dreg:$0x0]  }
0x2: {  	s1 =	rddreg [dreg:$0x1]  }
0x3: {  	s3 =	srdreg.scid;
	s5 =	stileid.u32  }
0x4: {  	s2 =	rddreg [dreg:$0x2];
	s10 =	simm.s32 $0x70;
	s11 =	simm.s32 $0x24C0  }
0x5: {  	s13 =	simm.s32 $0x40C0;
	s15 =	simm.s32 $0x5CC0;
	s22 =	simm.s32 $0xCCC0  }
0x6: {  	s28 =	simm.s32 $0x1;
	s29 =	simm.s32 $0x120C0;
	s30 =	simm.s32 $0x2  }
0x7: {  	s31 =	simm.s32 $0x13EC0;
	s12 =	simm.s32 $0x4;
	s14 =	simm.s32 $0x5  }
0x8: {  	s16 =	simm.s32 $0x6;
	s4 =	sand.u32 $0x1, s3;
	s5 =	sshll.u32 s5, $0x1  }
0x9: {  	s17 =	simm.s32 $0x0;
	s3 =	simm.s32 $0x0;
	s5 =	sor.u32 s4, s5  }
0xa: {  	[smem:$0x7FF] =	sst s3;
	s6 =	ssub.s32 $0x2, s4;
	s7 =	smul.u32 $0x31000, s5  }
0xb: {  	s4 =	sadd.s32 $0x494200, s1;
	s8 =	sshrl.u32 s6, $0x1;
	s9 =	smul.u32 $0x498, s5  }
0xc: {  	s1 =	simm.s32 $0x3;
	_ =	strace $0x80000047;
	s24 =	ssub.s32 s6, s8  }
0xd: {  	v0 =	vlaneseq.u32;
	s6 =	sshll.u32 s5, $0x2;
	s7 =	sshrl.u32 s7, $0x3;
	s0 =	sadd.s32 s0, s9  }
0xe: {  	v0 =	vmul.u32 $0x78, v0;
	s26 =	smax.u32 s24, $0x1;
	s9 =	simm.s32 $0x7;
	[dreg:$0x4] =	wrdreg s0  }
0xf: {  	s24 =	simm.s32 $0xE8C0;
	s25 =	sadd.s32 s2, s7;
	[dreg:$0x5] =	wrdreg s26  }
0x10: {  	v1 =	vadd.s32 $0x780, v0;
	v2 =	vadd.s32 $0xF00, v0;
	v3 =	vadd.s32 $0x1680, v0;
	s26 =	simm.s32 $0x104C0;
	s0 =	simm.s32 $0x15CC0;
	s7 =	sadd.s32 $0x49D4, s25  }
.LBB2_1:
0x11: {  	s5 =	rddreg [dreg:$0x4]  }
0x12: {  	[tilespmem:s3], [sflag:$0x7] =	stream.linear.gather [hbm4b:s5+s3], $0x24C0, $0x38;
	[tilespmem:$0x17AC0] =	vst v63  }
0x13: {  	_ =	swait.ge [sflag:s9], $0x24C0  }
0x14: {  	[sflag:s9] =	ssyncset.done $0x0  }
0x15: {  	[sflag:s9] =	ssyncadd.s32 $0xFFFFDB40  }
0x16: {  	[tilespmem:s11], [sflag:$0x1] =	stream.indirect.gather [hbm4b:s4+s10], $0x40, s3, s10, $0xb8;
	[tilespmem:$0x17AC0] =	vst v63  }
0x17: {  	s23 =	simm.s32 $0x310  }
0x18: {  	[tilespmem:s13], [sflag:$0x1] =	stream.indirect.gather [hbm4b:s4+s10], $0x40, s23, s10, $0xb8;
	[tilespmem:$0x17AC0] =	vst v63  }
0x19: {  	s25 =	simm.s32 $0x620  }
0x1a: {  	[tilespmem:s15], [sflag:$0x1] =	stream.indirect.gather [hbm4b:s4+s10], $0x40, s25, s10, $0xb8;
	[tilespmem:$0x17AC0] =	vst v63  }
0x1b: {  	s8 =	simm.s32 $0x78C0  }
0x1c: {  	[tilespmem:s8], [sflag:$0x2] =	stream.indirect.gather [hbm4b:s4+s10], $0x40, s10, s10, $0xb8;
	[tilespmem:$0x17AC0] =	vst v63  }
0x1d: {  	s18 =	simm.s32 $0x380;
	s8 =	simm.s32 $0x94C0  }
0x1e: {  	[tilespmem:s8], [sflag:$0x2] =	stream.indirect.gather [hbm4b:s4+s10], $0x40, s18, s10, $0xb8;
	[tilespmem:$0x17AC0] =	vst v63  }
0x1f: {  	s19 =	simm.s32 $0x690;
	s20 =	simm.s32 $0xB0C0  }
0x20: {  	[tilespmem:s20], [sflag:$0x2] =	stream.indirect.gather [hbm4b:s4+s10], $0x40, s19, s10, $0xb8;
	[tilespmem:$0x17AC0] =	vst v63  }
0x21: {  	s21 =	simm.s32 $0xE0  }
0x22: {  	[tilespmem:s22], [sflag:$0x3] =	stream.indirect.gather [hbm4b:s4+s10], $0x40, s21, s10, $0xb8;
	[tilespmem:$0x17AC0] =	vst v63  }
0x23: {  	s23 =	simm.s32 $0x3F0  }
0x24: {  	[tilespmem:s24], [sflag:$0x3] =	stream.indirect.gather [hbm4b:s4+s10], $0x40, s23, s10, $0xb8;
	[tilespmem:$0x17AC0] =	vst v63  }
0x25: {  	s25 =	simm.s32 $0x700;
	s18 =	simm.s32 $0x0  }
0x26: {  	[tilespmem:s26], [sflag:$0x3] =	stream.indirect.gather [hbm4b:s4+s10], $0x40, s25, s10, $0xb8;
	[tilespmem:$0x17AC0] =	vst v63  }
.LBB2_2:
0x27: {  	_ =	swait.ge [sflag:s28], $0x1C00  }
0x28: {  	[sflag:s28] =	ssyncset.done $0x0  }
0x29: {  	[sflag:s28] =	ssyncadd.s32 $0xFFFFE400  }
0x2a: {  	_ =	swait.ge [sflag:s28], $0x1C00  }
0x2b: {  	[sflag:s28] =	ssyncset.done $0x0  }
0x2c: {  	[sflag:s28] =	ssyncadd.s32 $0xFFFFE400  }
0x2d: {  	_ =	swait.ge [sflag:s28], $0x1C00  }
0x2e: {  	p0 =	seq.s32 s18, $0x0;
	[sflag:s28] =	ssyncset.done $0x0  }
0x2f: {  	s5 =	simm.s32 @!p0 $0x4;
	[sflag:s28] =	ssyncadd.s32 $0xFFFFE400  }
0x30: {  	_ =	swait.ge @!p0 [sflag:s5], $0x1C00  }
0x31: {  	[sflag:s5] =	ssyncset.done @!p0 $0x0  }
0x32: {  	s19 =	simm.s32 $0x4140;
	[sflag:s5] =	ssyncadd.s32 @!p0 $0xFFFFE400  }
0x33: {  	v4 =	vld [tilespmem:s19+$0xFFFFE440]  }
0x34: {  	v5 =	vld [tilespmem:s19+$0x40]  }
0x35: {  	s8 =	simm.s32 $0x3;
	v7 =	vld [tilespmem:s19+$0x1C40]  }
0x36: {  	v6 =	vmov s8;
	v9 =	vld [tilespmem:s19+$0xFFFFFF80]  }
0x37: {  	v10 =	vand.u32 $0x7F, v6;
	v11 =	vld [tilespmem:s19+$0xFFFFE3C0]  }
0x38: {  	v6 =	vadd.s32 v0, v10;
	v14 =	vld [tilespmem:s19+$0xFFFFFFC0]  }
0x39: {  	v12 =	vld [tilespmem:s19+$0x1B80];
	v4 =	vadd.f32 v5, v4  }
0x3a: {  	v16 =	vld [tilespmem:s19+$0x1BC0]  }
0x3b: {  	v18 =	vld [tilespmem:s19+$0xFFFFE400];
	v4 =	vadd.f32 v7, v4  }
0x3c: {  	v5 =	vld [tilespmem:s19+$0xFFFFE380]  }
0x3d: {  	v11 =	vadd.f32 v14, v11;
	v14 =	vld [tilespmem:s19+$0x1C00];
	[tilespmem:v6+s29+$0x0] =	vst.idx.msk $0xffff, v4  }
0x3e: {  	v4 =	vld [tilespmem:s19+$0xFFFFE450]  }
0x3f: {  	s20 =	simm.s32 $0x0;
	v13 =	vld [tilespmem:s19+$0x50]  }
0x40: {  	v6 =	vmov s20;
	s20 =	simm.s32 $0x4240;
	v15 =	vld [tilespmem:s19+$0x1C50]  }
0x41: {  	v21 =	vld [tilespmem:s20+$0x40]  }
0x42: {  	v22 =	vld [tilespmem:s20+$0xFFFFE380]  }
0x43: {  	v24 =	vld [tilespmem:s20+$0x1C40]  }
0x44: {  	v8 =	vand.u32 $0x7C, v6;
	v25 =	vld [tilespmem:s20+$0xFFFFFF80]  }
0x45: {  	v26 =	vld [tilespmem:s20+$0xFFFFE3C0];
	v6 =	vadd.s32 v0, v8  }
0x46: {  	s21 =	simm.s32 $0x1;
	v5 =	vadd.f32 v9, v5;
	v28 =	vld [tilespmem:s20+$0xFFFFFFC0]  }
0x47: {  	v17 =	vadd.s32 v1, v10;
	v7 =	vmov s21;
	v60 =	vld [tilespmem:s20+$0xFFFFE400]  }
0x48: {  	v7 =	vand.u32 $0x7D, v7;
	v5 =	vadd.f32 v12, v5;
	v12 =	vld [tilespmem:s19+$0x0];
	v4 =	vadd.f32 v13, v4  }
0x49: {  	v29 =	vld [tilespmem:s20+$0x0];
	v13 =	vadd.s32 v0, v7  }
0x4a: {  	s23 =	simm.s32 $0x2;
	v31 =	vld [tilespmem:s20+$0x1B80];
	[tilespmem:v6+s29+$0x0] =	vst.idx.msk $0xffff, v5;
	v4 =	vadd.f32 v15, v4  }
0x4b: {  	v5 =	vmov s23;
	v6 =	vld [tilespmem:s19+$0xFFFFE390]  }
0x4c: {  	v9 =	vand.u32 $0x7E, v5;
	v5 =	vadd.f32 v16, v11;
	v11 =	vld [tilespmem:s19+$0xFFFFFF90];
	[tilespmem:v17+s29+$0x0] =	vst.idx.msk $0xffff, v4  }
0x4d: {  	v12 =	vadd.f32 v12, v18;
	v4 =	vadd.s32 v0, v9;
	v15 =	vld [tilespmem:s19+$0xFFFFE460]  }
0x4e: {  	[tilespmem:v13+s29+$0x0] =	vst.idx.msk $0xffff, v5;
	v5 =	vld [tilespmem:s19+$0x60]  }
0x4f: {  	v12 =	vadd.f32 v14, v12;
	v14 =	vld [tilespmem:s19+$0x1C60]  }
0x50: {  	v13 =	vld [tilespmem:s19+$0xFFFFE3D0]  }
0x51: {  	v16 =	vld [tilespmem:s19+$0xFFFFFFD0]  }
0x52: {  	[tilespmem:v4+s29+$0x0] =	vst.idx.msk $0xffff, v12;
	v4 =	vld [tilespmem:s19+$0x1B90]  }
0x53: {  	v12 =	vadd.s32 v2, v10;
	v17 =	vld [tilespmem:s19+$0xFFFFE410]  }
0x54: {  	v18 =	vadd.s32 v1, v8;
	v5 =	vadd.f32 v5, v15;
	v15 =	vld [tilespmem:s19+$0x10]  }
0x55: {  	v6 =	vadd.f32 v11, v6;
	v11 =	vld [tilespmem:s19+$0x1BD0]  }
0x56: {  	v5 =	vadd.f32 v14, v5;
	v14 =	vld [tilespmem:s19+$0x1C10]  }
0x57: {  	v19 =	vadd.s32 v1, v7;
	v62 =	vld [tilespmem:s20+$0x1BC0];
	v4 =	vadd.f32 v4, v6  }
0x58: {  	v34 =	vld [tilespmem:s20+$0x1C00];
	[tilespmem:v12+s29+$0x0] =	vst.idx.msk $0xffff, v5;
	v5 =	vadd.f32 v16, v13;
	v6 =	vadd.s32 v1, v9  }
0x59: {  	v12 =	vld [tilespmem:s19+$0xFFFFE470];
	[tilespmem:v18+s29+$0x0] =	vst.idx.msk $0xffff, v4;
	v4 =	vadd.f32 v15, v17  }
0x5a: {  	v13 =	vld [tilespmem:s19+$0x70];
	v5 =	vadd.f32 v11, v5  }
0x5b: {  	v11 =	vld [tilespmem:s19+$0xFFFFE3A0];
	v4 =	vadd.f32 v14, v4  }
0x5c: {  	[tilespmem:v19+s29+$0x0] =	vst.idx.msk $0xffff, v5;
	v5 =	vld [tilespmem:s19+$0xFFFFFFA0]  }
0x5d: {  	[tilespmem:v6+s29+$0x0] =	vst.idx.msk $0xffff, v4;
	v4 =	vld [tilespmem:s19+$0x1BA0]  }
0x5e: {  	v6 =	vld [tilespmem:s20+$0xFFFFE440]  }
0x5f: {  	s25 =	simm.s32 $0x7;
	v15 =	vld [tilespmem:s19+$0x1C70]  }
0x60: {  	v23 =	vmov s25;
	v61 =	vadd.s32 v2, v8;
	v14 =	vld [tilespmem:s19+$0xFFFFE3E0]  }
0x61: {  	v23 =	vand.u32 $0x7F, v23;
	v16 =	vld [tilespmem:s19+$0xFFFFFFE0];
	v11 =	vadd.f32 v5, v11  }
0x62: {  	v27 =	vadd.s32 v0, v23;
	v19 =	vld [tilespmem:s19+$0x1BE0]  }
0x63: {  	s8 =	simm.s32 $0x4;
	v17 =	vld [tilespmem:s19+$0xFFFFE420];
	v6 =	vadd.f32 v21, v6;
	v11 =	vadd.f32 v4, v11  }
0x64: {  	v30 =	vmov s8;
	v18 =	vld [tilespmem:s19+$0x20]  }
0x65: {  	v20 =	vld [tilespmem:s19+$0x1C20];
	v5 =	vand.u32 $0x7C, v30;
	v6 =	vadd.f32 v24, v6;
	[tilespmem:v61+s29+$0x0] =	vst.idx.msk $0xffff, v11  }
0x66: {  	s21 =	simm.s32 $0x5;
	v63 =	vadd.s32 v0, v5;
	v39 =	vld [tilespmem:s19+$0xFFFFE3B0]  }
0x67: {  	v22 =	vadd.f32 v25, v22;
	v41 =	vld [tilespmem:s19+$0xFFFFFFB0];
	[tilespmem:v27+s29+$0x0] =	vst.idx.msk $0xffff, v6;
	v6 =	vmov s21  }
0x68: {  	s23 =	simm.s32 $0x6;
	v61 =	vld [tilespmem:s19+$0x1BB0];
	v4 =	vand.u32 $0x7D, v6  }
0x69: {  	v22 =	vadd.f32 v31, v22;
	v32 =	vld [tilespmem:s20+$0xFFFFE450];
	v6 =	vmov s23;
	v33 =	vadd.s32 v0, v4  }
0x6a: {  	v11 =	vadd.f32 v28, v26;
	v36 =	vld [tilespmem:s20+$0x50];
	v6 =	vand.u32 $0x7E, v6  }
0x6b: {  	[tilespmem:v63+s29+$0x0] =	vst.idx.msk $0xffff, v22;
	v37 =	vld [tilespmem:s20+$0x1C50];
	v38 =	vadd.s32 v0, v6  }
0x6c: {  	v21 =	vadd.f32 v29, v60;
	v11 =	vadd.f32 v62, v11;
	v42 =	vld [tilespmem:s20+$0xFFFFE390]  }
0x6d: {  	v40 =	vadd.s32 v1, v23;
	v45 =	vadd.s32 v2, v7;
	v17 =	vadd.f32 v18, v17;
	v18 =	vld [tilespmem:s20+$0x1B90]  }
0x6e: {  	v14 =	vadd.f32 v16, v14;
	v21 =	vadd.f32 v34, v21;
	[tilespmem:v33+s29+$0x0] =	vst.idx.msk $0xffff, v11;
	v11 =	vld [tilespmem:s20+$0xFFFFFF90]  }
0x6f: {  	v25 =	vadd.f32 v36, v32;
	v43 =	vld [tilespmem:s20+$0xFFFFE3D0]  }
0x70: {  	v14 =	vadd.f32 v19, v14;
	v44 =	vld [tilespmem:s20+$0xFFFFFFD0];
	[tilespmem:v38+s29+$0x0] =	vst.idx.msk $0xffff, v21  }
0x71: {  	v24 =	vadd.f32 v37, v25;
	v21 =	vld [tilespmem:s20+$0xFFFFE410]  }
0x72: {  	[tilespmem:v45+s29+$0x0] =	vst.idx.msk $0xffff, v14;
	v16 =	vld [tilespmem:s20+$0x10]  }
0x73: {  	v14 =	vld [tilespmem:s20+$0x1C10];
	[tilespmem:v40+s29+$0x0] =	vst.idx.msk $0xffff, v24  }
0x74: {  	v51 =	vadd.s32 v1, v5;
	v22 =	vld [tilespmem:s20+$0xFFFFE460]  }
0x75: {  	v46 =	vld [tilespmem:s20+$0x60];
	v11 =	vadd.f32 v11, v42  }
0x76: {  	v47 =	vadd.s32 v2, v9;
	v19 =	vld [tilespmem:s20+$0x1BD0]  }
0x77: {  	v55 =	vadd.s32 v1, v6;
	v48 =	vld [tilespmem:s20+$0x1C60];
	v11 =	vadd.f32 v18, v11  }
0x78: {  	v49 =	vadd.s32 v2, v23;
	v52 =	vld [tilespmem:s19+$0xFFFFFFF0];
	v18 =	vadd.s32 v1, v4;
	v16 =	vadd.f32 v16, v21  }
0x79: {  	v17 =	vadd.f32 v20, v17;
	v24 =	vld [tilespmem:s19+$0xFFFFE3F0];
	v25 =	vadd.f32 v44, v43;
	[tilespmem:v51+s29+$0x0] =	vst.idx.msk $0xffff, v11  }
0x7a: {  	v50 =	vadd.f32 v46, v22;
	v14 =	vadd.f32 v14, v16;
	v56 =	vld [tilespmem:s20+$0xFFFFE3A0]  }
0x7b: {  	[tilespmem:v47+s29+$0x0] =	vst.idx.msk $0xffff, v17;
	v19 =	vadd.f32 v19, v25;
	v16 =	vld [tilespmem:s20+$0xFFFFFFA0]  }
0x7c: {  	v58 =	vld [tilespmem:s20+$0x1BA0];
	v17 =	vadd.f32 v48, v50;
	[tilespmem:v55+s29+$0x0] =	vst.idx.msk $0xffff, v14  }
0x7d: {  	[tilespmem:v18+s29+$0x0] =	vst.idx.msk $0xffff, v19;
	v19 =	vld [tilespmem:s20+$0xFFFFE420]  }
0x7e: {  	[tilespmem:v49+s29+$0x0] =	vst.idx.msk $0xffff, v17;
	v18 =	vld [tilespmem:s20+$0xFFFFE3E0]  }
0x7f: {  	v10 =	vadd.s32 v3, v10;
	v54 =	vld [tilespmem:s20+$0xFFFFE470]  }
0x80: {  	v12 =	vadd.f32 v13, v12;
	v11 =	vld [tilespmem:s20+$0x70]  }
0x81: {  	v14 =	vld [tilespmem:s20+$0xFFFFFFE0]  }
0x82: {  	v12 =	vadd.f32 v15, v12;
	v57 =	vld [tilespmem:s20+$0x1C70]  }
0x83: {  	v60 =	vadd.s32 v2, v5;
	v13 =	vld [tilespmem:s20+$0x20]  }
0x84: {  	v15 =	vadd.s32 v3, v23;
	[tilespmem:v10+s29+$0x0] =	vst.idx.msk $0xffff, v12;
	v59 =	vld [tilespmem:s20+$0x1BE0];
	v10 =	vadd.f32 v16, v56  }
0x85: {  	v30 =	vld [tilespmem:s20+$0x1C20];
	v11 =	vadd.f32 v11, v54  }
0x86: {  	v53 =	vld [tilespmem:s19+$0xFFFFE430];
	v16 =	vadd.s32 v2, v4;
	v10 =	vadd.f32 v58, v10  }
0x87: {  	v63 =	vadd.s32 v3, v8;
	v17 =	vld [tilespmem:s19+$0x30];
	v12 =	vadd.f32 v14, v18;
	v11 =	vadd.f32 v57, v11  }
0x88: {  	v62 =	vld [tilespmem:s19+$0x1BF0];
	v19 =	vadd.f32 v13, v19;
	v18 =	vadd.s32 v2, v6;
	[tilespmem:v60+s29+$0x0] =	vst.idx.msk $0xffff, v10  }
0x89: {  	s21 =	simm.s32 $0x4340;
	v31 =	vld [tilespmem:s19+$0x1C30];
	v8 =	vadd.f32 v41, v39;
	[tilespmem:v15+s29+$0x0] =	vst.idx.msk $0xffff, v11;
	v11 =	vadd.f32 v59, v12  }
0x8a: {  	v13 =	vld [tilespmem:s21+$0xFFFFE440];
	v19 =	vadd.f32 v30, v19;
	v10 =	vadd.s32 v3, v7;
	v15 =	vadd.f32 v52, v24  }
0x8b: {  	v14 =	vld [tilespmem:s21+$0x40];
	[tilespmem:v16+s29+$0x0] =	vst.idx.msk $0xffff, v11;
	v11 =	vadd.f32 v61, v8;
	v8 =	vadd.s32 v3, v9  }
0x8c: {  	s25 =	simm.s32 $0xB;
	v17 =	vadd.f32 v17, v53;
	v12 =	vld [tilespmem:s21+$0xFFFFE380]  }
0x8d: {  	v7 =	vmov s25;
	[tilespmem:v18+s29+$0x0] =	vst.idx.msk $0xffff, v19;
	v16 =	vld [tilespmem:s21+$0x1C40];
	v9 =	vadd.f32 v62, v15  }
0x8e: {  	s23 =	simm.s32 $0x8;
	s19 =	smul.u32 $0x3, s18;
	s25 =	simm.s32 $0xC;
	v7 =	vand.u32 $0x7F, v7;
	v15 =	vld [tilespmem:s21+$0xFFFFFF80];
	[tilespmem:v63+s29+$0x0] =	vst.idx.msk $0xffff, v11;
	v11 =	vadd.f32 v31, v17  }
.LBB2_3:
0x8f: {  	p1 =	slt.u32 s25, $0x6C;
	v17 =	vld [tilespmem:s21+$0xFFFFE3C0];
	v18 =	vadd.s32 v0, v7;
	[tilespmem:v10+s29+$0x0] =	vst.idx.msk $0xffff, v9  }
0x90: {  	v9 =	vld [tilespmem:s21+$0xFFFFFFC0];
	v10 =	vadd.f32 v14, v13;
	[tilespmem:v8+s29+$0x0] =	vst.idx.msk $0xffff, v11  }
0x91: {  	v11 =	vld [tilespmem:s21+$0xFFFFE400]  }
0x92: {  	v13 =	vld [tilespmem:s21+$0x0];
	v10 =	vadd.f32 v16, v10  }
0x93: {  	s5 =	sadd.s32 $0x1, s23;
	v8 =	vmov s23;
	v12 =	vadd.f32 v15, v12;
	v14 =	vld [tilespmem:s21+$0x1B80]  }
0x94: {  	v8 =	vand.u32 $0x7C, v8;
	v15 =	vmov s5;
	v16 =	vld [tilespmem:s21+$0x1BC0];
	[tilespmem:v18+s29+$0x0] =	vst.idx.msk $0xffff, v10  }
0x95: {  	v10 =	vadd.s32 v0, v8;
	v17 =	vadd.f32 v9, v17;
	v9 =	vand.u32 $0x7D, v15;
	v15 =	vld [tilespmem:s21+$0xFFFFE450]  }
0x96: {  	s5 =	sadd.s32 $0x2, s23;
	s23 =	smov.u32 s25;
	v18 =	vadd.s32 v0, v9;
	v19 =	vld [tilespmem:s21+$0x50]  }
0x97: {  	v20 =	vmov s5;
	v11 =	vadd.f32 v13, v11;
	v13 =	vld [tilespmem:s21+$0x1C00]  }
0x98: {  	v20 =	vand.u32 $0x7E, v20;
	v12 =	vadd.f32 v14, v12;
	v14 =	vld [tilespmem:s21+$0x1C50]  }
0x99: {  	v16 =	vadd.f32 v16, v17;
	v17 =	vadd.s32 v0, v20;
	v21 =	vld [tilespmem:s20+$0xFFFFE3B0]  }
0x9a: {  	[tilespmem:v10+s29+$0x0] =	vst.idx.msk $0xffff, v12;
	v10 =	vadd.s32 v1, v7;
	v12 =	vld [tilespmem:s20+$0xFFFFFFB0]  }
0x9b: {  	v22 =	vld [tilespmem:s21+$0xFFFFE390];
	[tilespmem:v18+s29+$0x0] =	vst.idx.msk $0xffff, v16;
	v15 =	vadd.f32 v19, v15  }
0x9c: {  	v16 =	vld [tilespmem:s21+$0xFFFFFF90];
	v11 =	vadd.f32 v13, v11  }
0x9d: {  	v13 =	vld [tilespmem:s21+$0xFFFFE3D0];
	v14 =	vadd.f32 v14, v15  }
0x9e: {  	v15 =	vld [tilespmem:s21+$0xFFFFFFD0];
	[tilespmem:v17+s29+$0x0] =	vst.idx.msk $0xffff, v11  }
0x9f: {  	v11 =	vld [tilespmem:s21+$0xFFFFE410];
	[tilespmem:v10+s29+$0x0] =	vst.idx.msk $0xffff, v14;
	v17 =	vadd.f32 v12, v21  }
0xa0: {  	v10 =	vld [tilespmem:s21+$0xFFFFE460]  }
0xa1: {  	v12 =	vadd.f32 v16, v22;
	v14 =	vld [tilespmem:s21+$0x60]  }
0xa2: {  	v16 =	vld [tilespmem:s21+$0x10]  }
0xa3: {  	v13 =	vadd.f32 v15, v13;
	v15 =	vld [tilespmem:s21+$0x1C60]  }
0xa4: {  	v18 =	vld [tilespmem:s21+$0x1B90]  }
0xa5: {  	v21 =	vadd.s32 v2, v7;
	v19 =	vld [tilespmem:s21+$0x1BD0]  }
0xa6: {  	v22 =	vadd.s32 v1, v8;
	v23 =	vld [tilespmem:s21+$0x1C10];
	v10 =	vadd.f32 v14, v10  }
0xa7: {  	v14 =	vadd.s32 v1, v9;
	v11 =	vadd.f32 v16, v11;
	v16 =	vld [tilespmem:s20+$0xFFFFE3F0]  }
0xa8: {  	v24 =	vadd.s32 v1, v20;
	v10 =	vadd.f32 v15, v10;
	v15 =	vld [tilespmem:s20+$0xFFFFFFF0]  }
0xa9: {  	v12 =	vadd.f32 v18, v12;
	v18 =	vld [tilespmem:s20+$0xFFFFE430]  }
0xaa: {  	v13 =	vadd.f32 v19, v13;
	[tilespmem:v21+s29+$0x0] =	vst.idx.msk $0xffff, v10;
	v10 =	vld [tilespmem:s20+$0x30]  }
0xab: {  	[tilespmem:v22+s29+$0x0] =	vst.idx.msk $0xffff, v12;
	v11 =	vadd.f32 v23, v11;
	v12 =	vld [tilespmem:s21+$0xFFFFE470]  }
0xac: {  	[tilespmem:v14+s29+$0x0] =	vst.idx.msk $0xffff, v13;
	v13 =	vld [tilespmem:s21+$0x70]  }
0xad: {  	v14 =	vld [tilespmem:s21+$0xFFFFE3A0];
	[tilespmem:v24+s29+$0x0] =	vst.idx.msk $0xffff, v11;
	v11 =	vadd.f32 v15, v16  }
0xae: {  	v15 =	vld [tilespmem:s21+$0x1C70]  }
0xaf: {  	v16 =	vld [tilespmem:s21+$0xFFFFFFA0];
	v18 =	vadd.f32 v10, v18  }
0xb0: {  	v7 =	vadd.s32 v3, v7;
	v10 =	vld [tilespmem:s21+$0xFFFFE3E0]  }
0xb1: {  	v19 =	vld [tilespmem:s21+$0xFFFFFFE0];
	v12 =	vadd.f32 v13, v12  }
0xb2: {  	v13 =	vld [tilespmem:s21+$0xFFFFE420]  }
0xb3: {  	v21 =	vld [tilespmem:s21+$0x20];
	v12 =	vadd.f32 v15, v12  }
0xb4: {  	v14 =	vadd.f32 v16, v14;
	v15 =	vld [tilespmem:s21+$0x1BA0]  }
0xb5: {  	v16 =	vld [tilespmem:s21+$0x1BE0];
	[tilespmem:v7+s29+$0x0] =	vst.idx.msk $0xffff, v12  }
0xb6: {  	v7 =	vadd.s32 v2, v8;
	v10 =	vadd.f32 v19, v10;
	v12 =	vld [tilespmem:s21+$0x1C20]  }
0xb7: {  	v19 =	vadd.s32 v2, v9;
	v22 =	vld [tilespmem:s20+$0x1BB0]  }
0xb8: {  	v23 =	vadd.s32 v2, v20;
	v21 =	vadd.f32 v21, v13;
	v24 =	vld [tilespmem:s20+$0x1BF0]  }
0xb9: {  	v25 =	vadd.s32 v3, v5;
	v5 =	vmov v8;
	v15 =	vadd.f32 v15, v14;
	v26 =	vld [tilespmem:s20+$0x1C30];
	s20 =	smov.u32 s21;
	s21 =	sadd.s32 $0x100, s21  }
.Ltmp0:
0xba: {  	v13 =	vld [tilespmem:s21+$0xFFFFE440];
	v16 =	vadd.f32 v16, v10;
	v10 =	vadd.s32 v3, v4;
	v4 =	vmov v9;
	(pc) =	sbr.rel @p1 .LBB2_3-.Ltmp0, $4  }
0xbb: {  	v8 =	vadd.s32 v3, v6;
	v6 =	vmov v20;
	v14 =	vld [tilespmem:s21+$0x40];
	[tilespmem:v7+s29+$0x0] =	vst.idx.msk $0xffff, v15;
	v7 =	vadd.f32 v12, v21  }
0xbc: {  	s5 =	sadd.s32 $0x3, s25;
	v12 =	vld [tilespmem:s21+$0xFFFFE380];
	[tilespmem:v19+s29+$0x0] =	vst.idx.msk $0xffff, v16;
	v17 =	vadd.f32 v22, v17  }
0xbd: {  	v19 =	vmov s5;
	v16 =	vld [tilespmem:s21+$0x1C40];
	[tilespmem:v23+s29+$0x0] =	vst.idx.msk $0xffff, v7;
	v9 =	vadd.f32 v24, v11  }
0xbe: {  	s25 =	sadd.s32 $0x4, s25;
	v7 =	vand.u32 $0x7F, v19;
	v15 =	vld [tilespmem:s21+$0xFFFFFF80];
	[tilespmem:v25+s29+$0x0] =	vst.idx.msk $0xffff, v17;
	v11 =	vadd.f32 v26, v18  }
0xbf: {  	v17 =	vld [tilespmem:s21+$0xFFFFE3C0]  }
0xc0: {  	v19 =	vld [tilespmem:s21+$0xFFFFFFC0]  }
0xc1: {  	v39 =	vld [tilespmem:s21+$0xFFFFE400]  }
0xc2: {  	v20 =	vld [tilespmem:s21+$0x0]  }
0xc3: {  	v21 =	vld [tilespmem:s21+$0x1B80]  }
0xc4: {  	v22 =	vld [tilespmem:s21+$0x1BC0]  }
0xc5: {  	v26 =	vld [tilespmem:s21+$0x1C00]  }
0xc6: {  	v30 =	vld [tilespmem:s20+$0xFFFFE3F0]  }
0xc7: {  	v18 =	vadd.s32 v0, v7;
	v54 =	vld [tilespmem:s20+$0xFFFFFFF0]  }
0xc8: {  	v31 =	vld [tilespmem:s20+$0xFFFFE430];
	v13 =	vadd.f32 v14, v13  }
0xc9: {  	v40 =	vmov s23;
	s25 =	sadd.s32 $0x2, s23;
	v56 =	vld [tilespmem:s20+$0x30]  }
0xca: {  	v34 =	vld [tilespmem:s20+$0x1BF0];
	v25 =	vmov s25;
	v13 =	vadd.f32 v16, v13;
	v16 =	vand.u32 $0x7C, v40  }
0xcb: {  	s5 =	sadd.s32 $0x1, s23;
	v42 =	vadd.s32 v0, v16;
	v17 =	vadd.f32 v19, v17;
	v19 =	vand.u32 $0x7E, v25;
	v25 =	vld [tilespmem:s20+$0xFFFFE3B0]  }
0xcc: {  	v41 =	vmov s5;
	v12 =	vadd.f32 v15, v12;
	[tilespmem:v18+s29+$0x0] =	vst.idx.msk $0xffff, v13;
	v18 =	vld [tilespmem:s20+$0xFFFFFFB0]  }
0xcd: {  	v13 =	vand.u32 $0x7D, v41;
	v41 =	vld [tilespmem:s20+$0x1BB0]  }
0xce: {  	v23 =	vld [tilespmem:s21+$0xFFFFE450];
	v24 =	vadd.s32 v0, v13;
	v12 =	vadd.f32 v21, v12  }
0xcf: {  	v43 =	vld [tilespmem:s21+$0x50]  }
0xd0: {  	v44 =	vld [tilespmem:s21+$0x1C50];
	v45 =	vadd.s32 v0, v19;
	[tilespmem:v42+s29+$0x0] =	vst.idx.msk $0xffff, v12  }
0xd1: {  	v14 =	vadd.f32 v20, v39;
	v17 =	vadd.f32 v22, v17;
	v47 =	vld [tilespmem:s21+$0xFFFFE390]  }
0xd2: {  	v48 =	vld [tilespmem:s21+$0xFFFFFF90]  }
0xd3: {  	v14 =	vadd.f32 v26, v14;
	v52 =	vld [tilespmem:s21+$0x1B90];
	[tilespmem:v24+s29+$0x0] =	vst.idx.msk $0xffff, v17  }
0xd4: {  	v49 =	vld [tilespmem:s21+$0xFFFFE3D0]  }
0xd5: {  	v46 =	vadd.s32 v1, v7;
	[tilespmem:v45+s29+$0x0] =	vst.idx.msk $0xffff, v14;
	v50 =	vld [tilespmem:s21+$0xFFFFFFD0]  }
0xd6: {  	v15 =	vadd.f32 v43, v23;
	v14 =	vld [tilespmem:s21+$0xFFFFE410]  }
0xd7: {  	v20 =	vld [tilespmem:s21+$0x10]  }
0xd8: {  	v53 =	vadd.s32 v1, v16;
	v27 =	vld [tilespmem:s21+$0x1BD0];
	v15 =	vadd.f32 v44, v15  }
0xd9: {  	v29 =	vld [tilespmem:s21+$0x1C10];
	v17 =	vadd.f32 v48, v47  }
0xda: {  	v44 =	vld [tilespmem:s20+$0x1C30];
	[tilespmem:v46+s29+$0x0] =	vst.idx.msk $0xffff, v15  }
0xdb: {  	v55 =	vadd.s32 v1, v13;
	v12 =	vld [tilespmem:s21+$0xFFFFE460];
	v17 =	vadd.f32 v52, v17  }
0xdc: {  	v15 =	vld [tilespmem:s21+$0x60];
	v21 =	vadd.f32 v50, v49  }
0xdd: {  	v57 =	vadd.s32 v1, v19;
	v51 =	vld [tilespmem:s21+$0x1C60];
	[tilespmem:v53+s29+$0x0] =	vst.idx.msk $0xffff, v17  }
0xde: {  	v14 =	vadd.f32 v20, v14;
	v59 =	vadd.f32 v27, v21;
	v17 =	vld [tilespmem:s21+$0xFFFFE3A0]  }
0xdf: {  	v61 =	vld [tilespmem:s21+$0xFFFFFFA0]  }
0xe0: {  	v14 =	vadd.f32 v29, v14;
	v36 =	vld [tilespmem:s21+$0x1BA0];
	[tilespmem:v55+s29+$0x0] =	vst.idx.msk $0xffff, v59  }
0xe1: {  	v28 =	vadd.s32 v2, v7;
	v62 =	vld [tilespmem:s21+$0xFFFFE3E0]  }
0xe2: {  	v12 =	vadd.f32 v15, v12;
	[tilespmem:v57+s29+$0x0] =	vst.idx.msk $0xffff, v14;
	v63 =	vld [tilespmem:s21+$0xFFFFFFE0]  }
0xe3: {  	v23 =	vld [tilespmem:s21+$0xFFFFE420]  }
0xe4: {  	v39 =	vadd.s32 v2, v16;
	v37 =	vld [tilespmem:s21+$0x20];
	v12 =	vadd.f32 v51, v12  }
0xe5: {  	v38 =	vld [tilespmem:s21+$0x1BE0];
	v17 =	vadd.f32 v61, v17  }
0xe6: {  	v40 =	vld [tilespmem:s21+$0x1C20];
	[tilespmem:v28+s29+$0x0] =	vst.idx.msk $0xffff, v12  }
0xe7: {  	v33 =	vadd.s32 v2, v13;
	v58 =	vld [tilespmem:s21+$0xFFFFE470];
	v17 =	vadd.f32 v36, v17  }
0xe8: {  	v60 =	vld [tilespmem:s21+$0x70];
	v14 =	vadd.f32 v63, v62  }
0xe9: {  	v42 =	vadd.s32 v2, v19;
	v32 =	vld [tilespmem:s21+$0x1C70];
	[tilespmem:v39+s29+$0x0] =	vst.idx.msk $0xffff, v17  }
0xea: {  	v43 =	vadd.f32 v37, v23;
	v14 =	vadd.f32 v38, v14;
	v45 =	vld [tilespmem:s21+$0xFFFFE3B0]  }
0xeb: {  	s8 =	smulhi.u32 $0x24924925, s19;
	v46 =	vld [tilespmem:s21+$0xFFFFFFB0]  }
0xec: {  	v5 =	vadd.s32 v3, v5;
	v17 =	vadd.f32 v40, v43;
	v55 =	vld [tilespmem:s21+$0x1BB0];
	[tilespmem:v33+s29+$0x0] =	vst.idx.msk $0xffff, v14  }
0xed: {  	v4 =	vadd.s32 v3, v4;
	s23 =	ssub.s32 s19, s8;
	v52 =	vadd.f32 v18, v25;
	v47 =	vld [tilespmem:s21+$0xFFFFE3F0]  }
0xee: {  	v54 =	vadd.f32 v54, v30;
	s20 =	sshrl.u32 s23, $0x1;
	[tilespmem:v42+s29+$0x0] =	vst.idx.msk $0xffff, v17;
	v49 =	vld [tilespmem:s21+$0xFFFFFFF0]  }
0xef: {  	[tilespmem:v8+s29+$0x0] =	vst.idx.msk $0xffff, v11;
	s5 =	sadd.s32 s8, s20;
	v8 =	vadd.f32 v41, v52;
	v51 =	vld [tilespmem:s21+$0xFFFFE430]  }
0xf0: {  	[tilespmem:v10+s29+$0x0] =	vst.idx.msk $0xffff, v9;
	v6 =	vadd.s32 v3, v6;
	s5 =	sshrl.u32 s5, $0x2;
	v57 =	vadd.f32 v34, v54;
	v53 =	vld [tilespmem:s21+$0x30]  }
0xf1: {  	v48 =	vadd.s32 v3, v7;
	s25 =	smul.u32 $0x7, s5;
	[tilespmem:v5+s29+$0x0] =	vst.idx.msk $0xffff, v8;
	v12 =	vadd.f32 v56, v31;
	v56 =	vld [tilespmem:s21+$0x1BF0]  }
0xf2: {  	s5 =	sadd.s32 s6, s5;
	[tilespmem:v4+s29+$0x0] =	vst.idx.msk $0xffff, v57;
	v50 =	vadd.f32 v60, v58;
	v58 =	vadd.s32 v3, v16;
	v59 =	vld [tilespmem:s21+$0x1C30]  }
0xf3: {  	s5 =	smul.u32 $0xC400, s5;
	s20 =	ssub.s32 s19, s25;
	v12 =	vadd.f32 v44, v12;
	v60 =	vadd.s32 v3, v13;
	v5 =	vadd.f32 v46, v45  }
0xf4: {  	s20 =	smul.u32 $0x70, s20;
	v62 =	vadd.s32 v3, v19;
	v9 =	vadd.f32 v32, v50;
	v61 =	vadd.f32 v49, v47  }
0xf5: {  	[tilespmem:v6+s29+$0x0] =	vst.idx.msk $0xffff, v12;
	v4 =	vadd.f32 v53, v51;
	v5 =	vadd.f32 v55, v5  }
0xf6: {  	s5 =	sor.u32 s20, s5;
	[tilespmem:v48+s29+$0x0] =	vst.idx.msk $0xffff, v9;
	v63 =	vadd.f32 v56, v61  }
0xf7: {  	s5 =	sshrl.u32 s5, $0x3;
	[tilespmem:v58+s29+$0x0] =	vst.idx.msk $0xffff, v5;
	v4 =	vadd.f32 v59, v4  }
0xf8: {  	s23 =	simm.s32 $0x62;
	s20 =	sadd.s32 s2, s5;
	[tilespmem:v60+s29+$0x0] =	vst.idx.msk $0xffff, v63  }
0xf9: {  	s25 =	simm.s32 $0x12138;
	s5 =	simm.s32 $0x120C0;
	s21 =	sadd.s32 $0x0, s20;
	[tilespmem:v62+s29+$0x0] =	vst.idx.msk $0xffff, v4  }
.LBB2_5:
0xfa: {  	[hbm4b:s21+s3] =	stream.linear.scatter [tilespmem:s5], [sflag:$0x4], $0x70, $0x38;
	[tilespmem:$0x17AC0] =	vst v63  }
0xfb: {  	s21 =	smov.u32 s23;
	s5 =	smov.u32 s25;
	p1 =	sne.s32 s23, $0x181E  }
.Ltmp1:
0xfc: {  	s23 =	sadd.s32 $0x62, s23;
	(pc) =	sbr.rel @p1 .LBB2_5-.Ltmp1, $2  }
0xfd: {  	_ =	sdelay $0x2  }
0xfe: {  	s25 =	sadd.s32 $0x78, s25;
	s21 =	sadd.s32 s21, s20  }
0xff: {  	s20 =	sadd.s32 $0x3, s19  }
0x100: {  	s23 =	smulhi.u32 $0x24924925, s20;
	_ =	sdelay $0x1  }
0x101: {  	s25 =	ssub.s32 s20, s23  }
0x102: {  	s25 =	sshrl.u32 s25, $0x1  }
0x103: {  	s23 =	sadd.s32 s23, s25  }
0x104: {  	s23 =	sshrl.u32 s23, $0x2  }
0x105: {  	s8 =	smul.u32 $0x7, s23;
	_ =	sdelay $0x1  }
0x106: {  	s23 =	smul.u32 $0x24C0, s23;
	s20 =	ssub.s32 s20, s8  }
0x107: {  	s20 =	smul.u32 $0x1C0, s20  }
0x108: {  	[hbm4b:s21+s3] =	stream.linear.scatter [tilespmem:s5], [sflag:$0x4], $0x70, $0x38;
	[tilespmem:$0x17AC0] =	vst v63  }
0x109: {  	s8 =	sshra.s32 s23, $0x2;
	s20 =	sshrl.u32 s20, $0x2  }
0x10a: {  	s5 =	sadd.s32 s20, s8  }
0x10b: {  	[tilespmem:s11], [sflag:$0x1] =	stream.indirect.gather [hbm4b:s4+s10], $0x40, s5, s10, $0xb8;
	[tilespmem:$0x17AC0] =	vst v63  }
0x10c: {  	s20 =	sadd.s32 $0x310, s5  }
0x10d: {  	[tilespmem:s13], [sflag:$0x1] =	stream.indirect.gather [hbm4b:s4+s10], $0x40, s20, s10, $0xb8;
	[tilespmem:$0x17AC0] =	vst v63  }
0x10e: {  	s5 =	sadd.s32 $0x620, s5  }
0x10f: {  	[tilespmem:s15], [sflag:$0x1] =	stream.indirect.gather [hbm4b:s4+s10], $0x40, s5, s10, $0xb8;
	[tilespmem:$0x17AC0] =	vst v63  }
0x110: {  	_ =	swait.ge [sflag:s30], $0x1C00  }
0x111: {  	[sflag:s30] =	ssyncset.done $0x0  }
0x112: {  	[sflag:s30] =	ssyncadd.s32 $0xFFFFE400  }
0x113: {  	_ =	swait.ge [sflag:s30], $0x1C00  }
0x114: {  	[sflag:s30] =	ssyncset.done $0x0  }
0x115: {  	[sflag:s30] =	ssyncadd.s32 $0xFFFFE400  }
0x116: {  	_ =	swait.ge [sflag:s30], $0x1C00  }
0x117: {  	[sflag:s30] =	ssyncset.done $0x0  }
0x118: {  	s5 =	simm.s32 @!p0 $0x5;
	[sflag:s30] =	ssyncadd.s32 $0xFFFFE400  }
0x119: {  	_ =	swait.ge @!p0 [sflag:s5], $0x1C00  }
0x11a: {  	[sflag:s5] =	ssyncset.done @!p0 $0x0  }
0x11b: {  	s23 =	simm.s32 $0xB1B0;
	[sflag:s5] =	ssyncadd.s32 @!p0 $0xFFFFE400  }
0x11c: {  	v4 =	vld [tilespmem:s23+$0xFFFFC7D0]  }
0x11d: {  	v5 =	vld [tilespmem:s23+$0xFFFFE3D0]  }
0x11e: {  	s21 =	simm.s32 $0x3  }
0x11f: {  	v6 =	vmov s21;
	v7 =	vld [tilespmem:s23+$0xFFFFFFD0]  }
0x120: {  	v10 =	vand.u32 $0x7F, v6  }
0x121: {  	v6 =	vadd.s32 v0, v10;
	v9 =	vld [tilespmem:s23+$0xFFFFE310]  }
0x122: {  	v11 =	vld [tilespmem:s23+$0xFFFFC750];
	v4 =	vadd.f32 v5, v4  }
0x123: {  	v14 =	vld [tilespmem:s23+$0xFFFFE350]  }
0x124: {  	v5 =	vld [tilespmem:s23+$0xFFFFC710];
	v4 =	vadd.f32 v7, v4  }
0x125: {  	s25 =	simm.s32 $0x0  }
0x126: {  	v12 =	vld [tilespmem:s23+$0xFFFFFF10];
	[tilespmem:v6+s31+$0x0] =	vst.idx.msk $0xffff, v4;
	v6 =	vmov s25  }
0x127: {  	v16 =	vld [tilespmem:s23+$0xFFFFFF50];
	v8 =	vand.u32 $0x7C, v6  }
0x128: {  	v18 =	vld [tilespmem:s23+$0xFFFFC790];
	v6 =	vadd.s32 v0, v8  }
0x129: {  	v11 =	vadd.f32 v14, v11;
	v14 =	vld [tilespmem:s23+$0xFFFFFF90];
	v5 =	vadd.f32 v9, v5  }
0x12a: {  	v4 =	vld [tilespmem:s23+$0xFFFFC7E0]  }
0x12b: {  	v13 =	vld [tilespmem:s23+$0xFFFFE3E0];
	v5 =	vadd.f32 v12, v5  }
0x12c: {  	v15 =	vld [tilespmem:s23+$0xFFFFFFE0]  }
0x12d: {  	s20 =	simm.s32 $0x2;
	v12 =	vld [tilespmem:s23+$0xFFFFE390];
	[tilespmem:v6+s31+$0x0] =	vst.idx.msk $0xffff, v5  }
0x12e: {  	v5 =	vmov s20;
	v6 =	vld [tilespmem:s23+$0xFFFFC720]  }
0x12f: {  	s20 =	simm.s32 $0xB2B0;
	v9 =	vand.u32 $0x7E, v5;
	v5 =	vadd.f32 v16, v11;
	v11 =	vld [tilespmem:s23+$0xFFFFE320]  }
0x130: {  	v21 =	vld [tilespmem:s20+$0xFFFFE3D0]  }
0x131: {  	v22 =	vld [tilespmem:s20+$0xFFFFC710]  }
0x132: {  	s8 =	simm.s32 $0x1;
	v24 =	vld [tilespmem:s20+$0xFFFFFFD0]  }
0x133: {  	v17 =	vadd.s32 v1, v10;
	v7 =	vmov s8;
	v25 =	vld [tilespmem:s20+$0xFFFFE310]  }
0x134: {  	v7 =	vand.u32 $0x7D, v7;
	v4 =	vadd.f32 v13, v4;
	v26 =	vld [tilespmem:s20+$0xFFFFC750]  }
0x135: {  	v13 =	vadd.s32 v0, v7;
	v28 =	vld [tilespmem:s20+$0xFFFFE350]  }
0x136: {  	v4 =	vadd.f32 v15, v4;
	v60 =	vld [tilespmem:s20+$0xFFFFC790]  }
0x137: {  	v29 =	vld [tilespmem:s20+$0xFFFFE390]  }
0x138: {  	v31 =	vld [tilespmem:s20+$0xFFFFFF10];
	[tilespmem:v17+s31+$0x0] =	vst.idx.msk $0xffff, v4  }
0x139: {  	v12 =	vadd.f32 v12, v18;
	v4 =	vadd.s32 v0, v9;
	v15 =	vld [tilespmem:s23+$0xFFFFC7F0]  }
0x13a: {  	[tilespmem:v13+s31+$0x0] =	vst.idx.msk $0xffff, v5;
	v5 =	vld [tilespmem:s23+$0xFFFFE3F0]  }
0x13b: {  	v12 =	vadd.f32 v14, v12;
	v14 =	vld [tilespmem:s23+$0xFFFFFFF0]  }
0x13c: {  	v13 =	vld [tilespmem:s23+$0xFFFFC760]  }
0x13d: {  	v16 =	vld [tilespmem:s23+$0xFFFFE360]  }
0x13e: {  	[tilespmem:v4+s31+$0x0] =	vst.idx.msk $0xffff, v12;
	v4 =	vld [tilespmem:s23+$0xFFFFFF20]  }
0x13f: {  	v12 =	vadd.s32 v2, v10;
	v17 =	vld [tilespmem:s23+$0xFFFFC7A0]  }
0x140: {  	v18 =	vadd.s32 v1, v8;
	v5 =	vadd.f32 v5, v15;
	v15 =	vld [tilespmem:s23+$0xFFFFE3A0]  }
0x141: {  	v6 =	vadd.f32 v11, v6;
	v11 =	vld [tilespmem:s23+$0xFFFFFF60]  }
0x142: {  	v5 =	vadd.f32 v14, v5;
	v14 =	vld [tilespmem:s23+$0xFFFFFFA0]  }
0x143: {  	v19 =	vadd.s32 v1, v7;
	v62 =	vld [tilespmem:s20+$0xFFFFFF50];
	v4 =	vadd.f32 v4, v6  }
0x144: {  	v34 =	vld [tilespmem:s20+$0xFFFFFF90];
	[tilespmem:v12+s31+$0x0] =	vst.idx.msk $0xffff, v5;
	v5 =	vadd.f32 v16, v13;
	v6 =	vadd.s32 v1, v9  }
0x145: {  	v12 =	vld [tilespmem:s23+$0xFFFFC800];
	[tilespmem:v18+s31+$0x0] =	vst.idx.msk $0xffff, v4;
	v4 =	vadd.f32 v15, v17  }
0x146: {  	v13 =	vld [tilespmem:s23+$0xFFFFE400];
	v5 =	vadd.f32 v11, v5  }
0x147: {  	v11 =	vld [tilespmem:s23+$0xFFFFC730];
	v4 =	vadd.f32 v14, v4  }
0x148: {  	[tilespmem:v19+s31+$0x0] =	vst.idx.msk $0xffff, v5;
	v5 =	vld [tilespmem:s23+$0xFFFFE330]  }
0x149: {  	[tilespmem:v6+s31+$0x0] =	vst.idx.msk $0xffff, v4;
	v4 =	vld [tilespmem:s23+$0xFFFFFF30]  }
0x14a: {  	v6 =	vld [tilespmem:s20+$0xFFFFC7D0]  }
0x14b: {  	s21 =	simm.s32 $0x7;
	v15 =	vld [tilespmem:s23+$0x0]  }
0x14c: {  	v23 =	vmov s21;
	v61 =	vadd.s32 v2, v8;
	v14 =	vld [tilespmem:s23+$0xFFFFC770]  }
0x14d: {  	v23 =	vand.u32 $0x7F, v23;
	v16 =	vld [tilespmem:s23+$0xFFFFE370];
	v11 =	vadd.f32 v5, v11  }
0x14e: {  	v27 =	vadd.s32 v0, v23;
	v19 =	vld [tilespmem:s23+$0xFFFFFF70]  }
0x14f: {  	s25 =	simm.s32 $0x4;
	v17 =	vld [tilespmem:s23+$0xFFFFC7B0];
	v6 =	vadd.f32 v21, v6;
	v11 =	vadd.f32 v4, v11  }
0x150: {  	v30 =	vmov s25;
	v18 =	vld [tilespmem:s23+$0xFFFFE3B0]  }
0x151: {  	v20 =	vld [tilespmem:s23+$0xFFFFFFB0];
	v5 =	vand.u32 $0x7C, v30;
	v6 =	vadd.f32 v24, v6;
	[tilespmem:v61+s31+$0x0] =	vst.idx.msk $0xffff, v11  }
0x152: {  	s8 =	simm.s32 $0x5;
	v63 =	vadd.s32 v0, v5;
	v39 =	vld [tilespmem:s23+$0xFFFFC740]  }
0x153: {  	v22 =	vadd.f32 v25, v22;
	v41 =	vld [tilespmem:s23+$0xFFFFE340];
	[tilespmem:v27+s31+$0x0] =	vst.idx.msk $0xffff, v6;
	v6 =	vmov s8  }
0x154: {  	s21 =	simm.s32 $0x6;
	v61 =	vld [tilespmem:s23+$0xFFFFFF40];
	v4 =	vand.u32 $0x7D, v6  }
0x155: {  	v22 =	vadd.f32 v31, v22;
	v32 =	vld [tilespmem:s20+$0xFFFFC7E0];
	v6 =	vmov s21;
	v33 =	vadd.s32 v0, v4  }
0x156: {  	v11 =	vadd.f32 v28, v26;
	v36 =	vld [tilespmem:s20+$0xFFFFE3E0];
	v6 =	vand.u32 $0x7E, v6  }
0x157: {  	[tilespmem:v63+s31+$0x0] =	vst.idx.msk $0xffff, v22;
	v37 =	vld [tilespmem:s20+$0xFFFFFFE0];
	v38 =	vadd.s32 v0, v6  }
0x158: {  	v21 =	vadd.f32 v29, v60;
	v11 =	vadd.f32 v62, v11;
	v42 =	vld [tilespmem:s20+$0xFFFFC720]  }
0x159: {  	v40 =	vadd.s32 v1, v23;
	v45 =	vadd.s32 v2, v7;
	v17 =	vadd.f32 v18, v17;
	v18 =	vld [tilespmem:s20+$0xFFFFFF20]  }
0x15a: {  	v14 =	vadd.f32 v16, v14;
	v21 =	vadd.f32 v34, v21;
	[tilespmem:v33+s31+$0x0] =	vst.idx.msk $0xffff, v11;
	v11 =	vld [tilespmem:s20+$0xFFFFE320]  }
0x15b: {  	v25 =	vadd.f32 v36, v32;
	v43 =	vld [tilespmem:s20+$0xFFFFC760]  }
0x15c: {  	v14 =	vadd.f32 v19, v14;
	v44 =	vld [tilespmem:s20+$0xFFFFE360];
	[tilespmem:v38+s31+$0x0] =	vst.idx.msk $0xffff, v21  }
0x15d: {  	v24 =	vadd.f32 v37, v25;
	v21 =	vld [tilespmem:s20+$0xFFFFC7A0]  }
0x15e: {  	[tilespmem:v45+s31+$0x0] =	vst.idx.msk $0xffff, v14;
	v16 =	vld [tilespmem:s20+$0xFFFFE3A0]  }
0x15f: {  	v14 =	vld [tilespmem:s20+$0xFFFFFFA0];
	[tilespmem:v40+s31+$0x0] =	vst.idx.msk $0xffff, v24  }
0x160: {  	v51 =	vadd.s32 v1, v5;
	v22 =	vld [tilespmem:s20+$0xFFFFC7F0]  }
0x161: {  	v46 =	vld [tilespmem:s20+$0xFFFFE3F0];
	v11 =	vadd.f32 v11, v42  }
0x162: {  	v47 =	vadd.s32 v2, v9;
	v19 =	vld [tilespmem:s20+$0xFFFFFF60]  }
0x163: {  	v55 =	vadd.s32 v1, v6;
	v48 =	vld [tilespmem:s20+$0xFFFFFFF0];
	v11 =	vadd.f32 v18, v11  }
0x164: {  	v49 =	vadd.s32 v2, v23;
	v52 =	vld [tilespmem:s23+$0xFFFFE380];
	v18 =	vadd.s32 v1, v4;
	v16 =	vadd.f32 v16, v21  }
0x165: {  	v17 =	vadd.f32 v20, v17;
	v24 =	vld [tilespmem:s23+$0xFFFFC780];
	v25 =	vadd.f32 v44, v43;
	[tilespmem:v51+s31+$0x0] =	vst.idx.msk $0xffff, v11  }
0x166: {  	v50 =	vadd.f32 v46, v22;
	v14 =	vadd.f32 v14, v16;
	v56 =	vld [tilespmem:s20+$0xFFFFC730]  }
0x167: {  	[tilespmem:v47+s31+$0x0] =	vst.idx.msk $0xffff, v17;
	v19 =	vadd.f32 v19, v25;
	v16 =	vld [tilespmem:s20+$0xFFFFE330]  }
0x168: {  	v58 =	vld [tilespmem:s20+$0xFFFFFF30];
	v17 =	vadd.f32 v48, v50;
	[tilespmem:v55+s31+$0x0] =	vst.idx.msk $0xffff, v14  }
0x169: {  	[tilespmem:v18+s31+$0x0] =	vst.idx.msk $0xffff, v19;
	v19 =	vld [tilespmem:s20+$0xFFFFC7B0]  }
0x16a: {  	[tilespmem:v49+s31+$0x0] =	vst.idx.msk $0xffff, v17;
	v18 =	vld [tilespmem:s20+$0xFFFFC770]  }
0x16b: {  	v10 =	vadd.s32 v3, v10;
	v54 =	vld [tilespmem:s20+$0xFFFFC800]  }
0x16c: {  	v12 =	vadd.f32 v13, v12;
	v11 =	vld [tilespmem:s20+$0xFFFFE400]  }
0x16d: {  	v14 =	vld [tilespmem:s20+$0xFFFFE370]  }
0x16e: {  	v12 =	vadd.f32 v15, v12;
	v57 =	vld [tilespmem:s20+$0x0]  }
0x16f: {  	v60 =	vadd.s32 v2, v5;
	v13 =	vld [tilespmem:s20+$0xFFFFE3B0]  }
0x170: {  	v15 =	vadd.s32 v3, v23;
	[tilespmem:v10+s31+$0x0] =	vst.idx.msk $0xffff, v12;
	v59 =	vld [tilespmem:s20+$0xFFFFFF70];
	v10 =	vadd.f32 v16, v56  }
0x171: {  	v30 =	vld [tilespmem:s20+$0xFFFFFFB0];
	v11 =	vadd.f32 v11, v54  }
0x172: {  	v53 =	vld [tilespmem:s23+$0xFFFFC7C0];
	v16 =	vadd.s32 v2, v4;
	v10 =	vadd.f32 v58, v10  }
0x173: {  	v63 =	vadd.s32 v3, v8;
	v17 =	vld [tilespmem:s23+$0xFFFFE3C0];
	v12 =	vadd.f32 v14, v18;
	v11 =	vadd.f32 v57, v11  }
0x174: {  	v62 =	vld [tilespmem:s23+$0xFFFFFF80];
	v19 =	vadd.f32 v13, v19;
	v18 =	vadd.s32 v2, v6;
	[tilespmem:v60+s31+$0x0] =	vst.idx.msk $0xffff, v10  }
0x175: {  	s21 =	simm.s32 $0xB3B0;
	v31 =	vld [tilespmem:s23+$0xFFFFFFC0];
	v8 =	vadd.f32 v41, v39;
	[tilespmem:v15+s31+$0x0] =	vst.idx.msk $0xffff, v11;
	v11 =	vadd.f32 v59, v12  }
0x176: {  	v13 =	vld [tilespmem:s21+$0xFFFFC7D0];
	v19 =	vadd.f32 v30, v19;
	v10 =	vadd.s32 v3, v7;
	v15 =	vadd.f32 v52, v24  }
0x177: {  	v14 =	vld [tilespmem:s21+$0xFFFFE3D0];
	[tilespmem:v16+s31+$0x0] =	vst.idx.msk $0xffff, v11;
	v11 =	vadd.f32 v61, v8;
	v8 =	vadd.s32 v3, v9  }
0x178: {  	s25 =	simm.s32 $0xB;
	v17 =	vadd.f32 v17, v53;
	v12 =	vld [tilespmem:s21+$0xFFFFC710]  }
0x179: {  	v7 =	vmov s25;
	[tilespmem:v18+s31+$0x0] =	vst.idx.msk $0xffff, v19;
	v16 =	vld [tilespmem:s21+$0xFFFFFFD0];
	v9 =	vadd.f32 v62, v15  }
0x17a: {  	s5 =	simm.s32 $0xC;
	s23 =	sadd.s32 $0x1, s19;
	s25 =	simm.s32 $0x8;
	v7 =	vand.u32 $0x7F, v7;
	v15 =	vld [tilespmem:s21+$0xFFFFE310];
	[tilespmem:v63+s31+$0x0] =	vst.idx.msk $0xffff, v11;
	v11 =	vadd.f32 v31, v17  }
.LBB2_7:
0x17b: {  	p1 =	slt.u32 s5, $0x6C;
	v17 =	vld [tilespmem:s21+$0xFFFFC750];
	v18 =	vadd.s32 v0, v7;
	[tilespmem:v10+s31+$0x0] =	vst.idx.msk $0xffff, v9  }
0x17c: {  	v9 =	vld [tilespmem:s21+$0xFFFFE350];
	v10 =	vadd.f32 v14, v13;
	[tilespmem:v8+s31+$0x0] =	vst.idx.msk $0xffff, v11  }
0x17d: {  	v11 =	vld [tilespmem:s21+$0xFFFFC790]  }
0x17e: {  	v13 =	vld [tilespmem:s21+$0xFFFFE390];
	v10 =	vadd.f32 v16, v10  }
0x17f: {  	s8 =	sadd.s32 $0x1, s25;
	v8 =	vmov s25;
	v12 =	vadd.f32 v15, v12;
	v14 =	vld [tilespmem:s21+$0xFFFFFF10]  }
0x180: {  	v8 =	vand.u32 $0x7C, v8;
	v15 =	vmov s8;
	v16 =	vld [tilespmem:s21+$0xFFFFFF50];
	[tilespmem:v18+s31+$0x0] =	vst.idx.msk $0xffff, v10  }
0x181: {  	v10 =	vadd.s32 v0, v8;
	v17 =	vadd.f32 v9, v17;
	v9 =	vand.u32 $0x7D, v15;
	v15 =	vld [tilespmem:s21+$0xFFFFC7E0]  }
0x182: {  	s8 =	sadd.s32 $0x2, s25;
	s25 =	smov.u32 s5;
	v18 =	vadd.s32 v0, v9;
	v19 =	vld [tilespmem:s21+$0xFFFFE3E0]  }
0x183: {  	v20 =	vmov s8;
	v11 =	vadd.f32 v13, v11;
	v13 =	vld [tilespmem:s21+$0xFFFFFF90]  }
0x184: {  	v20 =	vand.u32 $0x7E, v20;
	v12 =	vadd.f32 v14, v12;
	v14 =	vld [tilespmem:s21+$0xFFFFFFE0]  }
0x185: {  	v16 =	vadd.f32 v16, v17;
	v17 =	vadd.s32 v0, v20;
	v21 =	vld [tilespmem:s20+$0xFFFFC740]  }
0x186: {  	[tilespmem:v10+s31+$0x0] =	vst.idx.msk $0xffff, v12;
	v10 =	vadd.s32 v1, v7;
	v12 =	vld [tilespmem:s20+$0xFFFFE340]  }
0x187: {  	v22 =	vld [tilespmem:s21+$0xFFFFC720];
	[tilespmem:v18+s31+$0x0] =	vst.idx.msk $0xffff, v16;
	v15 =	vadd.f32 v19, v15  }
0x188: {  	v16 =	vld [tilespmem:s21+$0xFFFFE320];
	v11 =	vadd.f32 v13, v11  }
0x189: {  	v13 =	vld [tilespmem:s21+$0xFFFFC760];
	v14 =	vadd.f32 v14, v15  }
0x18a: {  	v15 =	vld [tilespmem:s21+$0xFFFFE360];
	[tilespmem:v17+s31+$0x0] =	vst.idx.msk $0xffff, v11  }
0x18b: {  	v11 =	vld [tilespmem:s21+$0xFFFFC7A0];
	[tilespmem:v10+s31+$0x0] =	vst.idx.msk $0xffff, v14;
	v17 =	vadd.f32 v12, v21  }
0x18c: {  	v10 =	vld [tilespmem:s21+$0xFFFFC7F0]  }
0x18d: {  	v12 =	vadd.f32 v16, v22;
	v14 =	vld [tilespmem:s21+$0xFFFFE3F0]  }
0x18e: {  	v16 =	vld [tilespmem:s21+$0xFFFFE3A0]  }
0x18f: {  	v13 =	vadd.f32 v15, v13;
	v15 =	vld [tilespmem:s21+$0xFFFFFFF0]  }
0x190: {  	v18 =	vld [tilespmem:s21+$0xFFFFFF20]  }
0x191: {  	v21 =	vadd.s32 v2, v7;
	v19 =	vld [tilespmem:s21+$0xFFFFFF60]  }
0x192: {  	v22 =	vadd.s32 v1, v8;
	v23 =	vld [tilespmem:s21+$0xFFFFFFA0];
	v10 =	vadd.f32 v14, v10  }
0x193: {  	v14 =	vadd.s32 v1, v9;
	v11 =	vadd.f32 v16, v11;
	v16 =	vld [tilespmem:s20+$0xFFFFC780]  }
0x194: {  	v24 =	vadd.s32 v1, v20;
	v10 =	vadd.f32 v15, v10;
	v15 =	vld [tilespmem:s20+$0xFFFFE380]  }
0x195: {  	v12 =	vadd.f32 v18, v12;
	v18 =	vld [tilespmem:s20+$0xFFFFC7C0]  }
0x196: {  	v13 =	vadd.f32 v19, v13;
	[tilespmem:v21+s31+$0x0] =	vst.idx.msk $0xffff, v10;
	v10 =	vld [tilespmem:s20+$0xFFFFE3C0]  }
0x197: {  	[tilespmem:v22+s31+$0x0] =	vst.idx.msk $0xffff, v12;
	v11 =	vadd.f32 v23, v11;
	v12 =	vld [tilespmem:s21+$0xFFFFC800]  }
0x198: {  	[tilespmem:v14+s31+$0x0] =	vst.idx.msk $0xffff, v13;
	v13 =	vld [tilespmem:s21+$0xFFFFE400]  }
0x199: {  	v14 =	vld [tilespmem:s21+$0xFFFFC730];
	[tilespmem:v24+s31+$0x0] =	vst.idx.msk $0xffff, v11;
	v11 =	vadd.f32 v15, v16  }
0x19a: {  	v15 =	vld [tilespmem:s21+$0x0]  }
0x19b: {  	v16 =	vld [tilespmem:s21+$0xFFFFE330];
	v18 =	vadd.f32 v10, v18  }
0x19c: {  	v7 =	vadd.s32 v3, v7;
	v10 =	vld [tilespmem:s21+$0xFFFFC770]  }
0x19d: {  	v19 =	vld [tilespmem:s21+$0xFFFFE370];
	v12 =	vadd.f32 v13, v12  }
0x19e: {  	v13 =	vld [tilespmem:s21+$0xFFFFC7B0]  }
0x19f: {  	v21 =	vld [tilespmem:s21+$0xFFFFE3B0];
	v12 =	vadd.f32 v15, v12  }
0x1a0: {  	v14 =	vadd.f32 v16, v14;
	v15 =	vld [tilespmem:s21+$0xFFFFFF30]  }
0x1a1: {  	v16 =	vld [tilespmem:s21+$0xFFFFFF70];
	[tilespmem:v7+s31+$0x0] =	vst.idx.msk $0xffff, v12  }
0x1a2: {  	v7 =	vadd.s32 v2, v8;
	v10 =	vadd.f32 v19, v10;
	v12 =	vld [tilespmem:s21+$0xFFFFFFB0]  }
0x1a3: {  	v19 =	vadd.s32 v2, v9;
	v22 =	vld [tilespmem:s20+$0xFFFFFF40]  }
0x1a4: {  	v23 =	vadd.s32 v2, v20;
	v21 =	vadd.f32 v21, v13;
	v24 =	vld [tilespmem:s20+$0xFFFFFF80]  }
0x1a5: {  	v25 =	vadd.s32 v3, v5;
	v5 =	vmov v8;
	v15 =	vadd.f32 v15, v14;
	v26 =	vld [tilespmem:s20+$0xFFFFFFC0];
	s20 =	smov.u32 s21;
	s21 =	sadd.s32 $0x100, s21  }
.Ltmp2:
0x1a6: {  	v13 =	vld [tilespmem:s21+$0xFFFFC7D0];
	v16 =	vadd.f32 v16, v10;
	v10 =	vadd.s32 v3, v4;
	v4 =	vmov v9;
	(pc) =	sbr.rel @p1 .LBB2_7-.Ltmp2, $4  }
0x1a7: {  	v8 =	vadd.s32 v3, v6;
	v6 =	vmov v20;
	v14 =	vld [tilespmem:s21+$0xFFFFE3D0];
	[tilespmem:v7+s31+$0x0] =	vst.idx.msk $0xffff, v15;
	v7 =	vadd.f32 v12, v21  }
0x1a8: {  	s8 =	sadd.s32 $0x3, s5;
	v12 =	vld [tilespmem:s21+$0xFFFFC710];
	[tilespmem:v19+s31+$0x0] =	vst.idx.msk $0xffff, v16;
	v17 =	vadd.f32 v22, v17  }
0x1a9: {  	v19 =	vmov s8;
	v16 =	vld [tilespmem:s21+$0xFFFFFFD0];
	[tilespmem:v23+s31+$0x0] =	vst.idx.msk $0xffff, v7;
	v9 =	vadd.f32 v24, v11  }
0x1aa: {  	s5 =	sadd.s32 $0x4, s5;
	v7 =	vand.u32 $0x7F, v19;
	v15 =	vld [tilespmem:s21+$0xFFFFE310];
	[tilespmem:v25+s31+$0x0] =	vst.idx.msk $0xffff, v17;
	v11 =	vadd.f32 v26, v18  }
0x1ab: {  	v17 =	vld [tilespmem:s21+$0xFFFFC750]  }
0x1ac: {  	v19 =	vld [tilespmem:s21+$0xFFFFE350]  }
0x1ad: {  	v39 =	vld [tilespmem:s21+$0xFFFFC790]  }
0x1ae: {  	v20 =	vld [tilespmem:s21+$0xFFFFE390]  }
0x1af: {  	v21 =	vld [tilespmem:s21+$0xFFFFFF10]  }
0x1b0: {  	v22 =	vld [tilespmem:s21+$0xFFFFFF50]  }
0x1b1: {  	v26 =	vld [tilespmem:s21+$0xFFFFFF90]  }
0x1b2: {  	v30 =	vld [tilespmem:s20+$0xFFFFC780]  }
0x1b3: {  	v18 =	vadd.s32 v0, v7;
	v54 =	vld [tilespmem:s20+$0xFFFFE380]  }
0x1b4: {  	v31 =	vld [tilespmem:s20+$0xFFFFC7C0];
	v13 =	vadd.f32 v14, v13  }
0x1b5: {  	v40 =	vmov s25;
	s8 =	sadd.s32 $0x2, s25;
	v56 =	vld [tilespmem:s20+$0xFFFFE3C0]  }
0x1b6: {  	v34 =	vld [tilespmem:s20+$0xFFFFFF80];
	v25 =	vmov s8;
	v13 =	vadd.f32 v16, v13;
	v16 =	vand.u32 $0x7C, v40  }
0x1b7: {  	s5 =	sadd.s32 $0x1, s25;
	v42 =	vadd.s32 v0, v16;
	v17 =	vadd.f32 v19, v17;
	v19 =	vand.u32 $0x7E, v25;
	v25 =	vld [tilespmem:s20+$0xFFFFC740]  }
0x1b8: {  	v41 =	vmov s5;
	v12 =	vadd.f32 v15, v12;
	[tilespmem:v18+s31+$0x0] =	vst.idx.msk $0xffff, v13;
	v18 =	vld [tilespmem:s20+$0xFFFFE340]  }
0x1b9: {  	v13 =	vand.u32 $0x7D, v41;
	v41 =	vld [tilespmem:s20+$0xFFFFFF40]  }
0x1ba: {  	v23 =	vld [tilespmem:s21+$0xFFFFC7E0];
	v24 =	vadd.s32 v0, v13;
	v12 =	vadd.f32 v21, v12  }
0x1bb: {  	v43 =	vld [tilespmem:s21+$0xFFFFE3E0]  }
0x1bc: {  	v44 =	vld [tilespmem:s21+$0xFFFFFFE0];
	v45 =	vadd.s32 v0, v19;
	[tilespmem:v42+s31+$0x0] =	vst.idx.msk $0xffff, v12  }
0x1bd: {  	v14 =	vadd.f32 v20, v39;
	v17 =	vadd.f32 v22, v17;
	v47 =	vld [tilespmem:s21+$0xFFFFC720]  }
0x1be: {  	v48 =	vld [tilespmem:s21+$0xFFFFE320]  }
0x1bf: {  	v14 =	vadd.f32 v26, v14;
	v52 =	vld [tilespmem:s21+$0xFFFFFF20];
	[tilespmem:v24+s31+$0x0] =	vst.idx.msk $0xffff, v17  }
0x1c0: {  	v49 =	vld [tilespmem:s21+$0xFFFFC760]  }
0x1c1: {  	v46 =	vadd.s32 v1, v7;
	[tilespmem:v45+s31+$0x0] =	vst.idx.msk $0xffff, v14;
	v50 =	vld [tilespmem:s21+$0xFFFFE360]  }
0x1c2: {  	v15 =	vadd.f32 v43, v23;
	v14 =	vld [tilespmem:s21+$0xFFFFC7A0]  }
0x1c3: {  	v20 =	vld [tilespmem:s21+$0xFFFFE3A0]  }
0x1c4: {  	v53 =	vadd.s32 v1, v16;
	v27 =	vld [tilespmem:s21+$0xFFFFFF60];
	v15 =	vadd.f32 v44, v15  }
0x1c5: {  	v29 =	vld [tilespmem:s21+$0xFFFFFFA0];
	v17 =	vadd.f32 v48, v47  }
0x1c6: {  	v44 =	vld [tilespmem:s20+$0xFFFFFFC0];
	[tilespmem:v46+s31+$0x0] =	vst.idx.msk $0xffff, v15  }
0x1c7: {  	v55 =	vadd.s32 v1, v13;
	v12 =	vld [tilespmem:s21+$0xFFFFC7F0];
	v17 =	vadd.f32 v52, v17  }
0x1c8: {  	v15 =	vld [tilespmem:s21+$0xFFFFE3F0];
	v21 =	vadd.f32 v50, v49  }
0x1c9: {  	v57 =	vadd.s32 v1, v19;
	v51 =	vld [tilespmem:s21+$0xFFFFFFF0];
	[tilespmem:v53+s31+$0x0] =	vst.idx.msk $0xffff, v17  }
0x1ca: {  	v14 =	vadd.f32 v20, v14;
	v59 =	vadd.f32 v27, v21;
	v17 =	vld [tilespmem:s21+$0xFFFFC730]  }
0x1cb: {  	v61 =	vld [tilespmem:s21+$0xFFFFE330]  }
0x1cc: {  	v14 =	vadd.f32 v29, v14;
	v36 =	vld [tilespmem:s21+$0xFFFFFF30];
	[tilespmem:v55+s31+$0x0] =	vst.idx.msk $0xffff, v59  }
0x1cd: {  	v28 =	vadd.s32 v2, v7;
	v62 =	vld [tilespmem:s21+$0xFFFFC770]  }
0x1ce: {  	v12 =	vadd.f32 v15, v12;
	[tilespmem:v57+s31+$0x0] =	vst.idx.msk $0xffff, v14;
	v63 =	vld [tilespmem:s21+$0xFFFFE370]  }
0x1cf: {  	v23 =	vld [tilespmem:s21+$0xFFFFC7B0]  }
0x1d0: {  	v39 =	vadd.s32 v2, v16;
	v37 =	vld [tilespmem:s21+$0xFFFFE3B0];
	v12 =	vadd.f32 v51, v12  }
0x1d1: {  	v38 =	vld [tilespmem:s21+$0xFFFFFF70];
	v17 =	vadd.f32 v61, v17  }
0x1d2: {  	v40 =	vld [tilespmem:s21+$0xFFFFFFB0];
	[tilespmem:v28+s31+$0x0] =	vst.idx.msk $0xffff, v12  }
0x1d3: {  	v33 =	vadd.s32 v2, v13;
	v58 =	vld [tilespmem:s21+$0xFFFFC800];
	v17 =	vadd.f32 v36, v17  }
0x1d4: {  	v60 =	vld [tilespmem:s21+$0xFFFFE400];
	v14 =	vadd.f32 v63, v62  }
0x1d5: {  	v42 =	vadd.s32 v2, v19;
	v32 =	vld [tilespmem:s21+$0x0];
	[tilespmem:v39+s31+$0x0] =	vst.idx.msk $0xffff, v17  }
0x1d6: {  	v43 =	vadd.f32 v37, v23;
	v14 =	vadd.f32 v38, v14;
	v45 =	vld [tilespmem:s21+$0xFFFFC740]  }
0x1d7: {  	s20 =	smulhi.u32 $0x24924925, s23;
	v46 =	vld [tilespmem:s21+$0xFFFFE340]  }
0x1d8: {  	v5 =	vadd.s32 v3, v5;
	v17 =	vadd.f32 v40, v43;
	v55 =	vld [tilespmem:s21+$0xFFFFFF40];
	[tilespmem:v33+s31+$0x0] =	vst.idx.msk $0xffff, v14  }
0x1d9: {  	v4 =	vadd.s32 v3, v4;
	s8 =	ssub.s32 s23, s20;
	v52 =	vadd.f32 v18, v25;
	v47 =	vld [tilespmem:s21+$0xFFFFC780]  }
0x1da: {  	v54 =	vadd.f32 v54, v30;
	s8 =	sshrl.u32 s8, $0x1;
	[tilespmem:v42+s31+$0x0] =	vst.idx.msk $0xffff, v17;
	v49 =	vld [tilespmem:s21+$0xFFFFE380]  }
0x1db: {  	[tilespmem:v8+s31+$0x0] =	vst.idx.msk $0xffff, v11;
	s5 =	sadd.s32 s20, s8;
	v8 =	vadd.f32 v41, v52;
	v51 =	vld [tilespmem:s21+$0xFFFFC7C0]  }
0x1dc: {  	[tilespmem:v10+s31+$0x0] =	vst.idx.msk $0xffff, v9;
	v6 =	vadd.s32 v3, v6;
	s5 =	sshrl.u32 s5, $0x2;
	v57 =	vadd.f32 v34, v54;
	v53 =	vld [tilespmem:s21+$0xFFFFE3C0]  }
0x1dd: {  	v48 =	vadd.s32 v3, v7;
	s25 =	smul.u32 $0x7, s5;
	[tilespmem:v5+s31+$0x0] =	vst.idx.msk $0xffff, v8;
	v12 =	vadd.f32 v56, v31;
	v56 =	vld [tilespmem:s21+$0xFFFFFF80]  }
0x1de: {  	s5 =	sadd.s32 s6, s5;
	[tilespmem:v4+s31+$0x0] =	vst.idx.msk $0xffff, v57;
	v50 =	vadd.f32 v60, v58;
	v58 =	vadd.s32 v3, v16;
	v59 =	vld [tilespmem:s21+$0xFFFFFFC0]  }
0x1df: {  	s5 =	smul.u32 $0xC400, s5;
	s8 =	ssub.s32 s23, s25;
	v12 =	vadd.f32 v44, v12;
	v60 =	vadd.s32 v3, v13;
	v5 =	vadd.f32 v46, v45  }
0x1e0: {  	s8 =	smul.u32 $0x70, s8;
	v62 =	vadd.s32 v3, v19;
	v9 =	vadd.f32 v32, v50;
	v61 =	vadd.f32 v49, v47  }
0x1e1: {  	[tilespmem:v6+s31+$0x0] =	vst.idx.msk $0xffff, v12;
	v4 =	vadd.f32 v53, v51;
	v5 =	vadd.f32 v55, v5  }
0x1e2: {  	s5 =	sor.u32 s8, s5;
	[tilespmem:v48+s31+$0x0] =	vst.idx.msk $0xffff, v9;
	v63 =	vadd.f32 v56, v61  }
0x1e3: {  	s5 =	sshrl.u32 s5, $0x3;
	[tilespmem:v58+s31+$0x0] =	vst.idx.msk $0xffff, v5;
	v4 =	vadd.f32 v59, v4  }
0x1e4: {  	s23 =	simm.s32 $0x62;
	s20 =	sadd.s32 s2, s5;
	[tilespmem:v60+s31+$0x0] =	vst.idx.msk $0xffff, v63  }
0x1e5: {  	s25 =	simm.s32 $0x13F38;
	s5 =	simm.s32 $0x13EC0;
	s21 =	sadd.s32 $0x0, s20;
	[tilespmem:v62+s31+$0x0] =	vst.idx.msk $0xffff, v4  }
.LBB2_9:
0x1e6: {  	[hbm4b:s21+s3] =	stream.linear.scatter [tilespmem:s5], [sflag:$0x5], $0x70, $0x38;
	[tilespmem:$0x17AC0] =	vst v63  }
0x1e7: {  	s8 =	smov.u32 s23;
	s5 =	smov.u32 s25;
	p1 =	sne.s32 s23, $0x181E  }
.Ltmp3:
0x1e8: {  	s23 =	sadd.s32 $0x62, s23;
	(pc) =	sbr.rel @p1 .LBB2_9-.Ltmp3, $2  }
0x1e9: {  	_ =	sdelay $0x2  }
0x1ea: {  	s25 =	sadd.s32 $0x78, s25;
	s21 =	sadd.s32 s8, s20  }
0x1eb: {  	p1 =	seq.s32 s18, $0x8  }
0x1ec: {  	s8 =	sadd.s32 @!p1 $0x4, s19  }
0x1ed: {  	s20 =	smulhi.u32 @!p1 $0x24924925, s8;
	_ =	sdelay $0x1  }
0x1ee: {  	s23 =	ssub.s32 @!p1 s8, s20  }
0x1ef: {  	s23 =	sshrl.u32 @!p1 s23, $0x1  }
0x1f0: {  	s20 =	sadd.s32 @!p1 s20, s23  }
0x1f1: {  	s20 =	sshrl.u32 @!p1 s20, $0x2  }
0x1f2: {  	s23 =	smul.u32 @!p1 $0x7, s20;
	_ =	sdelay $0x1  }
0x1f3: {  	s20 =	smul.u32 @!p1 $0x24C0, s20;
	s8 =	ssub.s32 @!p1 s8, s23  }
0x1f4: {  	s8 =	smul.u32 @!p1 $0x1C0, s8  }
0x1f5: {  	[hbm4b:s21+s3] =	stream.linear.scatter [tilespmem:s5], [sflag:$0x5], $0x70, $0x38;
	[tilespmem:$0x17AC0] =	vst v63  }
0x1f6: {  	s5 =	sshra.s32 @!p1 s20, $0x2;
	s8 =	sshrl.u32 @!p1 s8, $0x2  }
0x1f7: {  	s20 =	simm.s32 @!p1 $0x78C0;
	s5 =	sadd.s32 @!p1 s8, s5;
	s8 =	simm.s32 @!p1 $0x70  }
0x1f8: {  	[tilespmem:s20], [sflag:$0x2] =	stream.indirect.gather @!p1 [hbm4b:s4+s8], $0x40, s5, s8, $0xb8;
	[tilespmem:$0x17AC0] =	vst v63  }
0x1f9: {  	s21 =	simm.s32 @!p1 $0x94C0;
	s20 =	sadd.s32 @!p1 $0x310, s5  }
0x1fa: {  	[tilespmem:s21], [sflag:$0x2] =	stream.indirect.gather @!p1 [hbm4b:s4+s8], $0x40, s20, s8, $0xb8;
	[tilespmem:$0x17AC0] =	vst v63  }
0x1fb: {  	s5 =	sadd.s32 @!p1 $0x620, s5;
	s20 =	simm.s32 @!p1 $0xB0C0  }
0x1fc: {  	[tilespmem:s20], [sflag:$0x2] =	stream.indirect.gather @!p1 [hbm4b:s4+s8], $0x40, s5, s8, $0xb8;
	[tilespmem:$0x17AC0] =	vst v63  }
0x1fd: {  	_ =	swait.ge [sflag:s1], $0x1C00  }
0x1fe: {  	[sflag:s1] =	ssyncset.done $0x0  }
0x1ff: {  	[sflag:s1] =	ssyncadd.s32 $0xFFFFE400  }
0x200: {  	_ =	swait.ge [sflag:s1], $0x1C00  }
0x201: {  	[sflag:s1] =	ssyncset.done $0x0  }
0x202: {  	[sflag:s1] =	ssyncadd.s32 $0xFFFFE400  }
0x203: {  	_ =	swait.ge [sflag:s1], $0x1C00  }
0x204: {  	[sflag:s1] =	ssyncset.done $0x0  }
0x205: {  	s5 =	simm.s32 @!p0 $0x6;
	[sflag:s1] =	ssyncadd.s32 $0xFFFFE400  }
0x206: {  	_ =	swait.ge @!p0 [sflag:s5], $0x1C00  }
0x207: {  	[sflag:s5] =	ssyncset.done @!p0 $0x0  }
0x208: {  	s23 =	simm.s32 $0x105B0;
	[sflag:s5] =	ssyncadd.s32 @!p0 $0xFFFFE400  }
0x209: {  	v4 =	vld [tilespmem:s23+$0xFFFFC7D0]  }
0x20a: {  	v5 =	vld [tilespmem:s23+$0xFFFFE3D0]  }
0x20b: {  	s21 =	simm.s32 $0x3  }
0x20c: {  	v6 =	vmov s21;
	v7 =	vld [tilespmem:s23+$0xFFFFFFD0]  }
0x20d: {  	v10 =	vand.u32 $0x7F, v6  }
0x20e: {  	v6 =	vadd.s32 v0, v10;
	v9 =	vld [tilespmem:s23+$0xFFFFE310]  }
0x20f: {  	v11 =	vld [tilespmem:s23+$0xFFFFC750];
	v4 =	vadd.f32 v5, v4  }
0x210: {  	v14 =	vld [tilespmem:s23+$0xFFFFE350]  }
0x211: {  	v5 =	vld [tilespmem:s23+$0xFFFFC710];
	v4 =	vadd.f32 v7, v4  }
0x212: {  	s25 =	simm.s32 $0x0  }
0x213: {  	v12 =	vld [tilespmem:s23+$0xFFFFFF10];
	[tilespmem:v6+s0+$0x0] =	vst.idx.msk $0xffff, v4;
	v6 =	vmov s25  }
0x214: {  	v16 =	vld [tilespmem:s23+$0xFFFFFF50];
	v8 =	vand.u32 $0x7C, v6  }
0x215: {  	v18 =	vld [tilespmem:s23+$0xFFFFC790];
	v6 =	vadd.s32 v0, v8  }
0x216: {  	v11 =	vadd.f32 v14, v11;
	v14 =	vld [tilespmem:s23+$0xFFFFFF90];
	v5 =	vadd.f32 v9, v5  }
0x217: {  	v4 =	vld [tilespmem:s23+$0xFFFFC7E0]  }
0x218: {  	v13 =	vld [tilespmem:s23+$0xFFFFE3E0];
	v5 =	vadd.f32 v12, v5  }
0x219: {  	v15 =	vld [tilespmem:s23+$0xFFFFFFE0]  }
0x21a: {  	s20 =	simm.s32 $0x2;
	v12 =	vld [tilespmem:s23+$0xFFFFE390];
	[tilespmem:v6+s0+$0x0] =	vst.idx.msk $0xffff, v5  }
0x21b: {  	v5 =	vmov s20;
	v6 =	vld [tilespmem:s23+$0xFFFFC720]  }
0x21c: {  	s20 =	simm.s32 $0x106B0;
	v9 =	vand.u32 $0x7E, v5;
	v5 =	vadd.f32 v16, v11;
	v11 =	vld [tilespmem:s23+$0xFFFFE320]  }
0x21d: {  	v21 =	vld [tilespmem:s20+$0xFFFFE3D0]  }
0x21e: {  	v22 =	vld [tilespmem:s20+$0xFFFFC710]  }
0x21f: {  	s8 =	simm.s32 $0x1;
	v24 =	vld [tilespmem:s20+$0xFFFFFFD0]  }
0x220: {  	v17 =	vadd.s32 v1, v10;
	v7 =	vmov s8;
	v25 =	vld [tilespmem:s20+$0xFFFFE310]  }
0x221: {  	v7 =	vand.u32 $0x7D, v7;
	v4 =	vadd.f32 v13, v4;
	v26 =	vld [tilespmem:s20+$0xFFFFC750]  }
0x222: {  	v13 =	vadd.s32 v0, v7;
	v28 =	vld [tilespmem:s20+$0xFFFFE350]  }
0x223: {  	v4 =	vadd.f32 v15, v4;
	v60 =	vld [tilespmem:s20+$0xFFFFC790]  }
0x224: {  	v29 =	vld [tilespmem:s20+$0xFFFFE390]  }
0x225: {  	v31 =	vld [tilespmem:s20+$0xFFFFFF10];
	[tilespmem:v17+s0+$0x0] =	vst.idx.msk $0xffff, v4  }
0x226: {  	v12 =	vadd.f32 v12, v18;
	v4 =	vadd.s32 v0, v9;
	v15 =	vld [tilespmem:s23+$0xFFFFC7F0]  }
0x227: {  	[tilespmem:v13+s0+$0x0] =	vst.idx.msk $0xffff, v5;
	v5 =	vld [tilespmem:s23+$0xFFFFE3F0]  }
0x228: {  	v12 =	vadd.f32 v14, v12;
	v14 =	vld [tilespmem:s23+$0xFFFFFFF0]  }
0x229: {  	v13 =	vld [tilespmem:s23+$0xFFFFC760]  }
0x22a: {  	v16 =	vld [tilespmem:s23+$0xFFFFE360]  }
0x22b: {  	[tilespmem:v4+s0+$0x0] =	vst.idx.msk $0xffff, v12;
	v4 =	vld [tilespmem:s23+$0xFFFFFF20]  }
0x22c: {  	v12 =	vadd.s32 v2, v10;
	v17 =	vld [tilespmem:s23+$0xFFFFC7A0]  }
0x22d: {  	v18 =	vadd.s32 v1, v8;
	v5 =	vadd.f32 v5, v15;
	v15 =	vld [tilespmem:s23+$0xFFFFE3A0]  }
0x22e: {  	v6 =	vadd.f32 v11, v6;
	v11 =	vld [tilespmem:s23+$0xFFFFFF60]  }
0x22f: {  	v5 =	vadd.f32 v14, v5;
	v14 =	vld [tilespmem:s23+$0xFFFFFFA0]  }
0x230: {  	v19 =	vadd.s32 v1, v7;
	v62 =	vld [tilespmem:s20+$0xFFFFFF50];
	v4 =	vadd.f32 v4, v6  }
0x231: {  	v34 =	vld [tilespmem:s20+$0xFFFFFF90];
	[tilespmem:v12+s0+$0x0] =	vst.idx.msk $0xffff, v5;
	v5 =	vadd.f32 v16, v13;
	v6 =	vadd.s32 v1, v9  }
0x232: {  	v12 =	vld [tilespmem:s23+$0xFFFFC800];
	[tilespmem:v18+s0+$0x0] =	vst.idx.msk $0xffff, v4;
	v4 =	vadd.f32 v15, v17  }
0x233: {  	v13 =	vld [tilespmem:s23+$0xFFFFE400];
	v5 =	vadd.f32 v11, v5  }
0x234: {  	v11 =	vld [tilespmem:s23+$0xFFFFC730];
	v4 =	vadd.f32 v14, v4  }
0x235: {  	[tilespmem:v19+s0+$0x0] =	vst.idx.msk $0xffff, v5;
	v5 =	vld [tilespmem:s23+$0xFFFFE330]  }
0x236: {  	[tilespmem:v6+s0+$0x0] =	vst.idx.msk $0xffff, v4;
	v4 =	vld [tilespmem:s23+$0xFFFFFF30]  }
0x237: {  	v6 =	vld [tilespmem:s20+$0xFFFFC7D0]  }
0x238: {  	s21 =	simm.s32 $0x7;
	v15 =	vld [tilespmem:s23+$0x0]  }
0x239: {  	v23 =	vmov s21;
	v61 =	vadd.s32 v2, v8;
	v14 =	vld [tilespmem:s23+$0xFFFFC770]  }
0x23a: {  	v23 =	vand.u32 $0x7F, v23;
	v16 =	vld [tilespmem:s23+$0xFFFFE370];
	v11 =	vadd.f32 v5, v11  }
0x23b: {  	v27 =	vadd.s32 v0, v23;
	v19 =	vld [tilespmem:s23+$0xFFFFFF70]  }
0x23c: {  	s25 =	simm.s32 $0x4;
	v17 =	vld [tilespmem:s23+$0xFFFFC7B0];
	v6 =	vadd.f32 v21, v6;
	v11 =	vadd.f32 v4, v11  }
0x23d: {  	v30 =	vmov s25;
	v18 =	vld [tilespmem:s23+$0xFFFFE3B0]  }
0x23e: {  	v20 =	vld [tilespmem:s23+$0xFFFFFFB0];
	v5 =	vand.u32 $0x7C, v30;
	v6 =	vadd.f32 v24, v6;
	[tilespmem:v61+s0+$0x0] =	vst.idx.msk $0xffff, v11  }
0x23f: {  	s8 =	simm.s32 $0x5;
	v63 =	vadd.s32 v0, v5;
	v39 =	vld [tilespmem:s23+$0xFFFFC740]  }
0x240: {  	v22 =	vadd.f32 v25, v22;
	v41 =	vld [tilespmem:s23+$0xFFFFE340];
	[tilespmem:v27+s0+$0x0] =	vst.idx.msk $0xffff, v6;
	v6 =	vmov s8  }
0x241: {  	s21 =	simm.s32 $0x6;
	v61 =	vld [tilespmem:s23+$0xFFFFFF40];
	v4 =	vand.u32 $0x7D, v6  }
0x242: {  	v22 =	vadd.f32 v31, v22;
	v32 =	vld [tilespmem:s20+$0xFFFFC7E0];
	v6 =	vmov s21;
	v33 =	vadd.s32 v0, v4  }
0x243: {  	v11 =	vadd.f32 v28, v26;
	v36 =	vld [tilespmem:s20+$0xFFFFE3E0];
	v6 =	vand.u32 $0x7E, v6  }
0x244: {  	[tilespmem:v63+s0+$0x0] =	vst.idx.msk $0xffff, v22;
	v37 =	vld [tilespmem:s20+$0xFFFFFFE0];
	v38 =	vadd.s32 v0, v6  }
0x245: {  	v21 =	vadd.f32 v29, v60;
	v11 =	vadd.f32 v62, v11;
	v42 =	vld [tilespmem:s20+$0xFFFFC720]  }
0x246: {  	v40 =	vadd.s32 v1, v23;
	v45 =	vadd.s32 v2, v7;
	v17 =	vadd.f32 v18, v17;
	v18 =	vld [tilespmem:s20+$0xFFFFFF20]  }
0x247: {  	v14 =	vadd.f32 v16, v14;
	v21 =	vadd.f32 v34, v21;
	[tilespmem:v33+s0+$0x0] =	vst.idx.msk $0xffff, v11;
	v11 =	vld [tilespmem:s20+$0xFFFFE320]  }
0x248: {  	v25 =	vadd.f32 v36, v32;
	v43 =	vld [tilespmem:s20+$0xFFFFC760]  }
0x249: {  	v14 =	vadd.f32 v19, v14;
	v44 =	vld [tilespmem:s20+$0xFFFFE360];
	[tilespmem:v38+s0+$0x0] =	vst.idx.msk $0xffff, v21  }
0x24a: {  	v24 =	vadd.f32 v37, v25;
	v21 =	vld [tilespmem:s20+$0xFFFFC7A0]  }
0x24b: {  	[tilespmem:v45+s0+$0x0] =	vst.idx.msk $0xffff, v14;
	v16 =	vld [tilespmem:s20+$0xFFFFE3A0]  }
0x24c: {  	v14 =	vld [tilespmem:s20+$0xFFFFFFA0];
	[tilespmem:v40+s0+$0x0] =	vst.idx.msk $0xffff, v24  }
0x24d: {  	v51 =	vadd.s32 v1, v5;
	v22 =	vld [tilespmem:s20+$0xFFFFC7F0]  }
0x24e: {  	v46 =	vld [tilespmem:s20+$0xFFFFE3F0];
	v11 =	vadd.f32 v11, v42  }
0x24f: {  	v47 =	vadd.s32 v2, v9;
	v19 =	vld [tilespmem:s20+$0xFFFFFF60]  }
0x250: {  	v55 =	vadd.s32 v1, v6;
	v48 =	vld [tilespmem:s20+$0xFFFFFFF0];
	v11 =	vadd.f32 v18, v11  }
0x251: {  	v49 =	vadd.s32 v2, v23;
	v52 =	vld [tilespmem:s23+$0xFFFFE380];
	v18 =	vadd.s32 v1, v4;
	v16 =	vadd.f32 v16, v21  }
0x252: {  	v17 =	vadd.f32 v20, v17;
	v24 =	vld [tilespmem:s23+$0xFFFFC780];
	v25 =	vadd.f32 v44, v43;
	[tilespmem:v51+s0+$0x0] =	vst.idx.msk $0xffff, v11  }
0x253: {  	v50 =	vadd.f32 v46, v22;
	v14 =	vadd.f32 v14, v16;
	v56 =	vld [tilespmem:s20+$0xFFFFC730]  }
0x254: {  	[tilespmem:v47+s0+$0x0] =	vst.idx.msk $0xffff, v17;
	v19 =	vadd.f32 v19, v25;
	v16 =	vld [tilespmem:s20+$0xFFFFE330]  }
0x255: {  	v58 =	vld [tilespmem:s20+$0xFFFFFF30];
	v17 =	vadd.f32 v48, v50;
	[tilespmem:v55+s0+$0x0] =	vst.idx.msk $0xffff, v14  }
0x256: {  	[tilespmem:v18+s0+$0x0] =	vst.idx.msk $0xffff, v19;
	v19 =	vld [tilespmem:s20+$0xFFFFC7B0]  }
0x257: {  	[tilespmem:v49+s0+$0x0] =	vst.idx.msk $0xffff, v17;
	v18 =	vld [tilespmem:s20+$0xFFFFC770]  }
0x258: {  	v10 =	vadd.s32 v3, v10;
	v54 =	vld [tilespmem:s20+$0xFFFFC800]  }
0x259: {  	v12 =	vadd.f32 v13, v12;
	v11 =	vld [tilespmem:s20+$0xFFFFE400]  }
0x25a: {  	v14 =	vld [tilespmem:s20+$0xFFFFE370]  }
0x25b: {  	v12 =	vadd.f32 v15, v12;
	v57 =	vld [tilespmem:s20+$0x0]  }
0x25c: {  	v60 =	vadd.s32 v2, v5;
	v13 =	vld [tilespmem:s20+$0xFFFFE3B0]  }
0x25d: {  	v15 =	vadd.s32 v3, v23;
	[tilespmem:v10+s0+$0x0] =	vst.idx.msk $0xffff, v12;
	v59 =	vld [tilespmem:s20+$0xFFFFFF70];
	v10 =	vadd.f32 v16, v56  }
0x25e: {  	v30 =	vld [tilespmem:s20+$0xFFFFFFB0];
	v11 =	vadd.f32 v11, v54  }
0x25f: {  	v53 =	vld [tilespmem:s23+$0xFFFFC7C0];
	v16 =	vadd.s32 v2, v4;
	v10 =	vadd.f32 v58, v10  }
0x260: {  	v63 =	vadd.s32 v3, v8;
	v17 =	vld [tilespmem:s23+$0xFFFFE3C0];
	v12 =	vadd.f32 v14, v18;
	v11 =	vadd.f32 v57, v11  }
0x261: {  	v62 =	vld [tilespmem:s23+$0xFFFFFF80];
	v19 =	vadd.f32 v13, v19;
	v18 =	vadd.s32 v2, v6;
	[tilespmem:v60+s0+$0x0] =	vst.idx.msk $0xffff, v10  }
0x262: {  	s21 =	simm.s32 $0x107B0;
	v31 =	vld [tilespmem:s23+$0xFFFFFFC0];
	v8 =	vadd.f32 v41, v39;
	[tilespmem:v15+s0+$0x0] =	vst.idx.msk $0xffff, v11;
	v11 =	vadd.f32 v59, v12  }
0x263: {  	v13 =	vld [tilespmem:s21+$0xFFFFC7D0];
	v19 =	vadd.f32 v30, v19;
	v10 =	vadd.s32 v3, v7;
	v15 =	vadd.f32 v52, v24  }
0x264: {  	v14 =	vld [tilespmem:s21+$0xFFFFE3D0];
	[tilespmem:v16+s0+$0x0] =	vst.idx.msk $0xffff, v11;
	v11 =	vadd.f32 v61, v8;
	v8 =	vadd.s32 v3, v9  }
0x265: {  	s25 =	simm.s32 $0xB;
	v17 =	vadd.f32 v17, v53;
	v12 =	vld [tilespmem:s21+$0xFFFFC710]  }
0x266: {  	v7 =	vmov s25;
	[tilespmem:v18+s0+$0x0] =	vst.idx.msk $0xffff, v19;
	v16 =	vld [tilespmem:s21+$0xFFFFFFD0];
	v9 =	vadd.f32 v62, v15  }
0x267: {  	s5 =	simm.s32 $0xC;
	s23 =	sadd.s32 $0x2, s19;
	s25 =	simm.s32 $0x8;
	v7 =	vand.u32 $0x7F, v7;
	v15 =	vld [tilespmem:s21+$0xFFFFE310];
	[tilespmem:v63+s0+$0x0] =	vst.idx.msk $0xffff, v11;
	v11 =	vadd.f32 v31, v17  }
.LBB2_11:
0x268: {  	p0 =	slt.u32 s5, $0x6C;
	v17 =	vld [tilespmem:s21+$0xFFFFC750];
	v18 =	vadd.s32 v0, v7;
	[tilespmem:v10+s0+$0x0] =	vst.idx.msk $0xffff, v9  }
0x269: {  	v9 =	vld [tilespmem:s21+$0xFFFFE350];
	v10 =	vadd.f32 v14, v13;
	[tilespmem:v8+s0+$0x0] =	vst.idx.msk $0xffff, v11  }
0x26a: {  	v11 =	vld [tilespmem:s21+$0xFFFFC790]  }
0x26b: {  	v13 =	vld [tilespmem:s21+$0xFFFFE390];
	v10 =	vadd.f32 v16, v10  }
0x26c: {  	s8 =	sadd.s32 $0x1, s25;
	v8 =	vmov s25;
	v12 =	vadd.f32 v15, v12;
	v14 =	vld [tilespmem:s21+$0xFFFFFF10]  }
0x26d: {  	v8 =	vand.u32 $0x7C, v8;
	v15 =	vmov s8;
	v16 =	vld [tilespmem:s21+$0xFFFFFF50];
	[tilespmem:v18+s0+$0x0] =	vst.idx.msk $0xffff, v10  }
0x26e: {  	v10 =	vadd.s32 v0, v8;
	v17 =	vadd.f32 v9, v17;
	v9 =	vand.u32 $0x7D, v15;
	v15 =	vld [tilespmem:s21+$0xFFFFC7E0]  }
0x26f: {  	s8 =	sadd.s32 $0x2, s25;
	s25 =	smov.u32 s5;
	v18 =	vadd.s32 v0, v9;
	v19 =	vld [tilespmem:s21+$0xFFFFE3E0]  }
0x270: {  	v20 =	vmov s8;
	v11 =	vadd.f32 v13, v11;
	v13 =	vld [tilespmem:s21+$0xFFFFFF90]  }
0x271: {  	v20 =	vand.u32 $0x7E, v20;
	v12 =	vadd.f32 v14, v12;
	v14 =	vld [tilespmem:s21+$0xFFFFFFE0]  }
0x272: {  	v16 =	vadd.f32 v16, v17;
	v17 =	vadd.s32 v0, v20;
	v21 =	vld [tilespmem:s20+$0xFFFFC740]  }
0x273: {  	[tilespmem:v10+s0+$0x0] =	vst.idx.msk $0xffff, v12;
	v10 =	vadd.s32 v1, v7;
	v12 =	vld [tilespmem:s20+$0xFFFFE340]  }
0x274: {  	v22 =	vld [tilespmem:s21+$0xFFFFC720];
	[tilespmem:v18+s0+$0x0] =	vst.idx.msk $0xffff, v16;
	v15 =	vadd.f32 v19, v15  }
0x275: {  	v16 =	vld [tilespmem:s21+$0xFFFFE320];
	v11 =	vadd.f32 v13, v11  }
0x276: {  	v13 =	vld [tilespmem:s21+$0xFFFFC760];
	v14 =	vadd.f32 v14, v15  }
0x277: {  	v15 =	vld [tilespmem:s21+$0xFFFFE360];
	[tilespmem:v17+s0+$0x0] =	vst.idx.msk $0xffff, v11  }
0x278: {  	v11 =	vld [tilespmem:s21+$0xFFFFC7A0];
	[tilespmem:v10+s0+$0x0] =	vst.idx.msk $0xffff, v14;
	v17 =	vadd.f32 v12, v21  }
0x279: {  	v10 =	vld [tilespmem:s21+$0xFFFFC7F0]  }
0x27a: {  	v12 =	vadd.f32 v16, v22;
	v14 =	vld [tilespmem:s21+$0xFFFFE3F0]  }
0x27b: {  	v16 =	vld [tilespmem:s21+$0xFFFFE3A0]  }
0x27c: {  	v13 =	vadd.f32 v15, v13;
	v15 =	vld [tilespmem:s21+$0xFFFFFFF0]  }
0x27d: {  	v18 =	vld [tilespmem:s21+$0xFFFFFF20]  }
0x27e: {  	v21 =	vadd.s32 v2, v7;
	v19 =	vld [tilespmem:s21+$0xFFFFFF60]  }
0x27f: {  	v22 =	vadd.s32 v1, v8;
	v23 =	vld [tilespmem:s21+$0xFFFFFFA0];
	v10 =	vadd.f32 v14, v10  }
0x280: {  	v14 =	vadd.s32 v1, v9;
	v11 =	vadd.f32 v16, v11;
	v16 =	vld [tilespmem:s20+$0xFFFFC780]  }
0x281: {  	v24 =	vadd.s32 v1, v20;
	v10 =	vadd.f32 v15, v10;
	v15 =	vld [tilespmem:s20+$0xFFFFE380]  }
0x282: {  	v12 =	vadd.f32 v18, v12;
	v18 =	vld [tilespmem:s20+$0xFFFFC7C0]  }
0x283: {  	v13 =	vadd.f32 v19, v13;
	[tilespmem:v21+s0+$0x0] =	vst.idx.msk $0xffff, v10;
	v10 =	vld [tilespmem:s20+$0xFFFFE3C0]  }
0x284: {  	[tilespmem:v22+s0+$0x0] =	vst.idx.msk $0xffff, v12;
	v11 =	vadd.f32 v23, v11;
	v12 =	vld [tilespmem:s21+$0xFFFFC800]  }
0x285: {  	[tilespmem:v14+s0+$0x0] =	vst.idx.msk $0xffff, v13;
	v13 =	vld [tilespmem:s21+$0xFFFFE400]  }
0x286: {  	v14 =	vld [tilespmem:s21+$0xFFFFC730];
	[tilespmem:v24+s0+$0x0] =	vst.idx.msk $0xffff, v11;
	v11 =	vadd.f32 v15, v16  }
0x287: {  	v15 =	vld [tilespmem:s21+$0x0]  }
0x288: {  	v16 =	vld [tilespmem:s21+$0xFFFFE330];
	v18 =	vadd.f32 v10, v18  }
0x289: {  	v7 =	vadd.s32 v3, v7;
	v10 =	vld [tilespmem:s21+$0xFFFFC770]  }
0x28a: {  	v19 =	vld [tilespmem:s21+$0xFFFFE370];
	v12 =	vadd.f32 v13, v12  }
0x28b: {  	v13 =	vld [tilespmem:s21+$0xFFFFC7B0]  }
0x28c: {  	v21 =	vld [tilespmem:s21+$0xFFFFE3B0];
	v12 =	vadd.f32 v15, v12  }
0x28d: {  	v14 =	vadd.f32 v16, v14;
	v15 =	vld [tilespmem:s21+$0xFFFFFF30]  }
0x28e: {  	v16 =	vld [tilespmem:s21+$0xFFFFFF70];
	[tilespmem:v7+s0+$0x0] =	vst.idx.msk $0xffff, v12  }
0x28f: {  	v7 =	vadd.s32 v2, v8;
	v10 =	vadd.f32 v19, v10;
	v12 =	vld [tilespmem:s21+$0xFFFFFFB0]  }
0x290: {  	v19 =	vadd.s32 v2, v9;
	v22 =	vld [tilespmem:s20+$0xFFFFFF40]  }
0x291: {  	v23 =	vadd.s32 v2, v20;
	v21 =	vadd.f32 v21, v13;
	v24 =	vld [tilespmem:s20+$0xFFFFFF80]  }
0x292: {  	v25 =	vadd.s32 v3, v5;
	v5 =	vmov v8;
	v15 =	vadd.f32 v15, v14;
	v26 =	vld [tilespmem:s20+$0xFFFFFFC0];
	s20 =	smov.u32 s21;
	s21 =	sadd.s32 $0x100, s21  }
.Ltmp4:
0x293: {  	v13 =	vld [tilespmem:s21+$0xFFFFC7D0];
	v16 =	vadd.f32 v16, v10;
	v10 =	vadd.s32 v3, v4;
	v4 =	vmov v9;
	(pc) =	sbr.rel @p0 .LBB2_11-.Ltmp4, $4  }
0x294: {  	v8 =	vadd.s32 v3, v6;
	v6 =	vmov v20;
	v14 =	vld [tilespmem:s21+$0xFFFFE3D0];
	[tilespmem:v7+s0+$0x0] =	vst.idx.msk $0xffff, v15;
	v7 =	vadd.f32 v12, v21  }
0x295: {  	s8 =	sadd.s32 $0x3, s5;
	v12 =	vld [tilespmem:s21+$0xFFFFC710];
	[tilespmem:v19+s0+$0x0] =	vst.idx.msk $0xffff, v16;
	v17 =	vadd.f32 v22, v17  }
0x296: {  	v19 =	vmov s8;
	v16 =	vld [tilespmem:s21+$0xFFFFFFD0];
	[tilespmem:v23+s0+$0x0] =	vst.idx.msk $0xffff, v7;
	v9 =	vadd.f32 v24, v11  }
0x297: {  	s5 =	sadd.s32 $0x4, s5;
	v7 =	vand.u32 $0x7F, v19;
	v15 =	vld [tilespmem:s21+$0xFFFFE310];
	[tilespmem:v25+s0+$0x0] =	vst.idx.msk $0xffff, v17;
	v11 =	vadd.f32 v26, v18  }
0x298: {  	v17 =	vld [tilespmem:s21+$0xFFFFC750]  }
0x299: {  	v19 =	vld [tilespmem:s21+$0xFFFFE350]  }
0x29a: {  	v39 =	vld [tilespmem:s21+$0xFFFFC790]  }
0x29b: {  	v20 =	vld [tilespmem:s21+$0xFFFFE390]  }
0x29c: {  	v21 =	vld [tilespmem:s21+$0xFFFFFF10]  }
0x29d: {  	v22 =	vld [tilespmem:s21+$0xFFFFFF50]  }
0x29e: {  	v26 =	vld [tilespmem:s21+$0xFFFFFF90]  }
0x29f: {  	v30 =	vld [tilespmem:s20+$0xFFFFC780]  }
0x2a0: {  	v18 =	vadd.s32 v0, v7;
	v54 =	vld [tilespmem:s20+$0xFFFFE380]  }
0x2a1: {  	v31 =	vld [tilespmem:s20+$0xFFFFC7C0];
	v13 =	vadd.f32 v14, v13  }
0x2a2: {  	v40 =	vmov s25;
	s8 =	sadd.s32 $0x2, s25;
	v56 =	vld [tilespmem:s20+$0xFFFFE3C0]  }
0x2a3: {  	v34 =	vld [tilespmem:s20+$0xFFFFFF80];
	v25 =	vmov s8;
	v13 =	vadd.f32 v16, v13;
	v16 =	vand.u32 $0x7C, v40  }
0x2a4: {  	s5 =	sadd.s32 $0x1, s25;
	v42 =	vadd.s32 v0, v16;
	v17 =	vadd.f32 v19, v17;
	v19 =	vand.u32 $0x7E, v25;
	v25 =	vld [tilespmem:s20+$0xFFFFC740]  }
0x2a5: {  	v41 =	vmov s5;
	v12 =	vadd.f32 v15, v12;
	[tilespmem:v18+s0+$0x0] =	vst.idx.msk $0xffff, v13;
	v18 =	vld [tilespmem:s20+$0xFFFFE340]  }
0x2a6: {  	v13 =	vand.u32 $0x7D, v41;
	v41 =	vld [tilespmem:s20+$0xFFFFFF40]  }
0x2a7: {  	v23 =	vld [tilespmem:s21+$0xFFFFC7E0];
	v24 =	vadd.s32 v0, v13;
	v12 =	vadd.f32 v21, v12  }
0x2a8: {  	v43 =	vld [tilespmem:s21+$0xFFFFE3E0]  }
0x2a9: {  	v44 =	vld [tilespmem:s21+$0xFFFFFFE0];
	v45 =	vadd.s32 v0, v19;
	[tilespmem:v42+s0+$0x0] =	vst.idx.msk $0xffff, v12  }
0x2aa: {  	v14 =	vadd.f32 v20, v39;
	v17 =	vadd.f32 v22, v17;
	v47 =	vld [tilespmem:s21+$0xFFFFC720]  }
0x2ab: {  	v48 =	vld [tilespmem:s21+$0xFFFFE320]  }
0x2ac: {  	v14 =	vadd.f32 v26, v14;
	v52 =	vld [tilespmem:s21+$0xFFFFFF20];
	[tilespmem:v24+s0+$0x0] =	vst.idx.msk $0xffff, v17  }
0x2ad: {  	v49 =	vld [tilespmem:s21+$0xFFFFC760]  }
0x2ae: {  	v46 =	vadd.s32 v1, v7;
	[tilespmem:v45+s0+$0x0] =	vst.idx.msk $0xffff, v14;
	v50 =	vld [tilespmem:s21+$0xFFFFE360]  }
0x2af: {  	v15 =	vadd.f32 v43, v23;
	v14 =	vld [tilespmem:s21+$0xFFFFC7A0]  }
0x2b0: {  	v20 =	vld [tilespmem:s21+$0xFFFFE3A0]  }
0x2b1: {  	v53 =	vadd.s32 v1, v16;
	v27 =	vld [tilespmem:s21+$0xFFFFFF60];
	v15 =	vadd.f32 v44, v15  }
0x2b2: {  	v29 =	vld [tilespmem:s21+$0xFFFFFFA0];
	v17 =	vadd.f32 v48, v47  }
0x2b3: {  	v44 =	vld [tilespmem:s20+$0xFFFFFFC0];
	[tilespmem:v46+s0+$0x0] =	vst.idx.msk $0xffff, v15  }
0x2b4: {  	v55 =	vadd.s32 v1, v13;
	v12 =	vld [tilespmem:s21+$0xFFFFC7F0];
	v17 =	vadd.f32 v52, v17  }
0x2b5: {  	v15 =	vld [tilespmem:s21+$0xFFFFE3F0];
	v21 =	vadd.f32 v50, v49  }
0x2b6: {  	v57 =	vadd.s32 v1, v19;
	v51 =	vld [tilespmem:s21+$0xFFFFFFF0];
	[tilespmem:v53+s0+$0x0] =	vst.idx.msk $0xffff, v17  }
0x2b7: {  	v14 =	vadd.f32 v20, v14;
	v59 =	vadd.f32 v27, v21;
	v17 =	vld [tilespmem:s21+$0xFFFFC730]  }
0x2b8: {  	v61 =	vld [tilespmem:s21+$0xFFFFE330]  }
0x2b9: {  	v14 =	vadd.f32 v29, v14;
	v36 =	vld [tilespmem:s21+$0xFFFFFF30];
	[tilespmem:v55+s0+$0x0] =	vst.idx.msk $0xffff, v59  }
0x2ba: {  	v28 =	vadd.s32 v2, v7;
	v62 =	vld [tilespmem:s21+$0xFFFFC770]  }
0x2bb: {  	v12 =	vadd.f32 v15, v12;
	[tilespmem:v57+s0+$0x0] =	vst.idx.msk $0xffff, v14;
	v63 =	vld [tilespmem:s21+$0xFFFFE370]  }
0x2bc: {  	v23 =	vld [tilespmem:s21+$0xFFFFC7B0]  }
0x2bd: {  	v39 =	vadd.s32 v2, v16;
	v37 =	vld [tilespmem:s21+$0xFFFFE3B0];
	v12 =	vadd.f32 v51, v12  }
0x2be: {  	v38 =	vld [tilespmem:s21+$0xFFFFFF70];
	v17 =	vadd.f32 v61, v17  }
0x2bf: {  	v40 =	vld [tilespmem:s21+$0xFFFFFFB0];
	[tilespmem:v28+s0+$0x0] =	vst.idx.msk $0xffff, v12  }
0x2c0: {  	v33 =	vadd.s32 v2, v13;
	v58 =	vld [tilespmem:s21+$0xFFFFC800];
	v17 =	vadd.f32 v36, v17  }
0x2c1: {  	v60 =	vld [tilespmem:s21+$0xFFFFE400];
	v14 =	vadd.f32 v63, v62  }
0x2c2: {  	v42 =	vadd.s32 v2, v19;
	v32 =	vld [tilespmem:s21+$0x0];
	[tilespmem:v39+s0+$0x0] =	vst.idx.msk $0xffff, v17  }
0x2c3: {  	v43 =	vadd.f32 v37, v23;
	v14 =	vadd.f32 v38, v14;
	v45 =	vld [tilespmem:s21+$0xFFFFC740]  }
0x2c4: {  	s20 =	smulhi.u32 $0x24924925, s23;
	v46 =	vld [tilespmem:s21+$0xFFFFE340]  }
0x2c5: {  	v5 =	vadd.s32 v3, v5;
	v17 =	vadd.f32 v40, v43;
	v55 =	vld [tilespmem:s21+$0xFFFFFF40];
	[tilespmem:v33+s0+$0x0] =	vst.idx.msk $0xffff, v14  }
0x2c6: {  	v4 =	vadd.s32 v3, v4;
	s8 =	ssub.s32 s23, s20;
	v52 =	vadd.f32 v18, v25;
	v47 =	vld [tilespmem:s21+$0xFFFFC780]  }
0x2c7: {  	v54 =	vadd.f32 v54, v30;
	s8 =	sshrl.u32 s8, $0x1;
	[tilespmem:v42+s0+$0x0] =	vst.idx.msk $0xffff, v17;
	v49 =	vld [tilespmem:s21+$0xFFFFE380]  }
0x2c8: {  	[tilespmem:v8+s0+$0x0] =	vst.idx.msk $0xffff, v11;
	s5 =	sadd.s32 s20, s8;
	v8 =	vadd.f32 v41, v52;
	v51 =	vld [tilespmem:s21+$0xFFFFC7C0]  }
0x2c9: {  	[tilespmem:v10+s0+$0x0] =	vst.idx.msk $0xffff, v9;
	v6 =	vadd.s32 v3, v6;
	s5 =	sshrl.u32 s5, $0x2;
	v57 =	vadd.f32 v34, v54;
	v53 =	vld [tilespmem:s21+$0xFFFFE3C0]  }
0x2ca: {  	v48 =	vadd.s32 v3, v7;
	s25 =	smul.u32 $0x7, s5;
	[tilespmem:v5+s0+$0x0] =	vst.idx.msk $0xffff, v8;
	v12 =	vadd.f32 v56, v31;
	v56 =	vld [tilespmem:s21+$0xFFFFFF80]  }
0x2cb: {  	s5 =	sadd.s32 s6, s5;
	[tilespmem:v4+s0+$0x0] =	vst.idx.msk $0xffff, v57;
	v50 =	vadd.f32 v60, v58;
	v58 =	vadd.s32 v3, v16;
	v59 =	vld [tilespmem:s21+$0xFFFFFFC0]  }
0x2cc: {  	s5 =	smul.u32 $0xC400, s5;
	s8 =	ssub.s32 s23, s25;
	v12 =	vadd.f32 v44, v12;
	v60 =	vadd.s32 v3, v13;
	v5 =	vadd.f32 v46, v45  }
0x2cd: {  	s8 =	smul.u32 $0x70, s8;
	v62 =	vadd.s32 v3, v19;
	v9 =	vadd.f32 v32, v50;
	v61 =	vadd.f32 v49, v47  }
0x2ce: {  	[tilespmem:v6+s0+$0x0] =	vst.idx.msk $0xffff, v12;
	v4 =	vadd.f32 v53, v51;
	v5 =	vadd.f32 v55, v5  }
0x2cf: {  	s5 =	sor.u32 s8, s5;
	[tilespmem:v48+s0+$0x0] =	vst.idx.msk $0xffff, v9;
	v63 =	vadd.f32 v56, v61  }
0x2d0: {  	s5 =	sshrl.u32 s5, $0x3;
	[tilespmem:v58+s0+$0x0] =	vst.idx.msk $0xffff, v5;
	v4 =	vadd.f32 v59, v4  }
0x2d1: {  	s20 =	simm.s32 $0x15CC0;
	s5 =	sadd.s32 s2, s5;
	[tilespmem:v60+s0+$0x0] =	vst.idx.msk $0xffff, v63  }
0x2d2: {  	s23 =	simm.s32 $0x15D38;
	s25 =	sadd.s32 $0x0, s5;
	s21 =	simm.s32 $0x62;
	[tilespmem:v62+s0+$0x0] =	vst.idx.msk $0xffff, v4  }
.LBB2_13:
0x2d3: {  	[hbm4b:s25+s3] =	stream.linear.scatter [tilespmem:s20], [sflag:$0x6], $0x70, $0x38;
	[tilespmem:$0x17AC0] =	vst v63  }
0x2d4: {  	s8 =	smov.u32 s21;
	s20 =	smov.u32 s23;
	p0 =	sne.s32 s21, $0x181E  }
.Ltmp5:
0x2d5: {  	s21 =	sadd.s32 $0x62, s21;
	(pc) =	sbr.rel @p0 .LBB2_13-.Ltmp5, $2  }
0x2d6: {  	_ =	sdelay $0x2  }
0x2d7: {  	s23 =	sadd.s32 $0x78, s23;
	s25 =	sadd.s32 s8, s5  }
.Ltmp6:
0x2d8: {  	(pc) =	sbr.rel @p1 .LBB2_16-.Ltmp6, $2  }
0x2d9: {  	_ =	sdelay $0x2  }
0x2da: {  	[hbm4b:s25+s3] =	stream.linear.scatter [tilespmem:s20], [sflag:$0x6], $0x70, $0x38;
	[tilespmem:$0x17AC0] =	vst v63  }
0x2db: {  	s5 =	sadd.s32 $0x5, s19  }
0x2dc: {  	s8 =	smulhi.u32 $0x24924925, s5;
	_ =	sdelay $0x1  }
0x2dd: {  	s19 =	ssub.s32 s5, s8  }
0x2de: {  	s19 =	sshrl.u32 s19, $0x1  }
0x2df: {  	s8 =	sadd.s32 s8, s19  }
0x2e0: {  	s8 =	sshrl.u32 s8, $0x2  }
0x2e1: {  	s25 =	smul.u32 $0x7, s8;
	_ =	sdelay $0x1  }
0x2e2: {  	s8 =	smul.u32 $0x24C0, s8;
	s5 =	ssub.s32 s5, s25  }
0x2e3: {  	s5 =	smul.u32 $0x1C0, s5;
	_ =	sdelay $0x1  }
0x2e4: {  	s8 =	sshra.s32 s8, $0x2;
	s5 =	sshrl.u32 s5, $0x2  }
0x2e5: {  	s5 =	sadd.s32 s5, s8  }
0x2e6: {  	[tilespmem:s22], [sflag:$0x3] =	stream.indirect.gather [hbm4b:s4+s10], $0x40, s5, s10, $0xb8;
	[tilespmem:$0x17AC0] =	vst v63  }
.Ltmp7:
0x2e7: {  	_ = 	snop;
	(pc) =	sbr.rel .LBB2_2-.Ltmp7, $4  }
0x2e8: {  	s8 =	sadd.s32 $0x310, s5  }
0x2e9: {  	[tilespmem:s24], [sflag:$0x3] =	stream.indirect.gather [hbm4b:s4+s10], $0x40, s8, s10, $0xb8;
	[tilespmem:$0x17AC0] =	vst v63  }
0x2ea: {  	s18 =	sadd.s32 $0x1, s18;
	s5 =	sadd.s32 $0x620, s5  }
0x2eb: {  	[tilespmem:s26], [sflag:$0x3] =	stream.indirect.gather [hbm4b:s4+s10], $0x40, s5, s10, $0xb8;
	[tilespmem:$0x17AC0] =	vst v63  }
.LBB2_16:
0x2ec: {  	_ =	swait.ge [sflag:s28], $0x1C00  }
0x2ed: {  	[sflag:s28] =	ssyncset.done $0x0  }
0x2ee: {  	[sflag:s28] =	ssyncadd.s32 $0xFFFFE400  }
0x2ef: {  	_ =	swait.ge [sflag:s28], $0x1C00  }
0x2f0: {  	[sflag:s28] =	ssyncset.done $0x0  }
0x2f1: {  	[sflag:s28] =	ssyncadd.s32 $0xFFFFE400  }
0x2f2: {  	_ =	swait.ge [sflag:s28], $0x1C00  }
0x2f3: {  	[sflag:s28] =	ssyncset.done $0x0  }
0x2f4: {  	[sflag:s28] =	ssyncadd.s32 $0xFFFFE400  }
0x2f5: {  	_ =	swait.ge [sflag:s12], $0x1C00  }
0x2f6: {  	[sflag:s12] =	ssyncset.done $0x0  }
0x2f7: {  	s20 =	simm.s32 $0x4140;
	[sflag:s12] =	ssyncadd.s32 $0xFFFFE400  }
0x2f8: {  	v4 =	vld [tilespmem:s20+$0xFFFFE440]  }
0x2f9: {  	v5 =	vld [tilespmem:s20+$0x40]  }
0x2fa: {  	v7 =	vld [tilespmem:s20+$0x1C40]  }
0x2fb: {  	v9 =	vld [tilespmem:s20+$0xFFFFFF80]  }
0x2fc: {  	v11 =	vld [tilespmem:s20+$0xFFFFE3C0]  }
0x2fd: {  	v12 =	vld [tilespmem:s20+$0x1B80]  }
0x2fe: {  	s5 =	simm.s32 $0x3;
	v14 =	vld [tilespmem:s20+$0xFFFFFFC0]  }
0x2ff: {  	v6 =	vmov s5;
	v16 =	vld [tilespmem:s20+$0x1BC0]  }
0x300: {  	s18 =	simm.s32 $0x4240;
	v10 =	vand.u32 $0x7F, v6;
	v18 =	vld [tilespmem:s20+$0xFFFFE400]  }
0x301: {  	v6 =	vadd.s32 v0, v10;
	v21 =	vld [tilespmem:s18+$0x40]  }
0x302: {  	v22 =	vld [tilespmem:s18+$0xFFFFE380];
	v4 =	vadd.f32 v5, v4  }
0x303: {  	v24 =	vld [tilespmem:s18+$0x1C40]  }
0x304: {  	v25 =	vld [tilespmem:s18+$0xFFFFFF80];
	v4 =	vadd.f32 v7, v4  }
0x305: {  	v26 =	vld [tilespmem:s18+$0xFFFFE3C0]  }
0x306: {  	v5 =	vld [tilespmem:s20+$0xFFFFE380];
	[tilespmem:v6+s29+$0x0] =	vst.idx.msk $0xffff, v4  }
0x307: {  	s21 =	simm.s32 $0x0;
	v4 =	vld [tilespmem:s20+$0xFFFFE450]  }
0x308: {  	v6 =	vmov s21;
	v13 =	vld [tilespmem:s20+$0x50]  }
0x309: {  	v28 =	vld [tilespmem:s18+$0xFFFFFFC0];
	v8 =	vand.u32 $0x7C, v6  }
0x30a: {  	v15 =	vld [tilespmem:s20+$0x1C50];
	v6 =	vadd.s32 v0, v8  }
0x30b: {  	s23 =	simm.s32 $0x1;
	v63 =	vld [tilespmem:s18+$0xFFFFE400];
	v5 =	vadd.f32 v9, v5  }
0x30c: {  	v17 =	vadd.s32 v1, v10;
	v29 =	vld [tilespmem:s18+$0x0];
	v7 =	vmov s23  }
0x30d: {  	v7 =	vand.u32 $0x7D, v7;
	v5 =	vadd.f32 v12, v5;
	v12 =	vld [tilespmem:s20+$0x0];
	v4 =	vadd.f32 v13, v4  }
0x30e: {  	v31 =	vld [tilespmem:s18+$0x1B80];
	v13 =	vadd.s32 v0, v7  }
0x30f: {  	s25 =	simm.s32 $0x2;
	v11 =	vadd.f32 v14, v11;
	v14 =	vld [tilespmem:s20+$0x1C00];
	[tilespmem:v6+s29+$0x0] =	vst.idx.msk $0xffff, v5;
	v4 =	vadd.f32 v15, v4  }
0x310: {  	v5 =	vmov s25;
	v6 =	vld [tilespmem:s20+$0xFFFFE390]  }
0x311: {  	v9 =	vand.u32 $0x7E, v5;
	v5 =	vadd.f32 v16, v11;
	v11 =	vld [tilespmem:s20+$0xFFFFFF90];
	[tilespmem:v17+s29+$0x0] =	vst.idx.msk $0xffff, v4  }
0x312: {  	v12 =	vadd.f32 v12, v18;
	v4 =	vadd.s32 v0, v9;
	v15 =	vld [tilespmem:s20+$0xFFFFE460]  }
0x313: {  	[tilespmem:v13+s29+$0x0] =	vst.idx.msk $0xffff, v5;
	v5 =	vld [tilespmem:s20+$0x60]  }
0x314: {  	v12 =	vadd.f32 v14, v12;
	v14 =	vld [tilespmem:s20+$0x1C60]  }
0x315: {  	v13 =	vld [tilespmem:s20+$0xFFFFE3D0]  }
0x316: {  	v16 =	vld [tilespmem:s20+$0xFFFFFFD0]  }
0x317: {  	v6 =	vadd.f32 v11, v6;
	v11 =	vld [tilespmem:s20+$0x1BD0];
	[tilespmem:v4+s29+$0x0] =	vst.idx.msk $0xffff, v12;
	v12 =	vadd.s32 v2, v10  }
0x318: {  	v4 =	vld [tilespmem:s20+$0x1B90];
	v5 =	vadd.f32 v5, v15  }
0x319: {  	v17 =	vld [tilespmem:s20+$0xFFFFE410]  }
0x31a: {  	v18 =	vadd.s32 v1, v8;
	v15 =	vld [tilespmem:s20+$0x10];
	v5 =	vadd.f32 v14, v5  }
0x31b: {  	v34 =	vld [tilespmem:s18+$0x1C00]  }
0x31c: {  	v19 =	vadd.s32 v1, v7;
	v14 =	vld [tilespmem:s20+$0x1C10];
	[tilespmem:v12+s29+$0x0] =	vst.idx.msk $0xffff, v5  }
0x31d: {  	v4 =	vadd.f32 v4, v6;
	v5 =	vadd.f32 v16, v13;
	v12 =	vld [tilespmem:s20+$0xFFFFE470]  }
0x31e: {  	v6 =	vadd.s32 v1, v9;
	v13 =	vld [tilespmem:s20+$0x70]  }
0x31f: {  	[tilespmem:v18+s29+$0x0] =	vst.idx.msk $0xffff, v4;
	v4 =	vadd.f32 v15, v17;
	v5 =	vadd.f32 v11, v5;
	v15 =	vld [tilespmem:s20+$0x1C70]  }
0x320: {  	v11 =	vld [tilespmem:s20+$0xFFFFE3A0]  }
0x321: {  	v4 =	vadd.f32 v14, v4;
	[tilespmem:v19+s29+$0x0] =	vst.idx.msk $0xffff, v5;
	v5 =	vld [tilespmem:s20+$0xFFFFFFA0]  }
0x322: {  	v14 =	vld [tilespmem:s20+$0xFFFFE3E0]  }
0x323: {  	[tilespmem:v6+s29+$0x0] =	vst.idx.msk $0xffff, v4;
	v6 =	vld [tilespmem:s20+$0x1BA0]  }
0x324: {  	v4 =	vld [tilespmem:s18+$0xFFFFE440]  }
0x325: {  	s8 =	simm.s32 $0x7;
	v30 =	vadd.s32 v2, v8;
	v16 =	vld [tilespmem:s20+$0xFFFFFFE0]  }
0x326: {  	v23 =	vmov s8;
	v19 =	vld [tilespmem:s20+$0x1BE0];
	v5 =	vadd.f32 v5, v11  }
0x327: {  	v23 =	vand.u32 $0x7F, v23;
	v17 =	vld [tilespmem:s20+$0xFFFFE420]  }
0x328: {  	v27 =	vadd.s32 v0, v23;
	s21 =	simm.s32 $0x5;
	v18 =	vld [tilespmem:s20+$0x20];
	v6 =	vadd.f32 v6, v5  }
0x329: {  	v36 =	vmov s21;
	v11 =	vld [tilespmem:s18+$0x1BC0];
	v4 =	vadd.f32 v21, v4  }
0x32a: {  	s23 =	simm.s32 $0x6;
	v20 =	vld [tilespmem:s20+$0x1C20];
	v5 =	vand.u32 $0x7D, v36;
	[tilespmem:v30+s29+$0x0] =	vst.idx.msk $0xffff, v6  }
0x32b: {  	v33 =	vmov s23;
	v39 =	vadd.s32 v0, v5;
	v24 =	vadd.f32 v24, v4;
	v30 =	vld [tilespmem:s20+$0xFFFFE3B0]  }
0x32c: {  	s19 =	simm.s32 $0x4;
	v26 =	vadd.f32 v28, v26;
	v6 =	vand.u32 $0x7E, v33;
	v43 =	vld [tilespmem:s20+$0xFFFFFFB0]  }
0x32d: {  	v4 =	vmov s19;
	v41 =	vadd.s32 v0, v6;
	v61 =	vld [tilespmem:s20+$0x1BB0];
	[tilespmem:v27+s29+$0x0] =	vst.idx.msk $0xffff, v24  }
0x32e: {  	v21 =	vadd.f32 v29, v63;
	v4 =	vand.u32 $0x7C, v4;
	v11 =	vadd.f32 v11, v26;
	v32 =	vld [tilespmem:s18+$0xFFFFE450]  }
0x32f: {  	v37 =	vadd.s32 v0, v4;
	v38 =	vld [tilespmem:s18+$0x50]  }
0x330: {  	v22 =	vadd.f32 v25, v22;
	v21 =	vadd.f32 v34, v21;
	v40 =	vld [tilespmem:s18+$0x1C50];
	[tilespmem:v39+s29+$0x0] =	vst.idx.msk $0xffff, v11  }
0x331: {  	v25 =	vld [tilespmem:s18+$0xFFFFE3D0]  }
0x332: {  	v22 =	vadd.f32 v31, v22;
	v45 =	vadd.s32 v2, v7;
	v44 =	vld [tilespmem:s18+$0xFFFFFFD0];
	[tilespmem:v41+s29+$0x0] =	vst.idx.msk $0xffff, v21  }
0x333: {  	v42 =	vadd.s32 v1, v23;
	v14 =	vadd.f32 v16, v14;
	v21 =	vld [tilespmem:s18+$0xFFFFE410]  }
0x334: {  	[tilespmem:v37+s29+$0x0] =	vst.idx.msk $0xffff, v22;
	v16 =	vld [tilespmem:s18+$0x10];
	v24 =	vadd.f32 v38, v32  }
0x335: {  	v14 =	vadd.f32 v19, v14;
	v27 =	vld [tilespmem:s18+$0xFFFFE390]  }
0x336: {  	v11 =	vld [tilespmem:s18+$0xFFFFFF90];
	v24 =	vadd.f32 v40, v24  }
0x337: {  	[tilespmem:v45+s29+$0x0] =	vst.idx.msk $0xffff, v14;
	v14 =	vld [tilespmem:s18+$0x1C10]  }
0x338: {  	v17 =	vadd.f32 v18, v17;
	v18 =	vld [tilespmem:s18+$0x1B90];
	[tilespmem:v42+s29+$0x0] =	vst.idx.msk $0xffff, v24  }
0x339: {  	v55 =	vadd.s32 v1, v6;
	v22 =	vld [tilespmem:s18+$0xFFFFE460]  }
0x33a: {  	v51 =	vadd.s32 v1, v4;
	v16 =	vadd.f32 v16, v21;
	v46 =	vld [tilespmem:s18+$0x60]  }
0x33b: {  	v19 =	vld [tilespmem:s18+$0x1BD0];
	v11 =	vadd.f32 v11, v27  }
0x33c: {  	v47 =	vadd.s32 v2, v9;
	v48 =	vld [tilespmem:s18+$0x1C60];
	v14 =	vadd.f32 v14, v16  }
0x33d: {  	v49 =	vadd.s32 v2, v23;
	v52 =	vld [tilespmem:s20+$0xFFFFFFF0];
	v11 =	vadd.f32 v18, v11;
	v18 =	vadd.s32 v1, v5  }
0x33e: {  	v12 =	vadd.f32 v13, v12;
	v25 =	vadd.f32 v44, v25;
	v24 =	vld [tilespmem:s20+$0xFFFFE3F0];
	[tilespmem:v55+s29+$0x0] =	vst.idx.msk $0xffff, v14  }
0x33f: {  	v17 =	vadd.f32 v20, v17;
	[tilespmem:v51+s29+$0x0] =	vst.idx.msk $0xffff, v11;
	v13 =	vld [tilespmem:s18+$0x20];
	v50 =	vadd.f32 v46, v22  }
0x340: {  	v19 =	vadd.f32 v19, v25;
	v56 =	vld [tilespmem:s18+$0xFFFFE3A0]  }
0x341: {  	[tilespmem:v47+s29+$0x0] =	vst.idx.msk $0xffff, v17;
	v16 =	vld [tilespmem:s18+$0xFFFFFFA0];
	v17 =	vadd.f32 v48, v50  }
0x342: {  	v58 =	vld [tilespmem:s18+$0x1BA0];
	[tilespmem:v18+s29+$0x0] =	vst.idx.msk $0xffff, v19  }
0x343: {  	v18 =	vld [tilespmem:s18+$0xFFFFE3E0];
	[tilespmem:v49+s29+$0x0] =	vst.idx.msk $0xffff, v17  }
0x344: {  	v10 =	vadd.s32 v3, v10;
	v54 =	vld [tilespmem:s18+$0xFFFFE470]  }
0x345: {  	v11 =	vld [tilespmem:s18+$0x70]  }
0x346: {  	v14 =	vld [tilespmem:s18+$0xFFFFFFE0]  }
0x347: {  	v12 =	vadd.f32 v15, v12;
	v57 =	vld [tilespmem:s18+$0x1C70]  }
0x348: {  	v60 =	vadd.s32 v2, v4;
	v19 =	vld [tilespmem:s18+$0xFFFFE420]  }
0x349: {  	v15 =	vadd.s32 v3, v23;
	[tilespmem:v10+s29+$0x0] =	vst.idx.msk $0xffff, v12;
	v59 =	vld [tilespmem:s18+$0x1BE0];
	v10 =	vadd.f32 v16, v56  }
0x34a: {  	v29 =	vld [tilespmem:s18+$0x1C20];
	v11 =	vadd.f32 v11, v54  }
0x34b: {  	v53 =	vld [tilespmem:s20+$0xFFFFE430];
	v16 =	vadd.s32 v2, v5;
	v10 =	vadd.f32 v58, v10  }
0x34c: {  	v63 =	vadd.s32 v3, v8;
	v17 =	vld [tilespmem:s20+$0x30];
	v12 =	vadd.f32 v14, v18;
	v11 =	vadd.f32 v57, v11  }
0x34d: {  	v62 =	vld [tilespmem:s20+$0x1BF0];
	v19 =	vadd.f32 v13, v19;
	v18 =	vadd.s32 v2, v6;
	[tilespmem:v60+s29+$0x0] =	vst.idx.msk $0xffff, v10  }
0x34e: {  	s19 =	simm.s32 $0x4340;
	v31 =	vld [tilespmem:s20+$0x1C30];
	v8 =	vadd.f32 v43, v30;
	[tilespmem:v15+s29+$0x0] =	vst.idx.msk $0xffff, v11;
	v11 =	vadd.f32 v59, v12  }
0x34f: {  	v13 =	vld [tilespmem:s19+$0xFFFFE440];
	v19 =	vadd.f32 v29, v19;
	v10 =	vadd.s32 v3, v7;
	v15 =	vadd.f32 v52, v24  }
0x350: {  	v14 =	vld [tilespmem:s19+$0x40];
	[tilespmem:v16+s29+$0x0] =	vst.idx.msk $0xffff, v11;
	v11 =	vadd.f32 v61, v8;
	v8 =	vadd.s32 v3, v9  }
0x351: {  	s25 =	simm.s32 $0xB;
	v17 =	vadd.f32 v17, v53;
	v12 =	vld [tilespmem:s19+$0xFFFFE380]  }
0x352: {  	v7 =	vmov s25;
	[tilespmem:v18+s29+$0x0] =	vst.idx.msk $0xffff, v19;
	v16 =	vld [tilespmem:s19+$0x1C40];
	v9 =	vadd.f32 v62, v15  }
0x353: {  	s5 =	simm.s32 $0xC;
	s20 =	simm.s32 $0x8;
	v7 =	vand.u32 $0x7F, v7;
	v15 =	vld [tilespmem:s19+$0xFFFFFF80];
	[tilespmem:v63+s29+$0x0] =	vst.idx.msk $0xffff, v11;
	v11 =	vadd.f32 v31, v17  }
.LBB2_17:
0x354: {  	p0 =	slt.u32 s5, $0x6C;
	v17 =	vld [tilespmem:s19+$0xFFFFE3C0];
	v18 =	vadd.s32 v0, v7;
	[tilespmem:v10+s29+$0x0] =	vst.idx.msk $0xffff, v9  }
0x355: {  	v9 =	vld [tilespmem:s19+$0xFFFFFFC0];
	v10 =	vadd.f32 v14, v13;
	[tilespmem:v8+s29+$0x0] =	vst.idx.msk $0xffff, v11  }
0x356: {  	v11 =	vld [tilespmem:s19+$0xFFFFE400]  }
0x357: {  	v13 =	vld [tilespmem:s19+$0x0];
	v10 =	vadd.f32 v16, v10  }
0x358: {  	s8 =	sadd.s32 $0x1, s20;
	v8 =	vmov s20;
	v12 =	vadd.f32 v15, v12;
	v14 =	vld [tilespmem:s19+$0x1B80]  }
0x359: {  	v8 =	vand.u32 $0x7C, v8;
	v15 =	vmov s8;
	v16 =	vld [tilespmem:s19+$0x1BC0];
	[tilespmem:v18+s29+$0x0] =	vst.idx.msk $0xffff, v10  }
0x35a: {  	v10 =	vadd.s32 v0, v8;
	v17 =	vadd.f32 v9, v17;
	v9 =	vand.u32 $0x7D, v15;
	v15 =	vld [tilespmem:s19+$0xFFFFE450]  }
0x35b: {  	s8 =	sadd.s32 $0x2, s20;
	s20 =	smov.u32 s5;
	v18 =	vadd.s32 v0, v9;
	v19 =	vld [tilespmem:s19+$0x50]  }
0x35c: {  	v20 =	vmov s8;
	v11 =	vadd.f32 v13, v11;
	v13 =	vld [tilespmem:s19+$0x1C00]  }
0x35d: {  	v20 =	vand.u32 $0x7E, v20;
	v12 =	vadd.f32 v14, v12;
	v14 =	vld [tilespmem:s19+$0x1C50]  }
0x35e: {  	v16 =	vadd.f32 v16, v17;
	v17 =	vadd.s32 v0, v20;
	v21 =	vld [tilespmem:s18+$0xFFFFE3B0]  }
0x35f: {  	[tilespmem:v10+s29+$0x0] =	vst.idx.msk $0xffff, v12;
	v10 =	vadd.s32 v1, v7;
	v12 =	vld [tilespmem:s18+$0xFFFFFFB0]  }
0x360: {  	v22 =	vld [tilespmem:s19+$0xFFFFE390];
	[tilespmem:v18+s29+$0x0] =	vst.idx.msk $0xffff, v16;
	v15 =	vadd.f32 v19, v15  }
0x361: {  	v16 =	vld [tilespmem:s19+$0xFFFFFF90];
	v11 =	vadd.f32 v13, v11  }
0x362: {  	v13 =	vld [tilespmem:s19+$0xFFFFE3D0];
	v14 =	vadd.f32 v14, v15  }
0x363: {  	v15 =	vld [tilespmem:s19+$0xFFFFFFD0];
	[tilespmem:v17+s29+$0x0] =	vst.idx.msk $0xffff, v11  }
0x364: {  	v11 =	vld [tilespmem:s19+$0xFFFFE410];
	[tilespmem:v10+s29+$0x0] =	vst.idx.msk $0xffff, v14;
	v17 =	vadd.f32 v12, v21  }
0x365: {  	v10 =	vld [tilespmem:s19+$0xFFFFE460]  }
0x366: {  	v12 =	vadd.f32 v16, v22;
	v14 =	vld [tilespmem:s19+$0x60]  }
0x367: {  	v16 =	vld [tilespmem:s19+$0x10]  }
0x368: {  	v13 =	vadd.f32 v15, v13;
	v15 =	vld [tilespmem:s19+$0x1C60]  }
0x369: {  	v18 =	vld [tilespmem:s19+$0x1B90]  }
0x36a: {  	v21 =	vadd.s32 v2, v7;
	v19 =	vld [tilespmem:s19+$0x1BD0]  }
0x36b: {  	v22 =	vadd.s32 v1, v8;
	v23 =	vld [tilespmem:s19+$0x1C10];
	v10 =	vadd.f32 v14, v10  }
0x36c: {  	v14 =	vadd.s32 v1, v9;
	v11 =	vadd.f32 v16, v11;
	v16 =	vld [tilespmem:s18+$0xFFFFE3F0]  }
0x36d: {  	v24 =	vadd.s32 v1, v20;
	v10 =	vadd.f32 v15, v10;
	v15 =	vld [tilespmem:s18+$0xFFFFFFF0]  }
0x36e: {  	v12 =	vadd.f32 v18, v12;
	v18 =	vld [tilespmem:s18+$0xFFFFE430]  }
0x36f: {  	v13 =	vadd.f32 v19, v13;
	[tilespmem:v21+s29+$0x0] =	vst.idx.msk $0xffff, v10;
	v10 =	vld [tilespmem:s18+$0x30]  }
0x370: {  	[tilespmem:v22+s29+$0x0] =	vst.idx.msk $0xffff, v12;
	v11 =	vadd.f32 v23, v11;
	v12 =	vld [tilespmem:s19+$0xFFFFE470]  }
0x371: {  	[tilespmem:v14+s29+$0x0] =	vst.idx.msk $0xffff, v13;
	v13 =	vld [tilespmem:s19+$0x70]  }
0x372: {  	v14 =	vld [tilespmem:s19+$0xFFFFE3A0];
	[tilespmem:v24+s29+$0x0] =	vst.idx.msk $0xffff, v11;
	v11 =	vadd.f32 v15, v16  }
0x373: {  	v15 =	vld [tilespmem:s19+$0x1C70]  }
0x374: {  	v16 =	vld [tilespmem:s19+$0xFFFFFFA0];
	v18 =	vadd.f32 v10, v18  }
0x375: {  	v7 =	vadd.s32 v3, v7;
	v10 =	vld [tilespmem:s19+$0xFFFFE3E0]  }
0x376: {  	v19 =	vld [tilespmem:s19+$0xFFFFFFE0];
	v12 =	vadd.f32 v13, v12  }
0x377: {  	v13 =	vld [tilespmem:s19+$0xFFFFE420]  }
0x378: {  	v21 =	vld [tilespmem:s19+$0x20];
	v12 =	vadd.f32 v15, v12  }
0x379: {  	v14 =	vadd.f32 v16, v14;
	v15 =	vld [tilespmem:s19+$0x1BA0]  }
0x37a: {  	v16 =	vld [tilespmem:s19+$0x1BE0];
	[tilespmem:v7+s29+$0x0] =	vst.idx.msk $0xffff, v12  }
0x37b: {  	v7 =	vadd.s32 v2, v8;
	v10 =	vadd.f32 v19, v10;
	v12 =	vld [tilespmem:s19+$0x1C20]  }
0x37c: {  	v19 =	vadd.s32 v2, v9;
	v22 =	vld [tilespmem:s18+$0x1BB0]  }
0x37d: {  	v23 =	vadd.s32 v2, v20;
	v21 =	vadd.f32 v21, v13;
	v24 =	vld [tilespmem:s18+$0x1BF0]  }
0x37e: {  	v25 =	vadd.s32 v3, v4;
	v4 =	vmov v8;
	v15 =	vadd.f32 v15, v14;
	v26 =	vld [tilespmem:s18+$0x1C30];
	s18 =	smov.u32 s19;
	s19 =	sadd.s32 $0x100, s19  }
.Ltmp8:
0x37f: {  	v13 =	vld [tilespmem:s19+$0xFFFFE440];
	v16 =	vadd.f32 v16, v10;
	v10 =	vadd.s32 v3, v5;
	v5 =	vmov v9;
	(pc) =	sbr.rel @p0 .LBB2_17-.Ltmp8, $4  }
0x380: {  	v8 =	vadd.s32 v3, v6;
	v6 =	vmov v20;
	v14 =	vld [tilespmem:s19+$0x40];
	[tilespmem:v7+s29+$0x0] =	vst.idx.msk $0xffff, v15;
	v7 =	vadd.f32 v12, v21  }
0x381: {  	s8 =	sadd.s32 $0x3, s5;
	v12 =	vld [tilespmem:s19+$0xFFFFE380];
	[tilespmem:v19+s29+$0x0] =	vst.idx.msk $0xffff, v16;
	v17 =	vadd.f32 v22, v17  }
0x382: {  	v19 =	vmov s8;
	v16 =	vld [tilespmem:s19+$0x1C40];
	[tilespmem:v23+s29+$0x0] =	vst.idx.msk $0xffff, v7;
	v9 =	vadd.f32 v24, v11  }
0x383: {  	s5 =	sadd.s32 $0x4, s5;
	v7 =	vand.u32 $0x7F, v19;
	v15 =	vld [tilespmem:s19+$0xFFFFFF80];
	[tilespmem:v25+s29+$0x0] =	vst.idx.msk $0xffff, v17;
	v11 =	vadd.f32 v26, v18  }
0x384: {  	v17 =	vld [tilespmem:s19+$0xFFFFE3C0]  }
0x385: {  	v19 =	vld [tilespmem:s19+$0xFFFFFFC0]  }
0x386: {  	v39 =	vld [tilespmem:s19+$0xFFFFE400]  }
0x387: {  	v20 =	vld [tilespmem:s19+$0x0]  }
0x388: {  	v21 =	vld [tilespmem:s19+$0x1B80]  }
0x389: {  	v22 =	vld [tilespmem:s19+$0x1BC0]  }
0x38a: {  	v26 =	vld [tilespmem:s19+$0x1C00]  }
0x38b: {  	v30 =	vld [tilespmem:s18+$0xFFFFE3F0]  }
0x38c: {  	v18 =	vadd.s32 v0, v7;
	v54 =	vld [tilespmem:s18+$0xFFFFFFF0]  }
0x38d: {  	v31 =	vld [tilespmem:s18+$0xFFFFE430];
	v13 =	vadd.f32 v14, v13  }
0x38e: {  	v40 =	vmov s20;
	s25 =	sadd.s32 $0x2, s20;
	v56 =	vld [tilespmem:s18+$0x30]  }
0x38f: {  	v34 =	vld [tilespmem:s18+$0x1BF0];
	v25 =	vmov s25;
	v13 =	vadd.f32 v16, v13;
	v16 =	vand.u32 $0x7C, v40  }
0x390: {  	s5 =	sadd.s32 $0x1, s20;
	v42 =	vadd.s32 v0, v16;
	v17 =	vadd.f32 v19, v17;
	v19 =	vand.u32 $0x7E, v25;
	v25 =	vld [tilespmem:s18+$0xFFFFE3B0]  }
0x391: {  	v41 =	vmov s5;
	v12 =	vadd.f32 v15, v12;
	[tilespmem:v18+s29+$0x0] =	vst.idx.msk $0xffff, v13;
	v18 =	vld [tilespmem:s18+$0xFFFFFFB0]  }
0x392: {  	v13 =	vand.u32 $0x7D, v41;
	v41 =	vld [tilespmem:s18+$0x1BB0]  }
0x393: {  	v23 =	vld [tilespmem:s19+$0xFFFFE450];
	v24 =	vadd.s32 v0, v13;
	v12 =	vadd.f32 v21, v12  }
0x394: {  	v43 =	vld [tilespmem:s19+$0x50]  }
0x395: {  	v44 =	vld [tilespmem:s19+$0x1C50];
	v45 =	vadd.s32 v0, v19;
	[tilespmem:v42+s29+$0x0] =	vst.idx.msk $0xffff, v12  }
0x396: {  	v14 =	vadd.f32 v20, v39;
	v17 =	vadd.f32 v22, v17;
	v47 =	vld [tilespmem:s19+$0xFFFFE390]  }
0x397: {  	v48 =	vld [tilespmem:s19+$0xFFFFFF90]  }
0x398: {  	v14 =	vadd.f32 v26, v14;
	v52 =	vld [tilespmem:s19+$0x1B90];
	[tilespmem:v24+s29+$0x0] =	vst.idx.msk $0xffff, v17  }
0x399: {  	v49 =	vld [tilespmem:s19+$0xFFFFE3D0]  }
0x39a: {  	v46 =	vadd.s32 v1, v7;
	[tilespmem:v45+s29+$0x0] =	vst.idx.msk $0xffff, v14;
	v50 =	vld [tilespmem:s19+$0xFFFFFFD0]  }
0x39b: {  	v15 =	vadd.f32 v43, v23;
	v14 =	vld [tilespmem:s19+$0xFFFFE410]  }
0x39c: {  	v20 =	vld [tilespmem:s19+$0x10]  }
0x39d: {  	v53 =	vadd.s32 v1, v16;
	v27 =	vld [tilespmem:s19+$0x1BD0];
	v15 =	vadd.f32 v44, v15  }
0x39e: {  	v29 =	vld [tilespmem:s19+$0x1C10];
	v17 =	vadd.f32 v48, v47  }
0x39f: {  	v44 =	vld [tilespmem:s18+$0x1C30];
	[tilespmem:v46+s29+$0x0] =	vst.idx.msk $0xffff, v15  }
0x3a0: {  	v55 =	vadd.s32 v1, v13;
	v12 =	vld [tilespmem:s19+$0xFFFFE460];
	v17 =	vadd.f32 v52, v17  }
0x3a1: {  	v15 =	vld [tilespmem:s19+$0x60];
	v21 =	vadd.f32 v50, v49  }
0x3a2: {  	v57 =	vadd.s32 v1, v19;
	v51 =	vld [tilespmem:s19+$0x1C60];
	[tilespmem:v53+s29+$0x0] =	vst.idx.msk $0xffff, v17  }
0x3a3: {  	v14 =	vadd.f32 v20, v14;
	v59 =	vadd.f32 v27, v21;
	v17 =	vld [tilespmem:s19+$0xFFFFE3A0]  }
0x3a4: {  	v61 =	vld [tilespmem:s19+$0xFFFFFFA0]  }
0x3a5: {  	v14 =	vadd.f32 v29, v14;
	v36 =	vld [tilespmem:s19+$0x1BA0];
	[tilespmem:v55+s29+$0x0] =	vst.idx.msk $0xffff, v59  }
0x3a6: {  	v28 =	vadd.s32 v2, v7;
	v62 =	vld [tilespmem:s19+$0xFFFFE3E0]  }
0x3a7: {  	v12 =	vadd.f32 v15, v12;
	[tilespmem:v57+s29+$0x0] =	vst.idx.msk $0xffff, v14;
	v63 =	vld [tilespmem:s19+$0xFFFFFFE0]  }
0x3a8: {  	v23 =	vld [tilespmem:s19+$0xFFFFE420]  }
0x3a9: {  	v39 =	vadd.s32 v2, v16;
	v37 =	vld [tilespmem:s19+$0x20];
	v12 =	vadd.f32 v51, v12  }
0x3aa: {  	v38 =	vld [tilespmem:s19+$0x1BE0];
	v17 =	vadd.f32 v61, v17  }
0x3ab: {  	v40 =	vld [tilespmem:s19+$0x1C20];
	[tilespmem:v28+s29+$0x0] =	vst.idx.msk $0xffff, v12  }
0x3ac: {  	v33 =	vadd.s32 v2, v13;
	v58 =	vld [tilespmem:s19+$0xFFFFE470];
	v17 =	vadd.f32 v36, v17  }
0x3ad: {  	v60 =	vld [tilespmem:s19+$0x70];
	v14 =	vadd.f32 v63, v62  }
0x3ae: {  	v42 =	vadd.s32 v2, v19;
	v32 =	vld [tilespmem:s19+$0x1C70];
	[tilespmem:v39+s29+$0x0] =	vst.idx.msk $0xffff, v17  }
0x3af: {  	v43 =	vadd.f32 v37, v23;
	v14 =	vadd.f32 v38, v14;
	v45 =	vld [tilespmem:s19+$0xFFFFE3B0]  }
0x3b0: {  	v46 =	vld [tilespmem:s19+$0xFFFFFFB0]  }
0x3b1: {  	v4 =	vadd.s32 v3, v4;
	v17 =	vadd.f32 v40, v43;
	v55 =	vld [tilespmem:s19+$0x1BB0];
	[tilespmem:v33+s29+$0x0] =	vst.idx.msk $0xffff, v14  }
0x3b2: {  	v5 =	vadd.s32 v3, v5;
	v52 =	vadd.f32 v18, v25;
	v47 =	vld [tilespmem:s19+$0xFFFFE3F0]  }
0x3b3: {  	v54 =	vadd.f32 v54, v30;
	[tilespmem:v42+s29+$0x0] =	vst.idx.msk $0xffff, v17;
	v49 =	vld [tilespmem:s19+$0xFFFFFFF0]  }
0x3b4: {  	[tilespmem:v8+s29+$0x0] =	vst.idx.msk $0xffff, v11;
	v8 =	vadd.f32 v41, v52;
	v51 =	vld [tilespmem:s19+$0xFFFFE430]  }
0x3b5: {  	[tilespmem:v10+s29+$0x0] =	vst.idx.msk $0xffff, v9;
	v6 =	vadd.s32 v3, v6;
	v57 =	vadd.f32 v34, v54;
	v53 =	vld [tilespmem:s19+$0x30]  }
0x3b6: {  	v48 =	vadd.s32 v3, v7;
	[tilespmem:v4+s29+$0x0] =	vst.idx.msk $0xffff, v8;
	v12 =	vadd.f32 v56, v31;
	v56 =	vld [tilespmem:s19+$0x1BF0]  }
0x3b7: {  	[tilespmem:v5+s29+$0x0] =	vst.idx.msk $0xffff, v57;
	v50 =	vadd.f32 v60, v58;
	v58 =	vadd.s32 v3, v16;
	v59 =	vld [tilespmem:s19+$0x1C30]  }
0x3b8: {  	v12 =	vadd.f32 v44, v12;
	v60 =	vadd.s32 v3, v13;
	v4 =	vadd.f32 v46, v45  }
0x3b9: {  	v62 =	vadd.s32 v3, v19;
	v9 =	vadd.f32 v32, v50;
	v61 =	vadd.f32 v49, v47  }
0x3ba: {  	[tilespmem:v6+s29+$0x0] =	vst.idx.msk $0xffff, v12;
	v5 =	vadd.f32 v53, v51;
	v4 =	vadd.f32 v55, v4  }
0x3bb: {  	[tilespmem:v48+s29+$0x0] =	vst.idx.msk $0xffff, v9;
	v63 =	vadd.f32 v56, v61  }
0x3bc: {  	[tilespmem:v58+s29+$0x0] =	vst.idx.msk $0xffff, v4;
	v4 =	vadd.f32 v59, v5  }
0x3bd: {  	s20 =	sadd.s32 $0x0, s7;
	[tilespmem:v60+s29+$0x0] =	vst.idx.msk $0xffff, v63  }
0x3be: {  	s5 =	simm.s32 $0x120C0;
	s18 =	simm.s32 $0x62;
	s19 =	simm.s32 $0x12138;
	[tilespmem:v62+s29+$0x0] =	vst.idx.msk $0xffff, v4  }
.LBB2_19:
0x3bf: {  	[hbm4b:s20+s3] =	stream.linear.scatter [tilespmem:s5], [sflag:$0x4], $0x70, $0x38;
	[tilespmem:$0x17AC0] =	vst v63  }
0x3c0: {  	s8 =	smov.u32 s18;
	s5 =	smov.u32 s19;
	p0 =	sne.s32 s18, $0x181E  }
.Ltmp9:
0x3c1: {  	s18 =	sadd.s32 $0x62, s18;
	(pc) =	sbr.rel @p0 .LBB2_19-.Ltmp9, $2  }
0x3c2: {  	_ =	sdelay $0x2  }
0x3c3: {  	s19 =	sadd.s32 $0x78, s19;
	s20 =	sadd.s32 s8, s7  }
0x3c4: {  	[hbm4b:s20+s3] =	stream.linear.scatter [tilespmem:s5], [sflag:$0x4], $0x70, $0x38;
	[tilespmem:$0x17AC0] =	vst v63  }
0x3c5: {  	_ =	swait.ge [sflag:s14], $0x1C00  }
0x3c6: {  	[sflag:s14] =	ssyncset.done $0x0  }
0x3c7: {  	[sflag:s14] =	ssyncadd.s32 $0xFFFFE400  }
0x3c8: {  	_ =	swait.ge [sflag:s16], $0x1C00  }
0x3c9: {  	[sflag:s16] =	ssyncset.done $0x0  }
0x3ca: {  	[sflag:s16] =	ssyncadd.s32 $0xFFFFE400  }
0x3cb: {  	_ =	swait.ge [sflag:s12], $0x1C00  }
0x3cc: {  	s17 =	sadd.s32 $0x1, s17;
	s25 =	rddreg [dreg:$0x5]  }
0x3cd: {  	p0 =	sne.s32 s17, s25  }
.Ltmp10:
0x3ce: {  	_ = 	snop;
	(pc) =	sbr.rel @p0 .LBB2_1-.Ltmp10, $3  }
0x3cf: {  	_ =	sdelay $0x1  }
0x3d0: {  	[sflag:s12] =	ssyncset.done $0x0  }
0x3d1: {  	[sflag:s12] =	ssyncadd.s32 $0xFFFFE400  }
0x3d2: {  	_ =	sfence.sel $0x180000  }
0x3d3: {  	[bflag:$0x0] =	sbarrier.arrive $0xFFFF  }
0x3d4: {  	_ =	strace $0x90000047  }
0x3d5: {  	s0 =	stileid.u32;
	[bflag:$0x2] =	sbarrier.arrive $0xFFFF  }
0x3d6: {  	p0 =	sne.s32 s0, $0x0;
	s0 =	rddreg [dreg:$0x3]  }
0x3d7: {  	s0 =	sadd.s32 @!p0 $0x100000, s0  }
0x3d8: {  	[sflag:s0] =	ssyncadd.tile.s32 @!p0 $0x1;
	_ =	shalt  }
.Lfunc_end2:
_tile_overlayer_lowered:
.L_overlay_start_2:
0x3d9: {  	(tag) =	ssettag $0x2  }
0x3da: {  	s0 =	rddreg [dreg:$0x0];
	s2 =	stileid.u32  }
0x3db: {  	s1 =	rddreg [dreg:$0x1];
	p0 =	sne.s32 s2, $0x0  }
0x3dc: {  	s3 =	rddreg [dreg:$0x2];
	[bflag:$0x3] =	sbarrier.arrive $0xFFFF;
	s2 =	simm.s32 @!p0 $0x1C07  }
0x3dd: {  	[timem:s3], [sflag:s2] =	dma.local @!p0 [hbm:s0], s1  }
0x3de: {  	s0 =	simm.s32 @!p0 $0x7  }
0x3df: {  	_ =	swait.ge @!p0 [sflag:s0], s1  }
0x3e0: {  	s1 =	ssub.s32 @!p0 $0x0, s1;
	[sflag:s0] =	ssyncset.done @!p0 $0x0  }
0x3e1: {  	[sflag:s0] =	ssyncadd.s32 @!p0 s1  }
0x3e2: {  	[bflag:$0x3] =	sbarrier.arrive $0xFFFF  }
0x3e3: {  	_ =	shalt  }

</sc_bundles>
